<compile_context>
chip_gen: v7x
topology: tpu7x:2x2x1
jax: 0.10.2.dev20260603
libtpu: 0.0.44.dev20260713+nightly
codegen_flags: <defaults>
</compile_context>

<pallas_src>
import functools

import jax
import jax.numpy as jnp
from jax import lax
from jax.experimental import pallas as pl
from jax.experimental.pallas import tpu as pltpu
from jax.experimental.pallas import tpu_sc as plsc

RANK = 32
EMBED_DIM = 128

_NC = 2
_NS = 16
_NW = _NC * _NS

ROWS_PER_GATHER = 128
GATHERS_PER_STEP = 8
CHUNK_STEPS = (32, 96, 160, 224, 288)
MM_BLK = 2048


def _sc_gather(idx2d, table, n_rows128):
    steps_per_worker = n_rows128 // (_NW * GATHERS_PER_STEP)
    n_steps = n_rows128 // GATHERS_PER_STEP
    mesh = plsc.VectorSubcoreMesh(core_axis_name="c", subcore_axis_name="s")

    @functools.partial(
        pl.kernel,
        mesh=mesh,
        out_type=jax.ShapeDtypeStruct(
            (n_steps, GATHERS_PER_STEP, ROWS_PER_GATHER, RANK), jnp.float32),
        scratch_types=[
            pltpu.VMEM((GATHERS_PER_STEP, ROWS_PER_GATHER), jnp.int32),
            pltpu.VMEM((GATHERS_PER_STEP, ROWS_PER_GATHER, RANK), jnp.float32),
            pltpu.SemaphoreType.DMA,
        ],
        compiler_params=pltpu.CompilerParams(use_tc_tiling_on_sc=False),
    )
    def gather_kernel(idx_hbm, table_hbm, h_hbm, idx_v, rows_v, sem):
        wid = lax.axis_index("s") * _NC + lax.axis_index("c")
        step0 = wid * steps_per_worker

        def step(g, carry):
            s = step0 + g
            pltpu.sync_copy(
                idx_hbm.at[pl.ds(s * GATHERS_PER_STEP, GATHERS_PER_STEP)],
                idx_v)
            copies = []
            for j in range(GATHERS_PER_STEP):
                copies.append(
                    pltpu.async_copy(table_hbm.at[idx_v.at[j]], rows_v.at[j],
                                     sem))
            for c in copies:
                c.wait()
            pltpu.sync_copy(rows_v, h_hbm.at[s])
            return carry

        lax.fori_loop(0, steps_per_worker, step, 0)

    return gather_kernel(idx2d, table)


def _tc_pack_table(lora_a):
    v = lora_a.shape[0]
    at = lora_a.T
    blk_cols = 8192
    grid = -(-v // blk_cols)
    out_rows = grid * (blk_cols // 4)

    def pack_body(a_ref, o_ref):
        xt = a_ref[...].T
        x3 = xt.reshape(blk_cols // 4, 4, RANK)
        o_ref[...] = jnp.concatenate([x3[:, k, :] for k in range(4)], axis=1)

    pack = pl.pallas_call(
        pack_body,
        grid=(grid,),
        in_specs=[pl.BlockSpec((RANK, blk_cols), lambda i: (0, i))],
        out_specs=pl.BlockSpec((blk_cols // 4, 128), lambda i: (i, 0)),
        out_shape=jax.ShapeDtypeStruct((out_rows, 128), jnp.float32),
    )(at)
    return pack.reshape(out_rows * 4, RANK)


def _tc_matmul_chunk(h2c, wcat, out_prev, blk0, q_rows, n):
    nb = q_rows // MM_BLK

    def mm_body(h_ref, w_ref, o_ref):
        cat = jax.lax.dot_general(
            h_ref[...], w_ref[...], (((1,), (0,)), ((), ())),
            preferred_element_type=jnp.float32)
        o_ref[...] = cat.reshape(4 * MM_BLK, EMBED_DIM)

    in_specs = [
        pl.BlockSpec((MM_BLK, 128), lambda j: (j, 0)),
        pl.BlockSpec((128, 512), lambda j: (0, 0)),
    ]
    out_spec = pl.BlockSpec((4 * MM_BLK, EMBED_DIM), lambda j: (blk0 + j, 0))
    out_sds = jax.ShapeDtypeStruct((n, EMBED_DIM), jnp.float32)

    if out_prev is None:
        return pl.pallas_call(
            mm_body,
            grid=(nb,),
            in_specs=in_specs,
            out_specs=out_spec,
            out_shape=out_sds,
        )(h2c, wcat)

    def mm_body_acc(h_ref, w_ref, prev_ref, o_ref):
        del prev_ref
        mm_body(h_ref, w_ref, o_ref)

    return pl.pallas_call(
        mm_body_acc,
        grid=(nb,),
        in_specs=in_specs + [pl.BlockSpec(memory_space=pl.ANY)],
        out_specs=out_spec,
        out_shape=out_sds,
        input_output_aliases={2: 0},
    )(h2c, wcat, out_prev)


def kernel(x, lora_a, lora_b):
    batch, seq = x.shape
    n = batch * seq
    x_flat = x.reshape(n).astype(jnp.int32)
    table_lin = _tc_pack_table(lora_a)
    b_t = lora_b.T.astype(jnp.float32)
    wcat = jnp.zeros((128, 4 * EMBED_DIM), jnp.float32)
    for k in range(4):
        wcat = wcat.at[k * RANK:(k + 1) * RANK,
                       k * EMBED_DIM:(k + 1) * EMBED_DIM].set(b_t)

    out = None
    row0 = 0
    for steps in CHUNK_STEPS:
        chunk_rows = steps * GATHERS_PER_STEP * ROWS_PER_GATHER
        q_rows = chunk_rows // 4
        nr128 = chunk_rows // ROWS_PER_GATHER
        xc = lax.dynamic_slice(x_flat, (row0,), (chunk_rows,))
        idx2d = xc.reshape(nr128, ROWS_PER_GATHER)
        h4 = _sc_gather(idx2d, table_lin, nr128)
        h2c = h4.reshape(q_rows, 128)
        out = _tc_matmul_chunk(h2c, wcat, out, row0 // (4 * MM_BLK), q_rows, n)
        row0 += chunk_rows
    return out.reshape(batch, seq, EMBED_DIM)

# --- scband reference (transcript-rebuilt; emitter-appended) ---
"""Pipeline reference for scband-quant-embedding-low-rank-adapter-60258391162948 (READ-ONLY COPY).

The authoritative reference and input builder live on the scoring server;
editing this copy changes nothing except your own understanding.
"""

import jax, jax.numpy as jnp
import numpy as np

NUM_EMBEDDINGS = 1000000
EMBEDDING_DIM = 128
RANK = 32

def setup_inputs(seed=0) -> dict:
    key = jax.random.key(seed)
    k1, k2, k3 = jax.random.split(key, 3)
    x = jax.random.randint(k1, (4096, 200), 0, NUM_EMBEDDINGS, dtype=jnp.int64 if jax.config.jax_enable_x64 else jnp.int32)
    # lora_a: dequantized low-rank embedding table (num_embeddings, rank)
    lora_a = jax.random.normal(k2, (NUM_EMBEDDINGS, RANK), dtype=jnp.float32) * 0.02
    # lora_b: dequantized up-projection weight (embedding_dim, rank), used as F.linear weight
    lora_b = jax.random.normal(k3, (EMBEDDING_DIM, RANK), dtype=jnp.float32) * 0.02
    return {"x": x, "lora_a": lora_a, "lora_b": lora_b}

def reference(x, lora_a, lora_b):
    # F.embedding(x, lora_a) -> gather rows of the low-rank table
    h = jnp.take(lora_a, x, axis=0)          # [B, L, rank]
    # F.linear(h, lora_b) -> h @ lora_b.T
    out = jnp.einsum('blr,er->ble', h, lora_b)  # [B, L, embedding_dim]
    return out

if __name__ == "__main__":
    import jax
    _d = setup_inputs()
    print(jax.jit(kernel)(*tuple(_d.values())))

</pallas_src>

<mosaic_0001>
#map = affine_map<(d0, d1) -> (0, 0)>
#map1 = affine_map<(d0, d1) -> (0, 0, 0, 0)>
module attributes {stable_mosaic.version = 14 : i64} {
  func.func @gather_kernel(%arg0: i32, %arg1: i32, %arg2: memref<768x128xi32, #tpu.memory_space<hbm>>, %arg3: memref<1007616x32xf32, #tpu.memory_space<hbm>>, %arg4: memref<96x8x128x32xf32, #tpu.memory_space<hbm>>, %arg5: memref<8x128xi32, #tpu.memory_space<vmem>>, %arg6: memref<8x128x32xf32, #tpu.memory_space<vmem>>, %arg7: memref<!tpu.dma_semaphore, #tpu.memory_space<semaphore_mem>>) attributes {dimension_semantics = [#tpu.dimension_semantics<core_parallel>, #tpu.dimension_semantics<subcore_parallel>], iteration_bounds = array<i64: 2, 16>, scalar_prefetch = 0 : i64, scratch_operands = 3 : i64, tpu.core_type = #tpu.core_type<sc_vector_subcore>, window_params = [{transform_indices = #map}, {transform_indices = #map}, {transform_indices = #map1}]} {
    %mul3A = arith.constant 2 : i32
    %mul3A_0 = arith.muli %arg1, %mul3A : i32
    %add3A = arith.addi %mul3A_0, %arg0 : i32
    %mul3A_1 = arith.constant 3 : i32
    %mul3A_2 = arith.muli %add3A, %mul3A_1 : i32
    %scan3A = arith.constant 0 : i32
    %scan3A_3 = arith.constant 0 : i32
    %scan3A_4 = arith.constant 3 : i32
    %scan3A_5 = arith.addi %scan3A_3, %scan3A_4 : i32
    %scan3A_6 = arith.constant 1 : i32
    scf.for %scan3A_8 = %scan3A_3 to %scan3A_5 step %scan3A_6  : i32 {
      %add3A_9 = arith.addi %mul3A_2, %scan3A_8 : i32
      %mul3A_10 = arith.constant 8 : i32
      %mul3A_11 = arith.muli %add3A_9, %mul3A_10 : i32
      "tpu.region"() ({
        %run_scoped3A = tpu.sem_alloc : memref<!tpu.dma_semaphore, #tpu.memory_space<semaphore_mem>>
        %dma_start3A_202 = arith.constant 0 : i32
        %dma_start3A_203 = tpu.memref_slice %arg2[%mul3A_11, %dma_start3A_202] : memref<768x128xi32, #tpu.memory_space<hbm>> -> memref<8x128xi32, #tpu.memory_space<hbm>>
        %dma_start3A_204 = arith.constant 0 : i32
        %dma_start3A_205 = tpu.memref_slice %arg2[%mul3A_11, %dma_start3A_204] : memref<768x128xi32, #tpu.memory_space<hbm>> -> memref<8x128xi32, #tpu.memory_space<hbm>>
        tpu.enqueue_dma source(%dma_start3A_205 : memref<8x128xi32, #tpu.memory_space<hbm>>) target(%arg5 : memref<8x128xi32, #tpu.memory_space<vmem>>) target_semaphore(%run_scoped3A : memref<!tpu.dma_semaphore, #tpu.memory_space<semaphore_mem>>)
        %dma_wait3A_206 = arith.constant 0 : i32
        %dma_wait3A_207 = tpu.memref_slice %arg2[%mul3A_11, %dma_wait3A_206] : memref<768x128xi32, #tpu.memory_space<hbm>> -> memref<8x128xi32, #tpu.memory_space<hbm>>
        %dma_wait3A_208 = arith.constant 0 : i32
        %dma_wait3A_209 = tpu.memref_slice %arg2[%mul3A_11, %dma_wait3A_208] : memref<768x128xi32, #tpu.memory_space<hbm>> -> memref<8x128xi32, #tpu.memory_space<hbm>>
        tpu.wait_dma2 semaphore(%run_scoped3A : memref<!tpu.dma_semaphore, #tpu.memory_space<semaphore_mem>>) src(%dma_wait3A_209 : memref<8x128xi32, #tpu.memory_space<hbm>>) dst(%arg5 : memref<8x128xi32, #tpu.memory_space<vmem>>)
        tpu.yield
      }) : () -> ()
      %dma_start3A = arith.constant 0 : i32
      %dma_start3A_12 = arith.constant 0 : i32
      %dma_start3A_13 = arith.constant 0 : i32
      %dma_start3A_14 = arith.constant 0 : i32
      %dma_start3A_15 = tpu.memref_slice %arg6[%dma_start3A_12, %dma_start3A_13, %dma_start3A_14] : memref<8x128x32xf32, #tpu.memory_space<vmem>> -> memref<1x128x32xf32, #tpu.memory_space<vmem>>
      %dma_start3A_16 = tpu.memref_squeeze %dma_start3A_15 : memref<1x128x32xf32, #tpu.memory_space<vmem>> -> memref<128x32xf32, #tpu.memory_space<vmem>>
      %dma_start3A_17 = arith.constant 0 : i32
      %dma_start3A_18 = tpu.memref_slice %arg5[%dma_start3A, %dma_start3A_17] : memref<8x128xi32, #tpu.memory_space<vmem>> -> memref<1x128xi32, #tpu.memory_space<vmem>>
      %dma_start3A_19 = tpu.memref_squeeze %dma_start3A_18 : memref<1x128xi32, #tpu.memory_space<vmem>> -> memref<128xi32, #tpu.memory_space<vmem>>
      %dma_start3A_20 = arith.constant 0 : i32
      %dma_start3A_21 = arith.constant 0 : i32
      %dma_start3A_22 = tpu.memref_slice %arg3[%dma_start3A_20, %dma_start3A_21] : memref<1007616x32xf32, #tpu.memory_space<hbm>> -> memref<1007616x32xf32, #tpu.memory_space<hbm>>
      tpu.enqueue_indirect_dma source(%dma_start3A_22 : memref<1007616x32xf32, #tpu.memory_space<hbm>>) target(%dma_start3A_16 : memref<128x32xf32, #tpu.memory_space<vmem>>) offsets(%dma_start3A_19 : memref<128xi32, #tpu.memory_space<vmem>>) semaphore(%arg7 : memref<!tpu.dma_semaphore, #tpu.memory_space<semaphore_mem>>)
      %dma_start3A_23 = arith.constant 1 : i32
      %dma_start3A_24 = arith.constant 1 : i32
      %dma_start3A_25 = arith.constant 0 : i32
      %dma_start3A_26 = arith.constant 0 : i32
      %dma_start3A_27 = tpu.memref_slice %arg6[%dma_start3A_24, %dma_start3A_25, %dma_start3A_26] : memref<8x128x32xf32, #tpu.memory_space<vmem>> -> memref<1x128x32xf32, #tpu.memory_space<vmem>>
      %dma_start3A_28 = tpu.memref_squeeze %dma_start3A_27 : memref<1x128x32xf32, #tpu.memory_space<vmem>> -> memref<128x32xf32, #tpu.memory_space<vmem>>
      %dma_start3A_29 = arith.constant 0 : i32
      %dma_start3A_30 = tpu.memref_slice %arg5[%dma_start3A_23, %dma_start3A_29] : memref<8x128xi32, #tpu.memory_space<vmem>> -> memref<1x128xi32, #tpu.memory_space<vmem>>
      %dma_start3A_31 = tpu.memref_squeeze %dma_start3A_30 : memref<1x128xi32, #tpu.memory_space<vmem>> -> memref<128xi32, #tpu.memory_space<vmem>>
      %dma_start3A_32 = arith.constant 0 : i32
      %dma_start3A_33 = arith.constant 0 : i32
      %dma_start3A_34 = tpu.memref_slice %arg3[%dma_start3A_32, %dma_start3A_33] : memref<1007616x32xf32, #tpu.memory_space<hbm>> -> memref<1007616x32xf32, #tpu.memory_space<hbm>>
      tpu.enqueue_indirect_dma source(%dma_start3A_34 : memref<1007616x32xf32, #tpu.memory_space<hbm>>) target(%dma_start3A_28 : memref<128x32xf32, #tpu.memory_space<vmem>>) offsets(%dma_start3A_31 : memref<128xi32, #tpu.memory_space<vmem>>) semaphore(%arg7 : memref<!tpu.dma_semaphore, #tpu.memory_space<semaphore_mem>>)
      %dma_start3A_35 = arith.constant 2 : i32
      %dma_start3A_36 = arith.constant 2 : i32
      %dma_start3A_37 = arith.constant 0 : i32
      %dma_start3A_38 = arith.constant 0 : i32
      %dma_start3A_39 = tpu.memref_slice %arg6[%dma_start3A_36, %dma_start3A_37, %dma_start3A_38] : memref<8x128x32xf32, #tpu.memory_space<vmem>> -> memref<1x128x32xf32, #tpu.memory_space<vmem>>
      %dma_start3A_40 = tpu.memref_squeeze %dma_start3A_39 : memref<1x128x32xf32, #tpu.memory_space<vmem>> -> memref<128x32xf32, #tpu.memory_space<vmem>>
      %dma_start3A_41 = arith.constant 0 : i32
      %dma_start3A_42 = tpu.memref_slice %arg5[%dma_start3A_35, %dma_start3A_41] : memref<8x128xi32, #tpu.memory_space<vmem>> -> memref<1x128xi32, #tpu.memory_space<vmem>>
      %dma_start3A_43 = tpu.memref_squeeze %dma_start3A_42 : memref<1x128xi32, #tpu.memory_space<vmem>> -> memref<128xi32, #tpu.memory_space<vmem>>
      %dma_start3A_44 = arith.constant 0 : i32
      %dma_start3A_45 = arith.constant 0 : i32
      %dma_start3A_46 = tpu.memref_slice %arg3[%dma_start3A_44, %dma_start3A_45] : memref<1007616x32xf32, #tpu.memory_space<hbm>> -> memref<1007616x32xf32, #tpu.memory_space<hbm>>
      tpu.enqueue_indirect_dma source(%dma_start3A_46 : memref<1007616x32xf32, #tpu.memory_space<hbm>>) target(%dma_start3A_40 : memref<128x32xf32, #tpu.memory_space<vmem>>) offsets(%dma_start3A_43 : memref<128xi32, #tpu.memory_space<vmem>>) semaphore(%arg7 : memref<!tpu.dma_semaphore, #tpu.memory_space<semaphore_mem>>)
      %dma_start3A_47 = arith.constant 3 : i32
      %dma_start3A_48 = arith.constant 3 : i32
      %dma_start3A_49 = arith.constant 0 : i32
      %dma_start3A_50 = arith.constant 0 : i32
      %dma_start3A_51 = tpu.memref_slice %arg6[%dma_start3A_48, %dma_start3A_49, %dma_start3A_50] : memref<8x128x32xf32, #tpu.memory_space<vmem>> -> memref<1x128x32xf32, #tpu.memory_space<vmem>>
      %dma_start3A_52 = tpu.memref_squeeze %dma_start3A_51 : memref<1x128x32xf32, #tpu.memory_space<vmem>> -> memref<128x32xf32, #tpu.memory_space<vmem>>
      %dma_start3A_53 = arith.constant 0 : i32
      %dma_start3A_54 = tpu.memref_slice %arg5[%dma_start3A_47, %dma_start3A_53] : memref<8x128xi32, #tpu.memory_space<vmem>> -> memref<1x128xi32, #tpu.memory_space<vmem>>
      %dma_start3A_55 = tpu.memref_squeeze %dma_start3A_54 : memref<1x128xi32, #tpu.memory_space<vmem>> -> memref<128xi32, #tpu.memory_space<vmem>>
      %dma_start3A_56 = arith.constant 0 : i32
      %dma_start3A_57 = arith.constant 0 : i32
      %dma_start3A_58 = tpu.memref_slice %arg3[%dma_start3A_56, %dma_start3A_57] : memref<1007616x32xf32, #tpu.memory_space<hbm>> -> memref<1007616x32xf32, #tpu.memory_space<hbm>>
      tpu.enqueue_indirect_dma source(%dma_start3A_58 : memref<1007616x32xf32, #tpu.memory_space<hbm>>) target(%dma_start3A_52 : memref<128x32xf32, #tpu.memory_space<vmem>>) offsets(%dma_start3A_55 : memref<128xi32, #tpu.memory_space<vmem>>) semaphore(%arg7 : memref<!tpu.dma_semaphore, #tpu.memory_space<semaphore_mem>>)
      %dma_start3A_59 = arith.constant 4 : i32
      %dma_start3A_60 = arith.constant 4 : i32
      %dma_start3A_61 = arith.constant 0 : i32
      %dma_start3A_62 = arith.constant 0 : i32
      %dma_start3A_63 = tpu.memref_slice %arg6[%dma_start3A_60, %dma_start3A_61, %dma_start3A_62] : memref<8x128x32xf32, #tpu.memory_space<vmem>> -> memref<1x128x32xf32, #tpu.memory_space<vmem>>
      %dma_start3A_64 = tpu.memref_squeeze %dma_start3A_63 : memref<1x128x32xf32, #tpu.memory_space<vmem>> -> memref<128x32xf32, #tpu.memory_space<vmem>>
      %dma_start3A_65 = arith.constant 0 : i32
      %dma_start3A_66 = tpu.memref_slice %arg5[%dma_start3A_59, %dma_start3A_65] : memref<8x128xi32, #tpu.memory_space<vmem>> -> memref<1x128xi32, #tpu.memory_space<vmem>>
      %dma_start3A_67 = tpu.memref_squeeze %dma_start3A_66 : memref<1x128xi32, #tpu.memory_space<vmem>> -> memref<128xi32, #tpu.memory_space<vmem>>
      %dma_start3A_68 = arith.constant 0 : i32
      %dma_start3A_69 = arith.constant 0 : i32
      %dma_start3A_70 = tpu.memref_slice %arg3[%dma_start3A_68, %dma_start3A_69] : memref<1007616x32xf32, #tpu.memory_space<hbm>> -> memref<1007616x32xf32, #tpu.memory_space<hbm>>
      tpu.enqueue_indirect_dma source(%dma_start3A_70 : memref<1007616x32xf32, #tpu.memory_space<hbm>>) target(%dma_start3A_64 : memref<128x32xf32, #tpu.memory_space<vmem>>) offsets(%dma_start3A_67 : memref<128xi32, #tpu.memory_space<vmem>>) semaphore(%arg7 : memref<!tpu.dma_semaphore, #tpu.memory_space<semaphore_mem>>)
      %dma_start3A_71 = arith.constant 5 : i32
      %dma_start3A_72 = arith.constant 5 : i32
      %dma_start3A_73 = arith.constant 0 : i32
      %dma_start3A_74 = arith.constant 0 : i32
      %dma_start3A_75 = tpu.memref_slice %arg6[%dma_start3A_72, %dma_start3A_73, %dma_start3A_74] : memref<8x128x32xf32, #tpu.memory_space<vmem>> -> memref<1x128x32xf32, #tpu.memory_space<vmem>>
      %dma_start3A_76 = tpu.memref_squeeze %dma_start3A_75 : memref<1x128x32xf32, #tpu.memory_space<vmem>> -> memref<128x32xf32, #tpu.memory_space<vmem>>
      %dma_start3A_77 = arith.constant 0 : i32
      %dma_start3A_78 = tpu.memref_slice %arg5[%dma_start3A_71, %dma_start3A_77] : memref<8x128xi32, #tpu.memory_space<vmem>> -> memref<1x128xi32, #tpu.memory_space<vmem>>
      %dma_start3A_79 = tpu.memref_squeeze %dma_start3A_78 : memref<1x128xi32, #tpu.memory_space<vmem>> -> memref<128xi32, #tpu.memory_space<vmem>>
      %dma_start3A_80 = arith.constant 0 : i32
      %dma_start3A_81 = arith.constant 0 : i32
      %dma_start3A_82 = tpu.memref_slice %arg3[%dma_start3A_80, %dma_start3A_81] : memref<1007616x32xf32, #tpu.memory_space<hbm>> -> memref<1007616x32xf32, #tpu.memory_space<hbm>>
      tpu.enqueue_indirect_dma source(%dma_start3A_82 : memref<1007616x32xf32, #tpu.memory_space<hbm>>) target(%dma_start3A_76 : memref<128x32xf32, #tpu.memory_space<vmem>>) offsets(%dma_start3A_79 : memref<128xi32, #tpu.memory_space<vmem>>) semaphore(%arg7 : memref<!tpu.dma_semaphore, #tpu.memory_space<semaphore_mem>>)
      %dma_start3A_83 = arith.constant 6 : i32
      %dma_start3A_84 = arith.constant 6 : i32
      %dma_start3A_85 = arith.constant 0 : i32
      %dma_start3A_86 = arith.constant 0 : i32
      %dma_start3A_87 = tpu.memref_slice %arg6[%dma_start3A_84, %dma_start3A_85, %dma_start3A_86] : memref<8x128x32xf32, #tpu.memory_space<vmem>> -> memref<1x128x32xf32, #tpu.memory_space<vmem>>
      %dma_start3A_88 = tpu.memref_squeeze %dma_start3A_87 : memref<1x128x32xf32, #tpu.memory_space<vmem>> -> memref<128x32xf32, #tpu.memory_space<vmem>>
      %dma_start3A_89 = arith.constant 0 : i32
      %dma_start3A_90 = tpu.memref_slice %arg5[%dma_start3A_83, %dma_start3A_89] : memref<8x128xi32, #tpu.memory_space<vmem>> -> memref<1x128xi32, #tpu.memory_space<vmem>>
      %dma_start3A_91 = tpu.memref_squeeze %dma_start3A_90 : memref<1x128xi32, #tpu.memory_space<vmem>> -> memref<128xi32, #tpu.memory_space<vmem>>
      %dma_start3A_92 = arith.constant 0 : i32
      %dma_start3A_93 = arith.constant 0 : i32
      %dma_start3A_94 = tpu.memref_slice %arg3[%dma_start3A_92, %dma_start3A_93] : memref<1007616x32xf32, #tpu.memory_space<hbm>> -> memref<1007616x32xf32, #tpu.memory_space<hbm>>
      tpu.enqueue_indirect_dma source(%dma_start3A_94 : memref<1007616x32xf32, #tpu.memory_space<hbm>>) target(%dma_start3A_88 : memref<128x32xf32, #tpu.memory_space<vmem>>) offsets(%dma_start3A_91 : memref<128xi32, #tpu.memory_space<vmem>>) semaphore(%arg7 : memref<!tpu.dma_semaphore, #tpu.memory_space<semaphore_mem>>)
      %dma_start3A_95 = arith.constant 7 : i32
      %dma_start3A_96 = arith.constant 7 : i32
      %dma_start3A_97 = arith.constant 0 : i32
      %dma_start3A_98 = arith.constant 0 : i32
      %dma_start3A_99 = tpu.memref_slice %arg6[%dma_start3A_96, %dma_start3A_97, %dma_start3A_98] : memref<8x128x32xf32, #tpu.memory_space<vmem>> -> memref<1x128x32xf32, #tpu.memory_space<vmem>>
      %dma_start3A_100 = tpu.memref_squeeze %dma_start3A_99 : memref<1x128x32xf32, #tpu.memory_space<vmem>> -> memref<128x32xf32, #tpu.memory_space<vmem>>
      %dma_start3A_101 = arith.constant 0 : i32
      %dma_start3A_102 = tpu.memref_slice %arg5[%dma_start3A_95, %dma_start3A_101] : memref<8x128xi32, #tpu.memory_space<vmem>> -> memref<1x128xi32, #tpu.memory_space<vmem>>
      %dma_start3A_103 = tpu.memref_squeeze %dma_start3A_102 : memref<1x128xi32, #tpu.memory_space<vmem>> -> memref<128xi32, #tpu.memory_space<vmem>>
      %dma_start3A_104 = arith.constant 0 : i32
      %dma_start3A_105 = arith.constant 0 : i32
      %dma_start3A_106 = tpu.memref_slice %arg3[%dma_start3A_104, %dma_start3A_105] : memref<1007616x32xf32, #tpu.memory_space<hbm>> -> memref<1007616x32xf32, #tpu.memory_space<hbm>>
      tpu.enqueue_indirect_dma source(%dma_start3A_106 : memref<1007616x32xf32, #tpu.memory_space<hbm>>) target(%dma_start3A_100 : memref<128x32xf32, #tpu.memory_space<vmem>>) offsets(%dma_start3A_103 : memref<128xi32, #tpu.memory_space<vmem>>) semaphore(%arg7 : memref<!tpu.dma_semaphore, #tpu.memory_space<semaphore_mem>>)
      %dma_wait3A = arith.constant 0 : i32
      %dma_wait3A_107 = arith.constant 0 : i32
      %dma_wait3A_108 = arith.constant 0 : i32
      %dma_wait3A_109 = arith.constant 0 : i32
      %dma_wait3A_110 = tpu.memref_slice %arg6[%dma_wait3A_107, %dma_wait3A_108, %dma_wait3A_109] : memref<8x128x32xf32, #tpu.memory_space<vmem>> -> memref<1x128x32xf32, #tpu.memory_space<vmem>>
      %dma_wait3A_111 = tpu.memref_squeeze %dma_wait3A_110 : memref<1x128x32xf32, #tpu.memory_space<vmem>> -> memref<128x32xf32, #tpu.memory_space<vmem>>
      %dma_wait3A_112 = arith.constant 0 : i32
      %dma_wait3A_113 = tpu.memref_slice %arg5[%dma_wait3A, %dma_wait3A_112] : memref<8x128xi32, #tpu.memory_space<vmem>> -> memref<1x128xi32, #tpu.memory_space<vmem>>
      %dma_wait3A_114 = tpu.memref_squeeze %dma_wait3A_113 : memref<1x128xi32, #tpu.memory_space<vmem>> -> memref<128xi32, #tpu.memory_space<vmem>>
      %dma_wait3A_115 = arith.constant 0 : i32
      %dma_wait3A_116 = arith.constant 0 : i32
      %dma_wait3A_117 = tpu.memref_slice %arg3[%dma_wait3A_115, %dma_wait3A_116] : memref<1007616x32xf32, #tpu.memory_space<hbm>> -> memref<1007616x32xf32, #tpu.memory_space<hbm>>
      tpu.wait_indirect_dma semaphore(%arg7 : memref<!tpu.dma_semaphore, #tpu.memory_space<semaphore_mem>>) src(%dma_wait3A_117 : memref<1007616x32xf32, #tpu.memory_space<hbm>>) dst(%dma_wait3A_111 : memref<128x32xf32, #tpu.memory_space<vmem>>)
      %dma_wait3A_118 = arith.constant 1 : i32
      %dma_wait3A_119 = arith.constant 1 : i32
      %dma_wait3A_120 = arith.constant 0 : i32
      %dma_wait3A_121 = arith.constant 0 : i32
      %dma_wait3A_122 = tpu.memref_slice %arg6[%dma_wait3A_119, %dma_wait3A_120, %dma_wait3A_121] : memref<8x128x32xf32, #tpu.memory_space<vmem>> -> memref<1x128x32xf32, #tpu.memory_space<vmem>>
      %dma_wait3A_123 = tpu.memref_squeeze %dma_wait3A_122 : memref<1x128x32xf32, #tpu.memory_space<vmem>> -> memref<128x32xf32, #tpu.memory_space<vmem>>
      %dma_wait3A_124 = arith.constant 0 : i32
      %dma_wait3A_125 = tpu.memref_slice %arg5[%dma_wait3A_118, %dma_wait3A_124] : memref<8x128xi32, #tpu.memory_space<vmem>> -> memref<1x128xi32, #tpu.memory_space<vmem>>
      %dma_wait3A_126 = tpu.memref_squeeze %dma_wait3A_125 : memref<1x128xi32, #tpu.memory_space<vmem>> -> memref<128xi32, #tpu.memory_space<vmem>>
      %dma_wait3A_127 = arith.constant 0 : i32
      %dma_wait3A_128 = arith.constant 0 : i32
      %dma_wait3A_129 = tpu.memref_slice %arg3[%dma_wait3A_127, %dma_wait3A_128] : memref<1007616x32xf32, #tpu.memory_space<hbm>> -> memref<1007616x32xf32, #tpu.memory_space<hbm>>
      tpu.wait_indirect_dma semaphore(%arg7 : memref<!tpu.dma_semaphore, #tpu.memory_space<semaphore_mem>>) src(%dma_wait3A_129 : memref<1007616x32xf32, #tpu.memory_space<hbm>>) dst(%dma_wait3A_123 : memref<128x32xf32, #tpu.memory_space<vmem>>)
      %dma_wait3A_130 = arith.constant 2 : i32
      %dma_wait3A_131 = arith.constant 2 : i32
      %dma_wait3A_132 = arith.constant 0 : i32
      %dma_wait3A_133 = arith.constant 0 : i32
      %dma_wait3A_134 = tpu.memref_slice %arg6[%dma_wait3A_131, %dma_wait3A_132, %dma_wait3A_133] : memref<8x128x32xf32, #tpu.memory_space<vmem>> -> memref<1x128x32xf32, #tpu.memory_space<vmem>>
      %dma_wait3A_135 = tpu.memref_squeeze %dma_wait3A_134 : memref<1x128x32xf32, #tpu.memory_space<vmem>> -> memref<128x32xf32, #tpu.memory_space<vmem>>
      %dma_wait3A_136 = arith.constant 0 : i32
      %dma_wait3A_137 = tpu.memref_slice %arg5[%dma_wait3A_130, %dma_wait3A_136] : memref<8x128xi32, #tpu.memory_space<vmem>> -> memref<1x128xi32, #tpu.memory_space<vmem>>
      %dma_wait3A_138 = tpu.memref_squeeze %dma_wait3A_137 : memref<1x128xi32, #tpu.memory_space<vmem>> -> memref<128xi32, #tpu.memory_space<vmem>>
      %dma_wait3A_139 = arith.constant 0 : i32
      %dma_wait3A_140 = arith.constant 0 : i32
      %dma_wait3A_141 = tpu.memref_slice %arg3[%dma_wait3A_139, %dma_wait3A_140] : memref<1007616x32xf32, #tpu.memory_space<hbm>> -> memref<1007616x32xf32, #tpu.memory_space<hbm>>
      tpu.wait_indirect_dma semaphore(%arg7 : memref<!tpu.dma_semaphore, #tpu.memory_space<semaphore_mem>>) src(%dma_wait3A_141 : memref<1007616x32xf32, #tpu.memory_space<hbm>>) dst(%dma_wait3A_135 : memref<128x32xf32, #tpu.memory_space<vmem>>)
      %dma_wait3A_142 = arith.constant 3 : i32
      %dma_wait3A_143 = arith.constant 3 : i32
      %dma_wait3A_144 = arith.constant 0 : i32
      %dma_wait3A_145 = arith.constant 0 : i32
      %dma_wait3A_146 = tpu.memref_slice %arg6[%dma_wait3A_143, %dma_wait3A_144, %dma_wait3A_145] : memref<8x128x32xf32, #tpu.memory_space<vmem>> -> memref<1x128x32xf32, #tpu.memory_space<vmem>>
      %dma_wait3A_147 = tpu.memref_squeeze %dma_wait3A_146 : memref<1x128x32xf32, #tpu.memory_space<vmem>> -> memref<128x32xf32, #tpu.memory_space<vmem>>
      %dma_wait3A_148 = arith.constant 0 : i32
      %dma_wait3A_149 = tpu.memref_slice %arg5[%dma_wait3A_142, %dma_wait3A_148] : memref<8x128xi32, #tpu.memory_space<vmem>> -> memref<1x128xi32, #tpu.memory_space<vmem>>
      %dma_wait3A_150 = tpu.memref_squeeze %dma_wait3A_149 : memref<1x128xi32, #tpu.memory_space<vmem>> -> memref<128xi32, #tpu.memory_space<vmem>>
      %dma_wait3A_151 = arith.constant 0 : i32
      %dma_wait3A_152 = arith.constant 0 : i32
      %dma_wait3A_153 = tpu.memref_slice %arg3[%dma_wait3A_151, %dma_wait3A_152] : memref<1007616x32xf32, #tpu.memory_space<hbm>> -> memref<1007616x32xf32, #tpu.memory_space<hbm>>
      tpu.wait_indirect_dma semaphore(%arg7 : memref<!tpu.dma_semaphore, #tpu.memory_space<semaphore_mem>>) src(%dma_wait3A_153 : memref<1007616x32xf32, #tpu.memory_space<hbm>>) dst(%dma_wait3A_147 : memref<128x32xf32, #tpu.memory_space<vmem>>)
      %dma_wait3A_154 = arith.constant 4 : i32
      %dma_wait3A_155 = arith.constant 4 : i32
      %dma_wait3A_156 = arith.constant 0 : i32
      %dma_wait3A_157 = arith.constant 0 : i32
      %dma_wait3A_158 = tpu.memref_slice %arg6[%dma_wait3A_155, %dma_wait3A_156, %dma_wait3A_157] : memref<8x128x32xf32, #tpu.memory_space<vmem>> -> memref<1x128x32xf32, #tpu.memory_space<vmem>>
      %dma_wait3A_159 = tpu.memref_squeeze %dma_wait3A_158 : memref<1x128x32xf32, #tpu.memory_space<vmem>> -> memref<128x32xf32, #tpu.memory_space<vmem>>
      %dma_wait3A_160 = arith.constant 0 : i32
      %dma_wait3A_161 = tpu.memref_slice %arg5[%dma_wait3A_154, %dma_wait3A_160] : memref<8x128xi32, #tpu.memory_space<vmem>> -> memref<1x128xi32, #tpu.memory_space<vmem>>
      %dma_wait3A_162 = tpu.memref_squeeze %dma_wait3A_161 : memref<1x128xi32, #tpu.memory_space<vmem>> -> memref<128xi32, #tpu.memory_space<vmem>>
      %dma_wait3A_163 = arith.constant 0 : i32
      %dma_wait3A_164 = arith.constant 0 : i32
      %dma_wait3A_165 = tpu.memref_slice %arg3[%dma_wait3A_163, %dma_wait3A_164] : memref<1007616x32xf32, #tpu.memory_space<hbm>> -> memref<1007616x32xf32, #tpu.memory_space<hbm>>
      tpu.wait_indirect_dma semaphore(%arg7 : memref<!tpu.dma_semaphore, #tpu.memory_space<semaphore_mem>>) src(%dma_wait3A_165 : memref<1007616x32xf32, #tpu.memory_space<hbm>>) dst(%dma_wait3A_159 : memref<128x32xf32, #tpu.memory_space<vmem>>)
      %dma_wait3A_166 = arith.constant 5 : i32
      %dma_wait3A_167 = arith.constant 5 : i32
      %dma_wait3A_168 = arith.constant 0 : i32
      %dma_wait3A_169 = arith.constant 0 : i32
      %dma_wait3A_170 = tpu.memref_slice %arg6[%dma_wait3A_167, %dma_wait3A_168, %dma_wait3A_169] : memref<8x128x32xf32, #tpu.memory_space<vmem>> -> memref<1x128x32xf32, #tpu.memory_space<vmem>>
      %dma_wait3A_171 = tpu.memref_squeeze %dma_wait3A_170 : memref<1x128x32xf32, #tpu.memory_space<vmem>> -> memref<128x32xf32, #tpu.memory_space<vmem>>
      %dma_wait3A_172 = arith.constant 0 : i32
      %dma_wait3A_173 = tpu.memref_slice %arg5[%dma_wait3A_166, %dma_wait3A_172] : memref<8x128xi32, #tpu.memory_space<vmem>> -> memref<1x128xi32, #tpu.memory_space<vmem>>
      %dma_wait3A_174 = tpu.memref_squeeze %dma_wait3A_173 : memref<1x128xi32, #tpu.memory_space<vmem>> -> memref<128xi32, #tpu.memory_space<vmem>>
      %dma_wait3A_175 = arith.constant 0 : i32
      %dma_wait3A_176 = arith.constant 0 : i32
      %dma_wait3A_177 = tpu.memref_slice %arg3[%dma_wait3A_175, %dma_wait3A_176] : memref<1007616x32xf32, #tpu.memory_space<hbm>> -> memref<1007616x32xf32, #tpu.memory_space<hbm>>
      tpu.wait_indirect_dma semaphore(%arg7 : memref<!tpu.dma_semaphore, #tpu.memory_space<semaphore_mem>>) src(%dma_wait3A_177 : memref<1007616x32xf32, #tpu.memory_space<hbm>>) dst(%dma_wait3A_171 : memref<128x32xf32, #tpu.memory_space<vmem>>)
      %dma_wait3A_178 = arith.constant 6 : i32
      %dma_wait3A_179 = arith.constant 6 : i32
      %dma_wait3A_180 = arith.constant 0 : i32
      %dma_wait3A_181 = arith.constant 0 : i32
      %dma_wait3A_182 = tpu.memref_slice %arg6[%dma_wait3A_179, %dma_wait3A_180, %dma_wait3A_181] : memref<8x128x32xf32, #tpu.memory_space<vmem>> -> memref<1x128x32xf32, #tpu.memory_space<vmem>>
      %dma_wait3A_183 = tpu.memref_squeeze %dma_wait3A_182 : memref<1x128x32xf32, #tpu.memory_space<vmem>> -> memref<128x32xf32, #tpu.memory_space<vmem>>
      %dma_wait3A_184 = arith.constant 0 : i32
      %dma_wait3A_185 = tpu.memref_slice %arg5[%dma_wait3A_178, %dma_wait3A_184] : memref<8x128xi32, #tpu.memory_space<vmem>> -> memref<1x128xi32, #tpu.memory_space<vmem>>
      %dma_wait3A_186 = tpu.memref_squeeze %dma_wait3A_185 : memref<1x128xi32, #tpu.memory_space<vmem>> -> memref<128xi32, #tpu.memory_space<vmem>>
      %dma_wait3A_187 = arith.constant 0 : i32
      %dma_wait3A_188 = arith.constant 0 : i32
      %dma_wait3A_189 = tpu.memref_slice %arg3[%dma_wait3A_187, %dma_wait3A_188] : memref<1007616x32xf32, #tpu.memory_space<hbm>> -> memref<1007616x32xf32, #tpu.memory_space<hbm>>
      tpu.wait_indirect_dma semaphore(%arg7 : memref<!tpu.dma_semaphore, #tpu.memory_space<semaphore_mem>>) src(%dma_wait3A_189 : memref<1007616x32xf32, #tpu.memory_space<hbm>>) dst(%dma_wait3A_183 : memref<128x32xf32, #tpu.memory_space<vmem>>)
      %dma_wait3A_190 = arith.constant 7 : i32
      %dma_wait3A_191 = arith.constant 7 : i32
      %dma_wait3A_192 = arith.constant 0 : i32
      %dma_wait3A_193 = arith.constant 0 : i32
      %dma_wait3A_194 = tpu.memref_slice %arg6[%dma_wait3A_191, %dma_wait3A_192, %dma_wait3A_193] : memref<8x128x32xf32, #tpu.memory_space<vmem>> -> memref<1x128x32xf32, #tpu.memory_space<vmem>>
      %dma_wait3A_195 = tpu.memref_squeeze %dma_wait3A_194 : memref<1x128x32xf32, #tpu.memory_space<vmem>> -> memref<128x32xf32, #tpu.memory_space<vmem>>
      %dma_wait3A_196 = arith.constant 0 : i32
      %dma_wait3A_197 = tpu.memref_slice %arg5[%dma_wait3A_190, %dma_wait3A_196] : memref<8x128xi32, #tpu.memory_space<vmem>> -> memref<1x128xi32, #tpu.memory_space<vmem>>
      %dma_wait3A_198 = tpu.memref_squeeze %dma_wait3A_197 : memref<1x128xi32, #tpu.memory_space<vmem>> -> memref<128xi32, #tpu.memory_space<vmem>>
      %dma_wait3A_199 = arith.constant 0 : i32
      %dma_wait3A_200 = arith.constant 0 : i32
      %dma_wait3A_201 = tpu.memref_slice %arg3[%dma_wait3A_199, %dma_wait3A_200] : memref<1007616x32xf32, #tpu.memory_space<hbm>> -> memref<1007616x32xf32, #tpu.memory_space<hbm>>
      tpu.wait_indirect_dma semaphore(%arg7 : memref<!tpu.dma_semaphore, #tpu.memory_space<semaphore_mem>>) src(%dma_wait3A_201 : memref<1007616x32xf32, #tpu.memory_space<hbm>>) dst(%dma_wait3A_195 : memref<128x32xf32, #tpu.memory_space<vmem>>)
      "tpu.region"() ({
        %run_scoped3A = tpu.sem_alloc : memref<!tpu.dma_semaphore, #tpu.memory_space<semaphore_mem>>
        %dma_start3A_202 = arith.constant 0 : i32
        %dma_start3A_203 = arith.constant 0 : i32
        %dma_start3A_204 = arith.constant 0 : i32
        %dma_start3A_205 = tpu.memref_slice %arg4[%add3A_9, %dma_start3A_202, %dma_start3A_203, %dma_start3A_204] : memref<96x8x128x32xf32, #tpu.memory_space<hbm>> -> memref<1x8x128x32xf32, #tpu.memory_space<hbm>>
        %dma_start3A_206 = tpu.memref_squeeze %dma_start3A_205 : memref<1x8x128x32xf32, #tpu.memory_space<hbm>> -> memref<8x128x32xf32, #tpu.memory_space<hbm>>
        %dma_start3A_207 = arith.constant 0 : i32
        %dma_start3A_208 = arith.constant 0 : i32
        %dma_start3A_209 = arith.constant 0 : i32
        %dma_start3A_210 = tpu.memref_slice %arg4[%add3A_9, %dma_start3A_207, %dma_start3A_208, %dma_start3A_209] : memref<96x8x128x32xf32, #tpu.memory_space<hbm>> -> memref<1x8x128x32xf32, #tpu.memory_space<hbm>>
        %dma_start3A_211 = tpu.memref_squeeze %dma_start3A_210 : memref<1x8x128x32xf32, #tpu.memory_space<hbm>> -> memref<8x128x32xf32, #tpu.memory_space<hbm>>
        tpu.enqueue_dma source(%arg6 : memref<8x128x32xf32, #tpu.memory_space<vmem>>) target(%dma_start3A_211 : memref<8x128x32xf32, #tpu.memory_space<hbm>>) target_semaphore(%run_scoped3A : memref<!tpu.dma_semaphore, #tpu.memory_space<semaphore_mem>>)
        %dma_wait3A_212 = arith.constant 0 : i32
        %dma_wait3A_213 = arith.constant 0 : i32
        %dma_wait3A_214 = arith.constant 0 : i32
        %dma_wait3A_215 = tpu.memref_slice %arg4[%add3A_9, %dma_wait3A_212, %dma_wait3A_213, %dma_wait3A_214] : memref<96x8x128x32xf32, #tpu.memory_space<hbm>> -> memref<1x8x128x32xf32, #tpu.memory_space<hbm>>
        %dma_wait3A_216 = tpu.memref_squeeze %dma_wait3A_215 : memref<1x8x128x32xf32, #tpu.memory_space<hbm>> -> memref<8x128x32xf32, #tpu.memory_space<hbm>>
        %dma_wait3A_217 = arith.constant 0 : i32
        %dma_wait3A_218 = arith.constant 0 : i32
        %dma_wait3A_219 = arith.constant 0 : i32
        %dma_wait3A_220 = tpu.memref_slice %arg4[%add3A_9, %dma_wait3A_217, %dma_wait3A_218, %dma_wait3A_219] : memref<96x8x128x32xf32, #tpu.memory_space<hbm>> -> memref<1x8x128x32xf32, #tpu.memory_space<hbm>>
        %dma_wait3A_221 = tpu.memref_squeeze %dma_wait3A_220 : memref<1x8x128x32xf32, #tpu.memory_space<hbm>> -> memref<8x128x32xf32, #tpu.memory_space<hbm>>
        tpu.wait_dma2 semaphore(%run_scoped3A : memref<!tpu.dma_semaphore, #tpu.memory_space<semaphore_mem>>) src(%arg6 : memref<8x128x32xf32, #tpu.memory_space<vmem>>) dst(%dma_wait3A_221 : memref<8x128x32xf32, #tpu.memory_space<hbm>>)
        tpu.yield
      }) : () -> ()
    }
    %scan3A_7 = arith.constant 3 : i32
    return
  }
}

#map = affine_map<(d0, d1) -> (0, 0)>
#map1 = affine_map<(d0, d1) -> (0, 0, 0, 0)>
module attributes {stable_mosaic.version = 14 : i64} {
  func.func @gather_kernel(%arg0: i32, %arg1: i32, %arg2: memref<1792x128xi32, #tpu.memory_space<hbm>>, %arg3: memref<1007616x32xf32, #tpu.memory_space<hbm>>, %arg4: memref<224x8x128x32xf32, #tpu.memory_space<hbm>>, %arg5: memref<8x128xi32, #tpu.memory_space<vmem>>, %arg6: memref<8x128x32xf32, #tpu.memory_space<vmem>>, %arg7: memref<!tpu.dma_semaphore, #tpu.memory_space<semaphore_mem>>) attributes {dimension_semantics = [#tpu.dimension_semantics<core_parallel>, #tpu.dimension_semantics<subcore_parallel>], iteration_bounds = array<i64: 2, 16>, scalar_prefetch = 0 : i64, scratch_operands = 3 : i64, tpu.core_type = #tpu.core_type<sc_vector_subcore>, window_params = [{transform_indices = #map}, {transform_indices = #map}, {transform_indices = #map1}]} {
    %mul3A = arith.constant 2 : i32
    %mul3A_0 = arith.muli %arg1, %mul3A : i32
    %add3A = arith.addi %mul3A_0, %arg0 : i32
    %mul3A_1 = arith.constant 7 : i32
    %mul3A_2 = arith.muli %add3A, %mul3A_1 : i32
    %scan3A = arith.constant 0 : i32
    %scan3A_3 = arith.constant 0 : i32
    %scan3A_4 = arith.constant 7 : i32
    %scan3A_5 = arith.addi %scan3A_3, %scan3A_4 : i32
    %scan3A_6 = arith.constant 1 : i32
    scf.for %scan3A_8 = %scan3A_3 to %scan3A_5 step %scan3A_6  : i32 {
      %add3A_9 = arith.addi %mul3A_2, %scan3A_8 : i32
      %mul3A_10 = arith.constant 8 : i32
      %mul3A_11 = arith.muli %add3A_9, %mul3A_10 : i32
      "tpu.region"() ({
        %run_scoped3A = tpu.sem_alloc : memref<!tpu.dma_semaphore, #tpu.memory_space<semaphore_mem>>
        %dma_start3A_202 = arith.constant 0 : i32
        %dma_start3A_203 = tpu.memref_slice %arg2[%mul3A_11, %dma_start3A_202] : memref<1792x128xi32, #tpu.memory_space<hbm>> -> memref<8x128xi32, #tpu.memory_space<hbm>>
        %dma_start3A_204 = arith.constant 0 : i32
        %dma_start3A_205 = tpu.memref_slice %arg2[%mul3A_11, %dma_start3A_204] : memref<1792x128xi32, #tpu.memory_space<hbm>> -> memref<8x128xi32, #tpu.memory_space<hbm>>
        tpu.enqueue_dma source(%dma_start3A_205 : memref<8x128xi32, #tpu.memory_space<hbm>>) target(%arg5 : memref<8x128xi32, #tpu.memory_space<vmem>>) target_semaphore(%run_scoped3A : memref<!tpu.dma_semaphore, #tpu.memory_space<semaphore_mem>>)
        %dma_wait3A_206 = arith.constant 0 : i32
        %dma_wait3A_207 = tpu.memref_slice %arg2[%mul3A_11, %dma_wait3A_206] : memref<1792x128xi32, #tpu.memory_space<hbm>> -> memref<8x128xi32, #tpu.memory_space<hbm>>
        %dma_wait3A_208 = arith.constant 0 : i32
        %dma_wait3A_209 = tpu.memref_slice %arg2[%mul3A_11, %dma_wait3A_208] : memref<1792x128xi32, #tpu.memory_space<hbm>> -> memref<8x128xi32, #tpu.memory_space<hbm>>
        tpu.wait_dma2 semaphore(%run_scoped3A : memref<!tpu.dma_semaphore, #tpu.memory_space<semaphore_mem>>) src(%dma_wait3A_209 : memref<8x128xi32, #tpu.memory_space<hbm>>) dst(%arg5 : memref<8x128xi32, #tpu.memory_space<vmem>>)
        tpu.yield
      }) : () -> ()
      %dma_start3A = arith.constant 0 : i32
      %dma_start3A_12 = arith.constant 0 : i32
      %dma_start3A_13 = arith.constant 0 : i32
      %dma_start3A_14 = arith.constant 0 : i32
      %dma_start3A_15 = tpu.memref_slice %arg6[%dma_start3A_12, %dma_start3A_13, %dma_start3A_14] : memref<8x128x32xf32, #tpu.memory_space<vmem>> -> memref<1x128x32xf32, #tpu.memory_space<vmem>>
      %dma_start3A_16 = tpu.memref_squeeze %dma_start3A_15 : memref<1x128x32xf32, #tpu.memory_space<vmem>> -> memref<128x32xf32, #tpu.memory_space<vmem>>
      %dma_start3A_17 = arith.constant 0 : i32
      %dma_start3A_18 = tpu.memref_slice %arg5[%dma_start3A, %dma_start3A_17] : memref<8x128xi32, #tpu.memory_space<vmem>> -> memref<1x128xi32, #tpu.memory_space<vmem>>
      %dma_start3A_19 = tpu.memref_squeeze %dma_start3A_18 : memref<1x128xi32, #tpu.memory_space<vmem>> -> memref<128xi32, #tpu.memory_space<vmem>>
      %dma_start3A_20 = arith.constant 0 : i32
      %dma_start3A_21 = arith.constant 0 : i32
      %dma_start3A_22 = tpu.memref_slice %arg3[%dma_start3A_20, %dma_start3A_21] : memref<1007616x32xf32, #tpu.memory_space<hbm>> -> memref<1007616x32xf32, #tpu.memory_space<hbm>>
      tpu.enqueue_indirect_dma source(%dma_start3A_22 : memref<1007616x32xf32, #tpu.memory_space<hbm>>) target(%dma_start3A_16 : memref<128x32xf32, #tpu.memory_space<vmem>>) offsets(%dma_start3A_19 : memref<128xi32, #tpu.memory_space<vmem>>) semaphore(%arg7 : memref<!tpu.dma_semaphore, #tpu.memory_space<semaphore_mem>>)
      %dma_start3A_23 = arith.constant 1 : i32
      %dma_start3A_24 = arith.constant 1 : i32
      %dma_start3A_25 = arith.constant 0 : i32
      %dma_start3A_26 = arith.constant 0 : i32
      %dma_start3A_27 = tpu.memref_slice %arg6[%dma_start3A_24, %dma_start3A_25, %dma_start3A_26] : memref<8x128x32xf32, #tpu.memory_space<vmem>> -> memref<1x128x32xf32, #tpu.memory_space<vmem>>
      %dma_start3A_28 = tpu.memref_squeeze %dma_start3A_27 : memref<1x128x32xf32, #tpu.memory_space<vmem>> -> memref<128x32xf32, #tpu.memory_space<vmem>>
      %dma_start3A_29 = arith.constant 0 : i32
      %dma_start3A_30 = tpu.memref_slice %arg5[%dma_start3A_23, %dma_start3A_29] : memref<8x128xi32, #tpu.memory_space<vmem>> -> memref<1x128xi32, #tpu.memory_space<vmem>>
      %dma_start3A_31 = tpu.memref_squeeze %dma_start3A_30 : memref<1x128xi32, #tpu.memory_space<vmem>> -> memref<128xi32, #tpu.memory_space<vmem>>
      %dma_start3A_32 = arith.constant 0 : i32
      %dma_start3A_33 = arith.constant 0 : i32
      %dma_start3A_34 = tpu.memref_slice %arg3[%dma_start3A_32, %dma_start3A_33] : memref<1007616x32xf32, #tpu.memory_space<hbm>> -> memref<1007616x32xf32, #tpu.memory_space<hbm>>
      tpu.enqueue_indirect_dma source(%dma_start3A_34 : memref<1007616x32xf32, #tpu.memory_space<hbm>>) target(%dma_start3A_28 : memref<128x32xf32, #tpu.memory_space<vmem>>) offsets(%dma_start3A_31 : memref<128xi32, #tpu.memory_space<vmem>>) semaphore(%arg7 : memref<!tpu.dma_semaphore, #tpu.memory_space<semaphore_mem>>)
      %dma_start3A_35 = arith.constant 2 : i32
      %dma_start3A_36 = arith.constant 2 : i32
      %dma_start3A_37 = arith.constant 0 : i32
      %dma_start3A_38 = arith.constant 0 : i32
      %dma_start3A_39 = tpu.memref_slice %arg6[%dma_start3A_36, %dma_start3A_37, %dma_start3A_38] : memref<8x128x32xf32, #tpu.memory_space<vmem>> -> memref<1x128x32xf32, #tpu.memory_space<vmem>>
      %dma_start3A_40 = tpu.memref_squeeze %dma_start3A_39 : memref<1x128x32xf32, #tpu.memory_space<vmem>> -> memref<128x32xf32, #tpu.memory_space<vmem>>
      %dma_start3A_41 = arith.constant 0 : i32
      %dma_start3A_42 = tpu.memref_slice %arg5[%dma_start3A_35, %dma_start3A_41] : memref<8x128xi32, #tpu.memory_space<vmem>> -> memref<1x128xi32, #tpu.memory_space<vmem>>
      %dma_start3A_43 = tpu.memref_squeeze %dma_start3A_42 : memref<1x128xi32, #tpu.memory_space<vmem>> -> memref<128xi32, #tpu.memory_space<vmem>>
      %dma_start3A_44 = arith.constant 0 : i32
      %dma_start3A_45 = arith.constant 0 : i32
      %dma_start3A_46 = tpu.memref_slice %arg3[%dma_start3A_44, %dma_start3A_45] : memref<1007616x32xf32, #tpu.memory_space<hbm>> -> memref<1007616x32xf32, #tpu.memory_space<hbm>>
      tpu.enqueue_indirect_dma source(%dma_start3A_46 : memref<1007616x32xf32, #tpu.memory_space<hbm>>) target(%dma_start3A_40 : memref<128x32xf32, #tpu.memory_space<vmem>>) offsets(%dma_start3A_43 : memref<128xi32, #tpu.memory_space<vmem>>) semaphore(%arg7 : memref<!tpu.dma_semaphore, #tpu.memory_space<semaphore_mem>>)
      %dma_start3A_47 = arith.constant 3 : i32
      %dma_start3A_48 = arith.constant 3 : i32
      %dma_start3A_49 = arith.constant 0 : i32
      %dma_start3A_50 = arith.constant 0 : i32
      %dma_start3A_51 = tpu.memref_slice %arg6[%dma_start3A_48, %dma_start3A_49, %dma_start3A_50] : memref<8x128x32xf32, #tpu.memory_space<vmem>> -> memref<1x128x32xf32, #tpu.memory_space<vmem>>
      %dma_start3A_52 = tpu.memref_squeeze %dma_start3A_51 : memref<1x128x32xf32, #tpu.memory_space<vmem>> -> memref<128x32xf32, #tpu.memory_space<vmem>>
      %dma_start3A_53 = arith.constant 0 : i32
      %dma_start3A_54 = tpu.memref_slice %arg5[%dma_start3A_47, %dma_start3A_53] : memref<8x128xi32, #tpu.memory_space<vmem>> -> memref<1x128xi32, #tpu.memory_space<vmem>>
      %dma_start3A_55 = tpu.memref_squeeze %dma_start3A_54 : memref<1x128xi32, #tpu.memory_space<vmem>> -> memref<128xi32, #tpu.memory_space<vmem>>
      %dma_start3A_56 = arith.constant 0 : i32
      %dma_start3A_57 = arith.constant 0 : i32
      %dma_start3A_58 = tpu.memref_slice %arg3[%dma_start3A_56, %dma_start3A_57] : memref<1007616x32xf32, #tpu.memory_space<hbm>> -> memref<1007616x32xf32, #tpu.memory_space<hbm>>
      tpu.enqueue_indirect_dma source(%dma_start3A_58 : memref<1007616x32xf32, #tpu.memory_space<hbm>>) target(%dma_start3A_52 : memref<128x32xf32, #tpu.memory_space<vmem>>) offsets(%dma_start3A_55 : memref<128xi32, #tpu.memory_space<vmem>>) semaphore(%arg7 : memref<!tpu.dma_semaphore, #tpu.memory_space<semaphore_mem>>)
      %dma_start3A_59 = arith.constant 4 : i32
      %dma_start3A_60 = arith.constant 4 : i32
      %dma_start3A_61 = arith.constant 0 : i32
      %dma_start3A_62 = arith.constant 0 : i32
      %dma_start3A_63 = tpu.memref_slice %arg6[%dma_start3A_60, %dma_start3A_61, %dma_start3A_62] : memref<8x128x32xf32, #tpu.memory_space<vmem>> -> memref<1x128x32xf32, #tpu.memory_space<vmem>>
      %dma_start3A_64 = tpu.memref_squeeze %dma_start3A_63 : memref<1x128x32xf32, #tpu.memory_space<vmem>> -> memref<128x32xf32, #tpu.memory_space<vmem>>
      %dma_start3A_65 = arith.constant 0 : i32
      %dma_start3A_66 = tpu.memref_slice %arg5[%dma_start3A_59, %dma_start3A_65] : memref<8x128xi32, #tpu.memory_space<vmem>> -> memref<1x128xi32, #tpu.memory_space<vmem>>
      %dma_start3A_67 = tpu.memref_squeeze %dma_start3A_66 : memref<1x128xi32, #tpu.memory_space<vmem>> -> memref<128xi32, #tpu.memory_space<vmem>>
      %dma_start3A_68 = arith.constant 0 : i32
      %dma_start3A_69 = arith.constant 0 : i32
      %dma_start3A_70 = tpu.memref_slice %arg3[%dma_start3A_68, %dma_start3A_69] : memref<1007616x32xf32, #tpu.memory_space<hbm>> -> memref<1007616x32xf32, #tpu.memory_space<hbm>>
      tpu.enqueue_indirect_dma source(%dma_start3A_70 : memref<1007616x32xf32, #tpu.memory_space<hbm>>) target(%dma_start3A_64 : memref<128x32xf32, #tpu.memory_space<vmem>>) offsets(%dma_start3A_67 : memref<128xi32, #tpu.memory_space<vmem>>) semaphore(%arg7 : memref<!tpu.dma_semaphore, #tpu.memory_space<semaphore_mem>>)
      %dma_start3A_71 = arith.constant 5 : i32
      %dma_start3A_72 = arith.constant 5 : i32
      %dma_start3A_73 = arith.constant 0 : i32
      %dma_start3A_74 = arith.constant 0 : i32
      %dma_start3A_75 = tpu.memref_slice %arg6[%dma_start3A_72, %dma_start3A_73, %dma_start3A_74] : memref<8x128x32xf32, #tpu.memory_space<vmem>> -> memref<1x128x32xf32, #tpu.memory_space<vmem>>
      %dma_start3A_76 = tpu.memref_squeeze %dma_start3A_75 : memref<1x128x32xf32, #tpu.memory_space<vmem>> -> memref<128x32xf32, #tpu.memory_space<vmem>>
      %dma_start3A_77 = arith.constant 0 : i32
      %dma_start3A_78 = tpu.memref_slice %arg5[%dma_start3A_71, %dma_start3A_77] : memref<8x128xi32, #tpu.memory_space<vmem>> -> memref<1x128xi32, #tpu.memory_space<vmem>>
      %dma_start3A_79 = tpu.memref_squeeze %dma_start3A_78 : memref<1x128xi32, #tpu.memory_space<vmem>> -> memref<128xi32, #tpu.memory_space<vmem>>
      %dma_start3A_80 = arith.constant 0 : i32
      %dma_start3A_81 = arith.constant 0 : i32
      %dma_start3A_82 = tpu.memref_slice %arg3[%dma_start3A_80, %dma_start3A_81] : memref<1007616x32xf32, #tpu.memory_space<hbm>> -> memref<1007616x32xf32, #tpu.memory_space<hbm>>
      tpu.enqueue_indirect_dma source(%dma_start3A_82 : memref<1007616x32xf32, #tpu.memory_space<hbm>>) target(%dma_start3A_76 : memref<128x32xf32, #tpu.memory_space<vmem>>) offsets(%dma_start3A_79 : memref<128xi32, #tpu.memory_space<vmem>>) semaphore(%arg7 : memref<!tpu.dma_semaphore, #tpu.memory_space<semaphore_mem>>)
      %dma_start3A_83 = arith.constant 6 : i32
      %dma_start3A_84 = arith.constant 6 : i32
      %dma_start3A_85 = arith.constant 0 : i32
      %dma_start3A_86 = arith.constant 0 : i32
      %dma_start3A_87 = tpu.memref_slice %arg6[%dma_start3A_84, %dma_start3A_85, %dma_start3A_86] : memref<8x128x32xf32, #tpu.memory_space<vmem>> -> memref<1x128x32xf32, #tpu.memory_space<vmem>>
      %dma_start3A_88 = tpu.memref_squeeze %dma_start3A_87 : memref<1x128x32xf32, #tpu.memory_space<vmem>> -> memref<128x32xf32, #tpu.memory_space<vmem>>
      %dma_start3A_89 = arith.constant 0 : i32
      %dma_start3A_90 = tpu.memref_slice %arg5[%dma_start3A_83, %dma_start3A_89] : memref<8x128xi32, #tpu.memory_space<vmem>> -> memref<1x128xi32, #tpu.memory_space<vmem>>
      %dma_start3A_91 = tpu.memref_squeeze %dma_start3A_90 : memref<1x128xi32, #tpu.memory_space<vmem>> -> memref<128xi32, #tpu.memory_space<vmem>>
      %dma_start3A_92 = arith.constant 0 : i32
      %dma_start3A_93 = arith.constant 0 : i32
      %dma_start3A_94 = tpu.memref_slice %arg3[%dma_start3A_92, %dma_start3A_93] : memref<1007616x32xf32, #tpu.memory_space<hbm>> -> memref<1007616x32xf32, #tpu.memory_space<hbm>>
      tpu.enqueue_indirect_dma source(%dma_start3A_94 : memref<1007616x32xf32, #tpu.memory_space<hbm>>) target(%dma_start3A_88 : memref<128x32xf32, #tpu.memory_space<vmem>>) offsets(%dma_start3A_91 : memref<128xi32, #tpu.memory_space<vmem>>) semaphore(%arg7 : memref<!tpu.dma_semaphore, #tpu.memory_space<semaphore_mem>>)
      %dma_start3A_95 = arith.constant 7 : i32
      %dma_start3A_96 = arith.constant 7 : i32
      %dma_start3A_97 = arith.constant 0 : i32
      %dma_start3A_98 = arith.constant 0 : i32
      %dma_start3A_99 = tpu.memref_slice %arg6[%dma_start3A_96, %dma_start3A_97, %dma_start3A_98] : memref<8x128x32xf32, #tpu.memory_space<vmem>> -> memref<1x128x32xf32, #tpu.memory_space<vmem>>
      %dma_start3A_100 = tpu.memref_squeeze %dma_start3A_99 : memref<1x128x32xf32, #tpu.memory_space<vmem>> -> memref<128x32xf32, #tpu.memory_space<vmem>>
      %dma_start3A_101 = arith.constant 0 : i32
      %dma_start3A_102 = tpu.memref_slice %arg5[%dma_start3A_95, %dma_start3A_101] : memref<8x128xi32, #tpu.memory_space<vmem>> -> memref<1x128xi32, #tpu.memory_space<vmem>>
      %dma_start3A_103 = tpu.memref_squeeze %dma_start3A_102 : memref<1x128xi32, #tpu.memory_space<vmem>> -> memref<128xi32, #tpu.memory_space<vmem>>
      %dma_start3A_104 = arith.constant 0 : i32
      %dma_start3A_105 = arith.constant 0 : i32
      %dma_start3A_106 = tpu.memref_slice %arg3[%dma_start3A_104, %dma_start3A_105] : memref<1007616x32xf32, #tpu.memory_space<hbm>> -> memref<1007616x32xf32, #tpu.memory_space<hbm>>
      tpu.enqueue_indirect_dma source(%dma_start3A_106 : memref<1007616x32xf32, #tpu.memory_space<hbm>>) target(%dma_start3A_100 : memref<128x32xf32, #tpu.memory_space<vmem>>) offsets(%dma_start3A_103 : memref<128xi32, #tpu.memory_space<vmem>>) semaphore(%arg7 : memref<!tpu.dma_semaphore, #tpu.memory_space<semaphore_mem>>)
      %dma_wait3A = arith.constant 0 : i32
      %dma_wait3A_107 = arith.constant 0 : i32
      %dma_wait3A_108 = arith.constant 0 : i32
      %dma_wait3A_109 = arith.constant 0 : i32
      %dma_wait3A_110 = tpu.memref_slice %arg6[%dma_wait3A_107, %dma_wait3A_108, %dma_wait3A_109] : memref<8x128x32xf32, #tpu.memory_space<vmem>> -> memref<1x128x32xf32, #tpu.memory_space<vmem>>
      %dma_wait3A_111 = tpu.memref_squeeze %dma_wait3A_110 : memref<1x128x32xf32, #tpu.memory_space<vmem>> -> memref<128x32xf32, #tpu.memory_space<vmem>>
      %dma_wait3A_112 = arith.constant 0 : i32
      %dma_wait3A_113 = tpu.memref_slice %arg5[%dma_wait3A, %dma_wait3A_112] : memref<8x128xi32, #tpu.memory_space<vmem>> -> memref<1x128xi32, #tpu.memory_space<vmem>>
      %dma_wait3A_114 = tpu.memref_squeeze %dma_wait3A_113 : memref<1x128xi32, #tpu.memory_space<vmem>> -> memref<128xi32, #tpu.memory_space<vmem>>
      %dma_wait3A_115 = arith.constant 0 : i32
      %dma_wait3A_116 = arith.constant 0 : i32
      %dma_wait3A_117 = tpu.memref_slice %arg3[%dma_wait3A_115, %dma_wait3A_116] : memref<1007616x32xf32, #tpu.memory_space<hbm>> -> memref<1007616x32xf32, #tpu.memory_space<hbm>>
      tpu.wait_indirect_dma semaphore(%arg7 : memref<!tpu.dma_semaphore, #tpu.memory_space<semaphore_mem>>) src(%dma_wait3A_117 : memref<1007616x32xf32, #tpu.memory_space<hbm>>) dst(%dma_wait3A_111 : memref<128x32xf32, #tpu.memory_space<vmem>>)
      %dma_wait3A_118 = arith.constant 1 : i32
      %dma_wait3A_119 = arith.constant 1 : i32
      %dma_wait3A_120 = arith.constant 0 : i32
      %dma_wait3A_121 = arith.constant 0 : i32
      %dma_wait3A_122 = tpu.memref_slice %arg6[%dma_wait3A_119, %dma_wait3A_120, %dma_wait3A_121] : memref<8x128x32xf32, #tpu.memory_space<vmem>> -> memref<1x128x32xf32, #tpu.memory_space<vmem>>
      %dma_wait3A_123 = tpu.memref_squeeze %dma_wait3A_122 : memref<1x128x32xf32, #tpu.memory_space<vmem>> -> memref<128x32xf32, #tpu.memory_space<vmem>>
      %dma_wait3A_124 = arith.constant 0 : i32
      %dma_wait3A_125 = tpu.memref_slice %arg5[%dma_wait3A_118, %dma_wait3A_124] : memref<8x128xi32, #tpu.memory_space<vmem>> -> memref<1x128xi32, #tpu.memory_space<vmem>>
      %dma_wait3A_126 = tpu.memref_squeeze %dma_wait3A_125 : memref<1x128xi32, #tpu.memory_space<vmem>> -> memref<128xi32, #tpu.memory_space<vmem>>
      %dma_wait3A_127 = arith.constant 0 : i32
      %dma_wait3A_128 = arith.constant 0 : i32
      %dma_wait3A_129 = tpu.memref_slice %arg3[%dma_wait3A_127, %dma_wait3A_128] : memref<1007616x32xf32, #tpu.memory_space<hbm>> -> memref<1007616x32xf32, #tpu.memory_space<hbm>>
      tpu.wait_indirect_dma semaphore(%arg7 : memref<!tpu.dma_semaphore, #tpu.memory_space<semaphore_mem>>) src(%dma_wait3A_129 : memref<1007616x32xf32, #tpu.memory_space<hbm>>) dst(%dma_wait3A_123 : memref<128x32xf32, #tpu.memory_space<vmem>>)
      %dma_wait3A_130 = arith.constant 2 : i32
      %dma_wait3A_131 = arith.constant 2 : i32
      %dma_wait3A_132 = arith.constant 0 : i32
      %dma_wait3A_133 = arith.constant 0 : i32
      %dma_wait3A_134 = tpu.memref_slice %arg6[%dma_wait3A_131, %dma_wait3A_132, %dma_wait3A_133] : memref<8x128x32xf32, #tpu.memory_space<vmem>> -> memref<1x128x32xf32, #tpu.memory_space<vmem>>
      %dma_wait3A_135 = tpu.memref_squeeze %dma_wait3A_134 : memref<1x128x32xf32, #tpu.memory_space<vmem>> -> memref<128x32xf32, #tpu.memory_space<vmem>>
      %dma_wait3A_136 = arith.constant 0 : i32
      %dma_wait3A_137 = tpu.memref_slice %arg5[%dma_wait3A_130, %dma_wait3A_136] : memref<8x128xi32, #tpu.memory_space<vmem>> -> memref<1x128xi32, #tpu.memory_space<vmem>>
      %dma_wait3A_138 = tpu.memref_squeeze %dma_wait3A_137 : memref<1x128xi32, #tpu.memory_space<vmem>> -> memref<128xi32, #tpu.memory_space<vmem>>
      %dma_wait3A_139 = arith.constant 0 : i32
      %dma_wait3A_140 = arith.constant 0 : i32
      %dma_wait3A_141 = tpu.memref_slice %arg3[%dma_wait3A_139, %dma_wait3A_140] : memref<1007616x32xf32, #tpu.memory_space<hbm>> -> memref<1007616x32xf32, #tpu.memory_space<hbm>>
      tpu.wait_indirect_dma semaphore(%arg7 : memref<!tpu.dma_semaphore, #tpu.memory_space<semaphore_mem>>) src(%dma_wait3A_141 : memref<1007616x32xf32, #tpu.memory_space<hbm>>) dst(%dma_wait3A_135 : memref<128x32xf32, #tpu.memory_space<vmem>>)
      %dma_wait3A_142 = arith.constant 3 : i32
      %dma_wait3A_143 = arith.constant 3 : i32
      %dma_wait3A_144 = arith.constant 0 : i32
      %dma_wait3A_145 = arith.constant 0 : i32
      %dma_wait3A_146 = tpu.memref_slice %arg6[%dma_wait3A_143, %dma_wait3A_144, %dma_wait3A_145] : memref<8x128x32xf32, #tpu.memory_space<vmem>> -> memref<1x128x32xf32, #tpu.memory_space<vmem>>
      %dma_wait3A_147 = tpu.memref_squeeze %dma_wait3A_146 : memref<1x128x32xf32, #tpu.memory_space<vmem>> -> memref<128x32xf32, #tpu.memory_space<vmem>>
      %dma_wait3A_148 = arith.constant 0 : i32
      %dma_wait3A_149 = tpu.memref_slice %arg5[%dma_wait3A_142, %dma_wait3A_148] : memref<8x128xi32, #tpu.memory_space<vmem>> -> memref<1x128xi32, #tpu.memory_space<vmem>>
      %dma_wait3A_150 = tpu.memref_squeeze %dma_wait3A_149 : memref<1x128xi32, #tpu.memory_space<vmem>> -> memref<128xi32, #tpu.memory_space<vmem>>
      %dma_wait3A_151 = arith.constant 0 : i32
      %dma_wait3A_152 = arith.constant 0 : i32
      %dma_wait3A_153 = tpu.memref_slice %arg3[%dma_wait3A_151, %dma_wait3A_152] : memref<1007616x32xf32, #tpu.memory_space<hbm>> -> memref<1007616x32xf32, #tpu.memory_space<hbm>>
      tpu.wait_indirect_dma semaphore(%arg7 : memref<!tpu.dma_semaphore, #tpu.memory_space<semaphore_mem>>) src(%dma_wait3A_153 : memref<1007616x32xf32, #tpu.memory_space<hbm>>) dst(%dma_wait3A_147 : memref<128x32xf32, #tpu.memory_space<vmem>>)
      %dma_wait3A_154 = arith.constant 4 : i32
      %dma_wait3A_155 = arith.constant 4 : i32
      %dma_wait3A_156 = arith.constant 0 : i32
      %dma_wait3A_157 = arith.constant 0 : i32
      %dma_wait3A_158 = tpu.memref_slice %arg6[%dma_wait3A_155, %dma_wait3A_156, %dma_wait3A_157] : memref<8x128x32xf32, #tpu.memory_space<vmem>> -> memref<1x128x32xf32, #tpu.memory_space<vmem>>
      %dma_wait3A_159 = tpu.memref_squeeze %dma_wait3A_158 : memref<1x128x32xf32, #tpu.memory_space<vmem>> -> memref<128x32xf32, #tpu.memory_space<vmem>>
      %dma_wait3A_160 = arith.constant 0 : i32
      %dma_wait3A_161 = tpu.memref_slice %arg5[%dma_wait3A_154, %dma_wait3A_160] : memref<8x128xi32, #tpu.memory_space<vmem>> -> memref<1x128xi32, #tpu.memory_space<vmem>>
      %dma_wait3A_162 = tpu.memref_squeeze %dma_wait3A_161 : memref<1x128xi32, #tpu.memory_space<vmem>> -> memref<128xi32, #tpu.memory_space<vmem>>
      %dma_wait3A_163 = arith.constant 0 : i32
      %dma_wait3A_164 = arith.constant 0 : i32
      %dma_wait3A_165 = tpu.memref_slice %arg3[%dma_wait3A_163, %dma_wait3A_164] : memref<1007616x32xf32, #tpu.memory_space<hbm>> -> memref<1007616x32xf32, #tpu.memory_space<hbm>>
      tpu.wait_indirect_dma semaphore(%arg7 : memref<!tpu.dma_semaphore, #tpu.memory_space<semaphore_mem>>) src(%dma_wait3A_165 : memref<1007616x32xf32, #tpu.memory_space<hbm>>) dst(%dma_wait3A_159 : memref<128x32xf32, #tpu.memory_space<vmem>>)
      %dma_wait3A_166 = arith.constant 5 : i32
      %dma_wait3A_167 = arith.constant 5 : i32
      %dma_wait3A_168 = arith.constant 0 : i32
      %dma_wait3A_169 = arith.constant 0 : i32
      %dma_wait3A_170 = tpu.memref_slice %arg6[%dma_wait3A_167, %dma_wait3A_168, %dma_wait3A_169] : memref<8x128x32xf32, #tpu.memory_space<vmem>> -> memref<1x128x32xf32, #tpu.memory_space<vmem>>
      %dma_wait3A_171 = tpu.memref_squeeze %dma_wait3A_170 : memref<1x128x32xf32, #tpu.memory_space<vmem>> -> memref<128x32xf32, #tpu.memory_space<vmem>>
      %dma_wait3A_172 = arith.constant 0 : i32
      %dma_wait3A_173 = tpu.memref_slice %arg5[%dma_wait3A_166, %dma_wait3A_172] : memref<8x128xi32, #tpu.memory_space<vmem>> -> memref<1x128xi32, #tpu.memory_space<vmem>>
      %dma_wait3A_174 = tpu.memref_squeeze %dma_wait3A_173 : memref<1x128xi32, #tpu.memory_space<vmem>> -> memref<128xi32, #tpu.memory_space<vmem>>
      %dma_wait3A_175 = arith.constant 0 : i32
      %dma_wait3A_176 = arith.constant 0 : i32
      %dma_wait3A_177 = tpu.memref_slice %arg3[%dma_wait3A_175, %dma_wait3A_176] : memref<1007616x32xf32, #tpu.memory_space<hbm>> -> memref<1007616x32xf32, #tpu.memory_space<hbm>>
      tpu.wait_indirect_dma semaphore(%arg7 : memref<!tpu.dma_semaphore, #tpu.memory_space<semaphore_mem>>) src(%dma_wait3A_177 : memref<1007616x32xf32, #tpu.memory_space<hbm>>) dst(%dma_wait3A_171 : memref<128x32xf32, #tpu.memory_space<vmem>>)
      %dma_wait3A_178 = arith.constant 6 : i32
      %dma_wait3A_179 = arith.constant 6 : i32
      %dma_wait3A_180 = arith.constant 0 : i32
      %dma_wait3A_181 = arith.constant 0 : i32
      %dma_wait3A_182 = tpu.memref_slice %arg6[%dma_wait3A_179, %dma_wait3A_180, %dma_wait3A_181] : memref<8x128x32xf32, #tpu.memory_space<vmem>> -> memref<1x128x32xf32, #tpu.memory_space<vmem>>
      %dma_wait3A_183 = tpu.memref_squeeze %dma_wait3A_182 : memref<1x128x32xf32, #tpu.memory_space<vmem>> -> memref<128x32xf32, #tpu.memory_space<vmem>>
      %dma_wait3A_184 = arith.constant 0 : i32
      %dma_wait3A_185 = tpu.memref_slice %arg5[%dma_wait3A_178, %dma_wait3A_184] : memref<8x128xi32, #tpu.memory_space<vmem>> -> memref<1x128xi32, #tpu.memory_space<vmem>>
      %dma_wait3A_186 = tpu.memref_squeeze %dma_wait3A_185 : memref<1x128xi32, #tpu.memory_space<vmem>> -> memref<128xi32, #tpu.memory_space<vmem>>
      %dma_wait3A_187 = arith.constant 0 : i32
      %dma_wait3A_188 = arith.constant 0 : i32
      %dma_wait3A_189 = tpu.memref_slice %arg3[%dma_wait3A_187, %dma_wait3A_188] : memref<1007616x32xf32, #tpu.memory_space<hbm>> -> memref<1007616x32xf32, #tpu.memory_space<hbm>>
      tpu.wait_indirect_dma semaphore(%arg7 : memref<!tpu.dma_semaphore, #tpu.memory_space<semaphore_mem>>) src(%dma_wait3A_189 : memref<1007616x32xf32, #tpu.memory_space<hbm>>) dst(%dma_wait3A_183 : memref<128x32xf32, #tpu.memory_space<vmem>>)
      %dma_wait3A_190 = arith.constant 7 : i32
      %dma_wait3A_191 = arith.constant 7 : i32
      %dma_wait3A_192 = arith.constant 0 : i32
      %dma_wait3A_193 = arith.constant 0 : i32
      %dma_wait3A_194 = tpu.memref_slice %arg6[%dma_wait3A_191, %dma_wait3A_192, %dma_wait3A_193] : memref<8x128x32xf32, #tpu.memory_space<vmem>> -> memref<1x128x32xf32, #tpu.memory_space<vmem>>
      %dma_wait3A_195 = tpu.memref_squeeze %dma_wait3A_194 : memref<1x128x32xf32, #tpu.memory_space<vmem>> -> memref<128x32xf32, #tpu.memory_space<vmem>>
      %dma_wait3A_196 = arith.constant 0 : i32
      %dma_wait3A_197 = tpu.memref_slice %arg5[%dma_wait3A_190, %dma_wait3A_196] : memref<8x128xi32, #tpu.memory_space<vmem>> -> memref<1x128xi32, #tpu.memory_space<vmem>>
      %dma_wait3A_198 = tpu.memref_squeeze %dma_wait3A_197 : memref<1x128xi32, #tpu.memory_space<vmem>> -> memref<128xi32, #tpu.memory_space<vmem>>
      %dma_wait3A_199 = arith.constant 0 : i32
      %dma_wait3A_200 = arith.constant 0 : i32
      %dma_wait3A_201 = tpu.memref_slice %arg3[%dma_wait3A_199, %dma_wait3A_200] : memref<1007616x32xf32, #tpu.memory_space<hbm>> -> memref<1007616x32xf32, #tpu.memory_space<hbm>>
      tpu.wait_indirect_dma semaphore(%arg7 : memref<!tpu.dma_semaphore, #tpu.memory_space<semaphore_mem>>) src(%dma_wait3A_201 : memref<1007616x32xf32, #tpu.memory_space<hbm>>) dst(%dma_wait3A_195 : memref<128x32xf32, #tpu.memory_space<vmem>>)
      "tpu.region"() ({
        %run_scoped3A = tpu.sem_alloc : memref<!tpu.dma_semaphore, #tpu.memory_space<semaphore_mem>>
        %dma_start3A_202 = arith.constant 0 : i32
        %dma_start3A_203 = arith.constant 0 : i32
        %dma_start3A_204 = arith.constant 0 : i32
        %dma_start3A_205 = tpu.memref_slice %arg4[%add3A_9, %dma_start3A_202, %dma_start3A_203, %dma_start3A_204] : memref<224x8x128x32xf32, #tpu.memory_space<hbm>> -> memref<1x8x128x32xf32, #tpu.memory_space<hbm>>
        %dma_start3A_206 = tpu.memref_squeeze %dma_start3A_205 : memref<1x8x128x32xf32, #tpu.memory_space<hbm>> -> memref<8x128x32xf32, #tpu.memory_space<hbm>>
        %dma_start3A_207 = arith.constant 0 : i32
        %dma_start3A_208 = arith.constant 0 : i32
        %dma_start3A_209 = arith.constant 0 : i32
        %dma_start3A_210 = tpu.memref_slice %arg4[%add3A_9, %dma_start3A_207, %dma_start3A_208, %dma_start3A_209] : memref<224x8x128x32xf32, #tpu.memory_space<hbm>> -> memref<1x8x128x32xf32, #tpu.memory_space<hbm>>
        %dma_start3A_211 = tpu.memref_squeeze %dma_start3A_210 : memref<1x8x128x32xf32, #tpu.memory_space<hbm>> -> memref<8x128x32xf32, #tpu.memory_space<hbm>>
        tpu.enqueue_dma source(%arg6 : memref<8x128x32xf32, #tpu.memory_space<vmem>>) target(%dma_start3A_211 : memref<8x128x32xf32, #tpu.memory_space<hbm>>) target_semaphore(%run_scoped3A : memref<!tpu.dma_semaphore, #tpu.memory_space<semaphore_mem>>)
        %dma_wait3A_212 = arith.constant 0 : i32
        %dma_wait3A_213 = arith.constant 0 : i32
        %dma_wait3A_214 = arith.constant 0 : i32
        %dma_wait3A_215 = tpu.memref_slice %arg4[%add3A_9, %dma_wait3A_212, %dma_wait3A_213, %dma_wait3A_214] : memref<224x8x128x32xf32, #tpu.memory_space<hbm>> -> memref<1x8x128x32xf32, #tpu.memory_space<hbm>>
        %dma_wait3A_216 = tpu.memref_squeeze %dma_wait3A_215 : memref<1x8x128x32xf32, #tpu.memory_space<hbm>> -> memref<8x128x32xf32, #tpu.memory_space<hbm>>
        %dma_wait3A_217 = arith.constant 0 : i32
        %dma_wait3A_218 = arith.constant 0 : i32
        %dma_wait3A_219 = arith.constant 0 : i32
        %dma_wait3A_220 = tpu.memref_slice %arg4[%add3A_9, %dma_wait3A_217, %dma_wait3A_218, %dma_wait3A_219] : memref<224x8x128x32xf32, #tpu.memory_space<hbm>> -> memref<1x8x128x32xf32, #tpu.memory_space<hbm>>
        %dma_wait3A_221 = tpu.memref_squeeze %dma_wait3A_220 : memref<1x8x128x32xf32, #tpu.memory_space<hbm>> -> memref<8x128x32xf32, #tpu.memory_space<hbm>>
        tpu.wait_dma2 semaphore(%run_scoped3A : memref<!tpu.dma_semaphore, #tpu.memory_space<semaphore_mem>>) src(%arg6 : memref<8x128x32xf32, #tpu.memory_space<vmem>>) dst(%dma_wait3A_221 : memref<8x128x32xf32, #tpu.memory_space<hbm>>)
        tpu.yield
      }) : () -> ()
    }
    %scan3A_7 = arith.constant 7 : i32
    return
  }
}

#map = affine_map<(d0, d1) -> (0, 0)>
#map1 = affine_map<(d0, d1) -> (0, 0, 0, 0)>
module attributes {stable_mosaic.version = 14 : i64} {
  func.func @gather_kernel(%arg0: i32, %arg1: i32, %arg2: memref<1280x128xi32, #tpu.memory_space<hbm>>, %arg3: memref<1007616x32xf32, #tpu.memory_space<hbm>>, %arg4: memref<160x8x128x32xf32, #tpu.memory_space<hbm>>, %arg5: memref<8x128xi32, #tpu.memory_space<vmem>>, %arg6: memref<8x128x32xf32, #tpu.memory_space<vmem>>, %arg7: memref<!tpu.dma_semaphore, #tpu.memory_space<semaphore_mem>>) attributes {dimension_semantics = [#tpu.dimension_semantics<core_parallel>, #tpu.dimension_semantics<subcore_parallel>], iteration_bounds = array<i64: 2, 16>, scalar_prefetch = 0 : i64, scratch_operands = 3 : i64, tpu.core_type = #tpu.core_type<sc_vector_subcore>, window_params = [{transform_indices = #map}, {transform_indices = #map}, {transform_indices = #map1}]} {
    %mul3A = arith.constant 2 : i32
    %mul3A_0 = arith.muli %arg1, %mul3A : i32
    %add3A = arith.addi %mul3A_0, %arg0 : i32
    %mul3A_1 = arith.constant 5 : i32
    %mul3A_2 = arith.muli %add3A, %mul3A_1 : i32
    %scan3A = arith.constant 0 : i32
    %scan3A_3 = arith.constant 0 : i32
    %scan3A_4 = arith.constant 5 : i32
    %scan3A_5 = arith.addi %scan3A_3, %scan3A_4 : i32
    %scan3A_6 = arith.constant 1 : i32
    scf.for %scan3A_8 = %scan3A_3 to %scan3A_5 step %scan3A_6  : i32 {
      %add3A_9 = arith.addi %mul3A_2, %scan3A_8 : i32
      %mul3A_10 = arith.constant 8 : i32
      %mul3A_11 = arith.muli %add3A_9, %mul3A_10 : i32
      "tpu.region"() ({
        %run_scoped3A = tpu.sem_alloc : memref<!tpu.dma_semaphore, #tpu.memory_space<semaphore_mem>>
        %dma_start3A_202 = arith.constant 0 : i32
        %dma_start3A_203 = tpu.memref_slice %arg2[%mul3A_11, %dma_start3A_202] : memref<1280x128xi32, #tpu.memory_space<hbm>> -> memref<8x128xi32, #tpu.memory_space<hbm>>
        %dma_start3A_204 = arith.constant 0 : i32
        %dma_start3A_205 = tpu.memref_slice %arg2[%mul3A_11, %dma_start3A_204] : memref<1280x128xi32, #tpu.memory_space<hbm>> -> memref<8x128xi32, #tpu.memory_space<hbm>>
        tpu.enqueue_dma source(%dma_start3A_205 : memref<8x128xi32, #tpu.memory_space<hbm>>) target(%arg5 : memref<8x128xi32, #tpu.memory_space<vmem>>) target_semaphore(%run_scoped3A : memref<!tpu.dma_semaphore, #tpu.memory_space<semaphore_mem>>)
        %dma_wait3A_206 = arith.constant 0 : i32
        %dma_wait3A_207 = tpu.memref_slice %arg2[%mul3A_11, %dma_wait3A_206] : memref<1280x128xi32, #tpu.memory_space<hbm>> -> memref<8x128xi32, #tpu.memory_space<hbm>>
        %dma_wait3A_208 = arith.constant 0 : i32
        %dma_wait3A_209 = tpu.memref_slice %arg2[%mul3A_11, %dma_wait3A_208] : memref<1280x128xi32, #tpu.memory_space<hbm>> -> memref<8x128xi32, #tpu.memory_space<hbm>>
        tpu.wait_dma2 semaphore(%run_scoped3A : memref<!tpu.dma_semaphore, #tpu.memory_space<semaphore_mem>>) src(%dma_wait3A_209 : memref<8x128xi32, #tpu.memory_space<hbm>>) dst(%arg5 : memref<8x128xi32, #tpu.memory_space<vmem>>)
        tpu.yield
      }) : () -> ()
      %dma_start3A = arith.constant 0 : i32
      %dma_start3A_12 = arith.constant 0 : i32
      %dma_start3A_13 = arith.constant 0 : i32
      %dma_start3A_14 = arith.constant 0 : i32
      %dma_start3A_15 = tpu.memref_slice %arg6[%dma_start3A_12, %dma_start3A_13, %dma_start3A_14] : memref<8x128x32xf32, #tpu.memory_space<vmem>> -> memref<1x128x32xf32, #tpu.memory_space<vmem>>
      %dma_start3A_16 = tpu.memref_squeeze %dma_start3A_15 : memref<1x128x32xf32, #tpu.memory_space<vmem>> -> memref<128x32xf32, #tpu.memory_space<vmem>>
      %dma_start3A_17 = arith.constant 0 : i32
      %dma_start3A_18 = tpu.memref_slice %arg5[%dma_start3A, %dma_start3A_17] : memref<8x128xi32, #tpu.memory_space<vmem>> -> memref<1x128xi32, #tpu.memory_space<vmem>>
      %dma_start3A_19 = tpu.memref_squeeze %dma_start3A_18 : memref<1x128xi32, #tpu.memory_space<vmem>> -> memref<128xi32, #tpu.memory_space<vmem>>
      %dma_start3A_20 = arith.constant 0 : i32
      %dma_start3A_21 = arith.constant 0 : i32
      %dma_start3A_22 = tpu.memref_slice %arg3[%dma_start3A_20, %dma_start3A_21] : memref<1007616x32xf32, #tpu.memory_space<hbm>> -> memref<1007616x32xf32, #tpu.memory_space<hbm>>
      tpu.enqueue_indirect_dma source(%dma_start3A_22 : memref<1007616x32xf32, #tpu.memory_space<hbm>>) target(%dma_start3A_16 : memref<128x32xf32, #tpu.memory_space<vmem>>) offsets(%dma_start3A_19 : memref<128xi32, #tpu.memory_space<vmem>>) semaphore(%arg7 : memref<!tpu.dma_semaphore, #tpu.memory_space<semaphore_mem>>)
      %dma_start3A_23 = arith.constant 1 : i32
      %dma_start3A_24 = arith.constant 1 : i32
      %dma_start3A_25 = arith.constant 0 : i32
      %dma_start3A_26 = arith.constant 0 : i32
      %dma_start3A_27 = tpu.memref_slice %arg6[%dma_start3A_24, %dma_start3A_25, %dma_start3A_26] : memref<8x128x32xf32, #tpu.memory_space<vmem>> -> memref<1x128x32xf32, #tpu.memory_space<vmem>>
      %dma_start3A_28 = tpu.memref_squeeze %dma_start3A_27 : memref<1x128x32xf32, #tpu.memory_space<vmem>> -> memref<128x32xf32, #tpu.memory_space<vmem>>
      %dma_start3A_29 = arith.constant 0 : i32
      %dma_start3A_30 = tpu.memref_slice %arg5[%dma_start3A_23, %dma_start3A_29] : memref<8x128xi32, #tpu.memory_space<vmem>> -> memref<1x128xi32, #tpu.memory_space<vmem>>
      %dma_start3A_31 = tpu.memref_squeeze %dma_start3A_30 : memref<1x128xi32, #tpu.memory_space<vmem>> -> memref<128xi32, #tpu.memory_space<vmem>>
      %dma_start3A_32 = arith.constant 0 : i32
      %dma_start3A_33 = arith.constant 0 : i32
      %dma_start3A_34 = tpu.memref_slice %arg3[%dma_start3A_32, %dma_start3A_33] : memref<1007616x32xf32, #tpu.memory_space<hbm>> -> memref<1007616x32xf32, #tpu.memory_space<hbm>>
      tpu.enqueue_indirect_dma source(%dma_start3A_34 : memref<1007616x32xf32, #tpu.memory_space<hbm>>) target(%dma_start3A_28 : memref<128x32xf32, #tpu.memory_space<vmem>>) offsets(%dma_start3A_31 : memref<128xi32, #tpu.memory_space<vmem>>) semaphore(%arg7 : memref<!tpu.dma_semaphore, #tpu.memory_space<semaphore_mem>>)
      %dma_start3A_35 = arith.constant 2 : i32
      %dma_start3A_36 = arith.constant 2 : i32
      %dma_start3A_37 = arith.constant 0 : i32
      %dma_start3A_38 = arith.constant 0 : i32
      %dma_start3A_39 = tpu.memref_slice %arg6[%dma_start3A_36, %dma_start3A_37, %dma_start3A_38] : memref<8x128x32xf32, #tpu.memory_space<vmem>> -> memref<1x128x32xf32, #tpu.memory_space<vmem>>
      %dma_start3A_40 = tpu.memref_squeeze %dma_start3A_39 : memref<1x128x32xf32, #tpu.memory_space<vmem>> -> memref<128x32xf32, #tpu.memory_space<vmem>>
      %dma_start3A_41 = arith.constant 0 : i32
      %dma_start3A_42 = tpu.memref_slice %arg5[%dma_start3A_35, %dma_start3A_41] : memref<8x128xi32, #tpu.memory_space<vmem>> -> memref<1x128xi32, #tpu.memory_space<vmem>>
      %dma_start3A_43 = tpu.memref_squeeze %dma_start3A_42 : memref<1x128xi32, #tpu.memory_space<vmem>> -> memref<128xi32, #tpu.memory_space<vmem>>
      %dma_start3A_44 = arith.constant 0 : i32
      %dma_start3A_45 = arith.constant 0 : i32
      %dma_start3A_46 = tpu.memref_slice %arg3[%dma_start3A_44, %dma_start3A_45] : memref<1007616x32xf32, #tpu.memory_space<hbm>> -> memref<1007616x32xf32, #tpu.memory_space<hbm>>
      tpu.enqueue_indirect_dma source(%dma_start3A_46 : memref<1007616x32xf32, #tpu.memory_space<hbm>>) target(%dma_start3A_40 : memref<128x32xf32, #tpu.memory_space<vmem>>) offsets(%dma_start3A_43 : memref<128xi32, #tpu.memory_space<vmem>>) semaphore(%arg7 : memref<!tpu.dma_semaphore, #tpu.memory_space<semaphore_mem>>)
      %dma_start3A_47 = arith.constant 3 : i32
      %dma_start3A_48 = arith.constant 3 : i32
      %dma_start3A_49 = arith.constant 0 : i32
      %dma_start3A_50 = arith.constant 0 : i32
      %dma_start3A_51 = tpu.memref_slice %arg6[%dma_start3A_48, %dma_start3A_49, %dma_start3A_50] : memref<8x128x32xf32, #tpu.memory_space<vmem>> -> memref<1x128x32xf32, #tpu.memory_space<vmem>>
      %dma_start3A_52 = tpu.memref_squeeze %dma_start3A_51 : memref<1x128x32xf32, #tpu.memory_space<vmem>> -> memref<128x32xf32, #tpu.memory_space<vmem>>
      %dma_start3A_53 = arith.constant 0 : i32
      %dma_start3A_54 = tpu.memref_slice %arg5[%dma_start3A_47, %dma_start3A_53] : memref<8x128xi32, #tpu.memory_space<vmem>> -> memref<1x128xi32, #tpu.memory_space<vmem>>
      %dma_start3A_55 = tpu.memref_squeeze %dma_start3A_54 : memref<1x128xi32, #tpu.memory_space<vmem>> -> memref<128xi32, #tpu.memory_space<vmem>>
      %dma_start3A_56 = arith.constant 0 : i32
      %dma_start3A_57 = arith.constant 0 : i32
      %dma_start3A_58 = tpu.memref_slice %arg3[%dma_start3A_56, %dma_start3A_57] : memref<1007616x32xf32, #tpu.memory_space<hbm>> -> memref<1007616x32xf32, #tpu.memory_space<hbm>>
      tpu.enqueue_indirect_dma source(%dma_start3A_58 : memref<1007616x32xf32, #tpu.memory_space<hbm>>) target(%dma_start3A_52 : memref<128x32xf32, #tpu.memory_space<vmem>>) offsets(%dma_start3A_55 : memref<128xi32, #tpu.memory_space<vmem>>) semaphore(%arg7 : memref<!tpu.dma_semaphore, #tpu.memory_space<semaphore_mem>>)
      %dma_start3A_59 = arith.constant 4 : i32
      %dma_start3A_60 = arith.constant 4 : i32
      %dma_start3A_61 = arith.constant 0 : i32
      %dma_start3A_62 = arith.constant 0 : i32
      %dma_start3A_63 = tpu.memref_slice %arg6[%dma_start3A_60, %dma_start3A_61, %dma_start3A_62] : memref<8x128x32xf32, #tpu.memory_space<vmem>> -> memref<1x128x32xf32, #tpu.memory_space<vmem>>
      %dma_start3A_64 = tpu.memref_squeeze %dma_start3A_63 : memref<1x128x32xf32, #tpu.memory_space<vmem>> -> memref<128x32xf32, #tpu.memory_space<vmem>>
      %dma_start3A_65 = arith.constant 0 : i32
      %dma_start3A_66 = tpu.memref_slice %arg5[%dma_start3A_59, %dma_start3A_65] : memref<8x128xi32, #tpu.memory_space<vmem>> -> memref<1x128xi32, #tpu.memory_space<vmem>>
      %dma_start3A_67 = tpu.memref_squeeze %dma_start3A_66 : memref<1x128xi32, #tpu.memory_space<vmem>> -> memref<128xi32, #tpu.memory_space<vmem>>
      %dma_start3A_68 = arith.constant 0 : i32
      %dma_start3A_69 = arith.constant 0 : i32
      %dma_start3A_70 = tpu.memref_slice %arg3[%dma_start3A_68, %dma_start3A_69] : memref<1007616x32xf32, #tpu.memory_space<hbm>> -> memref<1007616x32xf32, #tpu.memory_space<hbm>>
      tpu.enqueue_indirect_dma source(%dma_start3A_70 : memref<1007616x32xf32, #tpu.memory_space<hbm>>) target(%dma_start3A_64 : memref<128x32xf32, #tpu.memory_space<vmem>>) offsets(%dma_start3A_67 : memref<128xi32, #tpu.memory_space<vmem>>) semaphore(%arg7 : memref<!tpu.dma_semaphore, #tpu.memory_space<semaphore_mem>>)
      %dma_start3A_71 = arith.constant 5 : i32
      %dma_start3A_72 = arith.constant 5 : i32
      %dma_start3A_73 = arith.constant 0 : i32
      %dma_start3A_74 = arith.constant 0 : i32
      %dma_start3A_75 = tpu.memref_slice %arg6[%dma_start3A_72, %dma_start3A_73, %dma_start3A_74] : memref<8x128x32xf32, #tpu.memory_space<vmem>> -> memref<1x128x32xf32, #tpu.memory_space<vmem>>
      %dma_start3A_76 = tpu.memref_squeeze %dma_start3A_75 : memref<1x128x32xf32, #tpu.memory_space<vmem>> -> memref<128x32xf32, #tpu.memory_space<vmem>>
      %dma_start3A_77 = arith.constant 0 : i32
      %dma_start3A_78 = tpu.memref_slice %arg5[%dma_start3A_71, %dma_start3A_77] : memref<8x128xi32, #tpu.memory_space<vmem>> -> memref<1x128xi32, #tpu.memory_space<vmem>>
      %dma_start3A_79 = tpu.memref_squeeze %dma_start3A_78 : memref<1x128xi32, #tpu.memory_space<vmem>> -> memref<128xi32, #tpu.memory_space<vmem>>
      %dma_start3A_80 = arith.constant 0 : i32
      %dma_start3A_81 = arith.constant 0 : i32
      %dma_start3A_82 = tpu.memref_slice %arg3[%dma_start3A_80, %dma_start3A_81] : memref<1007616x32xf32, #tpu.memory_space<hbm>> -> memref<1007616x32xf32, #tpu.memory_space<hbm>>
      tpu.enqueue_indirect_dma source(%dma_start3A_82 : memref<1007616x32xf32, #tpu.memory_space<hbm>>) target(%dma_start3A_76 : memref<128x32xf32, #tpu.memory_space<vmem>>) offsets(%dma_start3A_79 : memref<128xi32, #tpu.memory_space<vmem>>) semaphore(%arg7 : memref<!tpu.dma_semaphore, #tpu.memory_space<semaphore_mem>>)
      %dma_start3A_83 = arith.constant 6 : i32
      %dma_start3A_84 = arith.constant 6 : i32
      %dma_start3A_85 = arith.constant 0 : i32
      %dma_start3A_86 = arith.constant 0 : i32
      %dma_start3A_87 = tpu.memref_slice %arg6[%dma_start3A_84, %dma_start3A_85, %dma_start3A_86] : memref<8x128x32xf32, #tpu.memory_space<vmem>> -> memref<1x128x32xf32, #tpu.memory_space<vmem>>
      %dma_start3A_88 = tpu.memref_squeeze %dma_start3A_87 : memref<1x128x32xf32, #tpu.memory_space<vmem>> -> memref<128x32xf32, #tpu.memory_space<vmem>>
      %dma_start3A_89 = arith.constant 0 : i32
      %dma_start3A_90 = tpu.memref_slice %arg5[%dma_start3A_83, %dma_start3A_89] : memref<8x128xi32, #tpu.memory_space<vmem>> -> memref<1x128xi32, #tpu.memory_space<vmem>>
      %dma_start3A_91 = tpu.memref_squeeze %dma_start3A_90 : memref<1x128xi32, #tpu.memory_space<vmem>> -> memref<128xi32, #tpu.memory_space<vmem>>
      %dma_start3A_92 = arith.constant 0 : i32
      %dma_start3A_93 = arith.constant 0 : i32
      %dma_start3A_94 = tpu.memref_slice %arg3[%dma_start3A_92, %dma_start3A_93] : memref<1007616x32xf32, #tpu.memory_space<hbm>> -> memref<1007616x32xf32, #tpu.memory_space<hbm>>
      tpu.enqueue_indirect_dma source(%dma_start3A_94 : memref<1007616x32xf32, #tpu.memory_space<hbm>>) target(%dma_start3A_88 : memref<128x32xf32, #tpu.memory_space<vmem>>) offsets(%dma_start3A_91 : memref<128xi32, #tpu.memory_space<vmem>>) semaphore(%arg7 : memref<!tpu.dma_semaphore, #tpu.memory_space<semaphore_mem>>)
      %dma_start3A_95 = arith.constant 7 : i32
      %dma_start3A_96 = arith.constant 7 : i32
      %dma_start3A_97 = arith.constant 0 : i32
      %dma_start3A_98 = arith.constant 0 : i32
      %dma_start3A_99 = tpu.memref_slice %arg6[%dma_start3A_96, %dma_start3A_97, %dma_start3A_98] : memref<8x128x32xf32, #tpu.memory_space<vmem>> -> memref<1x128x32xf32, #tpu.memory_space<vmem>>
      %dma_start3A_100 = tpu.memref_squeeze %dma_start3A_99 : memref<1x128x32xf32, #tpu.memory_space<vmem>> -> memref<128x32xf32, #tpu.memory_space<vmem>>
      %dma_start3A_101 = arith.constant 0 : i32
      %dma_start3A_102 = tpu.memref_slice %arg5[%dma_start3A_95, %dma_start3A_101] : memref<8x128xi32, #tpu.memory_space<vmem>> -> memref<1x128xi32, #tpu.memory_space<vmem>>
      %dma_start3A_103 = tpu.memref_squeeze %dma_start3A_102 : memref<1x128xi32, #tpu.memory_space<vmem>> -> memref<128xi32, #tpu.memory_space<vmem>>
      %dma_start3A_104 = arith.constant 0 : i32
      %dma_start3A_105 = arith.constant 0 : i32
      %dma_start3A_106 = tpu.memref_slice %arg3[%dma_start3A_104, %dma_start3A_105] : memref<1007616x32xf32, #tpu.memory_space<hbm>> -> memref<1007616x32xf32, #tpu.memory_space<hbm>>
      tpu.enqueue_indirect_dma source(%dma_start3A_106 : memref<1007616x32xf32, #tpu.memory_space<hbm>>) target(%dma_start3A_100 : memref<128x32xf32, #tpu.memory_space<vmem>>) offsets(%dma_start3A_103 : memref<128xi32, #tpu.memory_space<vmem>>) semaphore(%arg7 : memref<!tpu.dma_semaphore, #tpu.memory_space<semaphore_mem>>)
      %dma_wait3A = arith.constant 0 : i32
      %dma_wait3A_107 = arith.constant 0 : i32
      %dma_wait3A_108 = arith.constant 0 : i32
      %dma_wait3A_109 = arith.constant 0 : i32
      %dma_wait3A_110 = tpu.memref_slice %arg6[%dma_wait3A_107, %dma_wait3A_108, %dma_wait3A_109] : memref<8x128x32xf32, #tpu.memory_space<vmem>> -> memref<1x128x32xf32, #tpu.memory_space<vmem>>
      %dma_wait3A_111 = tpu.memref_squeeze %dma_wait3A_110 : memref<1x128x32xf32, #tpu.memory_space<vmem>> -> memref<128x32xf32, #tpu.memory_space<vmem>>
      %dma_wait3A_112 = arith.constant 0 : i32
      %dma_wait3A_113 = tpu.memref_slice %arg5[%dma_wait3A, %dma_wait3A_112] : memref<8x128xi32, #tpu.memory_space<vmem>> -> memref<1x128xi32, #tpu.memory_space<vmem>>
      %dma_wait3A_114 = tpu.memref_squeeze %dma_wait3A_113 : memref<1x128xi32, #tpu.memory_space<vmem>> -> memref<128xi32, #tpu.memory_space<vmem>>
      %dma_wait3A_115 = arith.constant 0 : i32
      %dma_wait3A_116 = arith.constant 0 : i32
      %dma_wait3A_117 = tpu.memref_slice %arg3[%dma_wait3A_115, %dma_wait3A_116] : memref<1007616x32xf32, #tpu.memory_space<hbm>> -> memref<1007616x32xf32, #tpu.memory_space<hbm>>
      tpu.wait_indirect_dma semaphore(%arg7 : memref<!tpu.dma_semaphore, #tpu.memory_space<semaphore_mem>>) src(%dma_wait3A_117 : memref<1007616x32xf32, #tpu.memory_space<hbm>>) dst(%dma_wait3A_111 : memref<128x32xf32, #tpu.memory_space<vmem>>)
      %dma_wait3A_118 = arith.constant 1 : i32
      %dma_wait3A_119 = arith.constant 1 : i32
      %dma_wait3A_120 = arith.constant 0 : i32
      %dma_wait3A_121 = arith.constant 0 : i32
      %dma_wait3A_122 = tpu.memref_slice %arg6[%dma_wait3A_119, %dma_wait3A_120, %dma_wait3A_121] : memref<8x128x32xf32, #tpu.memory_space<vmem>> -> memref<1x128x32xf32, #tpu.memory_space<vmem>>
      %dma_wait3A_123 = tpu.memref_squeeze %dma_wait3A_122 : memref<1x128x32xf32, #tpu.memory_space<vmem>> -> memref<128x32xf32, #tpu.memory_space<vmem>>
      %dma_wait3A_124 = arith.constant 0 : i32
      %dma_wait3A_125 = tpu.memref_slice %arg5[%dma_wait3A_118, %dma_wait3A_124] : memref<8x128xi32, #tpu.memory_space<vmem>> -> memref<1x128xi32, #tpu.memory_space<vmem>>
      %dma_wait3A_126 = tpu.memref_squeeze %dma_wait3A_125 : memref<1x128xi32, #tpu.memory_space<vmem>> -> memref<128xi32, #tpu.memory_space<vmem>>
      %dma_wait3A_127 = arith.constant 0 : i32
      %dma_wait3A_128 = arith.constant 0 : i32
      %dma_wait3A_129 = tpu.memref_slice %arg3[%dma_wait3A_127, %dma_wait3A_128] : memref<1007616x32xf32, #tpu.memory_space<hbm>> -> memref<1007616x32xf32, #tpu.memory_space<hbm>>
      tpu.wait_indirect_dma semaphore(%arg7 : memref<!tpu.dma_semaphore, #tpu.memory_space<semaphore_mem>>) src(%dma_wait3A_129 : memref<1007616x32xf32, #tpu.memory_space<hbm>>) dst(%dma_wait3A_123 : memref<128x32xf32, #tpu.memory_space<vmem>>)
      %dma_wait3A_130 = arith.constant 2 : i32
      %dma_wait3A_131 = arith.constant 2 : i32
      %dma_wait3A_132 = arith.constant 0 : i32
      %dma_wait3A_133 = arith.constant 0 : i32
      %dma_wait3A_134 = tpu.memref_slice %arg6[%dma_wait3A_131, %dma_wait3A_132, %dma_wait3A_133] : memref<8x128x32xf32, #tpu.memory_space<vmem>> -> memref<1x128x32xf32, #tpu.memory_space<vmem>>
      %dma_wait3A_135 = tpu.memref_squeeze %dma_wait3A_134 : memref<1x128x32xf32, #tpu.memory_space<vmem>> -> memref<128x32xf32, #tpu.memory_space<vmem>>
      %dma_wait3A_136 = arith.constant 0 : i32
      %dma_wait3A_137 = tpu.memref_slice %arg5[%dma_wait3A_130, %dma_wait3A_136] : memref<8x128xi32, #tpu.memory_space<vmem>> -> memref<1x128xi32, #tpu.memory_space<vmem>>
      %dma_wait3A_138 = tpu.memref_squeeze %dma_wait3A_137 : memref<1x128xi32, #tpu.memory_space<vmem>> -> memref<128xi32, #tpu.memory_space<vmem>>
      %dma_wait3A_139 = arith.constant 0 : i32
      %dma_wait3A_140 = arith.constant 0 : i32
      %dma_wait3A_141 = tpu.memref_slice %arg3[%dma_wait3A_139, %dma_wait3A_140] : memref<1007616x32xf32, #tpu.memory_space<hbm>> -> memref<1007616x32xf32, #tpu.memory_space<hbm>>
      tpu.wait_indirect_dma semaphore(%arg7 : memref<!tpu.dma_semaphore, #tpu.memory_space<semaphore_mem>>) src(%dma_wait3A_141 : memref<1007616x32xf32, #tpu.memory_space<hbm>>) dst(%dma_wait3A_135 : memref<128x32xf32, #tpu.memory_space<vmem>>)
      %dma_wait3A_142 = arith.constant 3 : i32
      %dma_wait3A_143 = arith.constant 3 : i32
      %dma_wait3A_144 = arith.constant 0 : i32
      %dma_wait3A_145 = arith.constant 0 : i32
      %dma_wait3A_146 = tpu.memref_slice %arg6[%dma_wait3A_143, %dma_wait3A_144, %dma_wait3A_145] : memref<8x128x32xf32, #tpu.memory_space<vmem>> -> memref<1x128x32xf32, #tpu.memory_space<vmem>>
      %dma_wait3A_147 = tpu.memref_squeeze %dma_wait3A_146 : memref<1x128x32xf32, #tpu.memory_space<vmem>> -> memref<128x32xf32, #tpu.memory_space<vmem>>
      %dma_wait3A_148 = arith.constant 0 : i32
      %dma_wait3A_149 = tpu.memref_slice %arg5[%dma_wait3A_142, %dma_wait3A_148] : memref<8x128xi32, #tpu.memory_space<vmem>> -> memref<1x128xi32, #tpu.memory_space<vmem>>
      %dma_wait3A_150 = tpu.memref_squeeze %dma_wait3A_149 : memref<1x128xi32, #tpu.memory_space<vmem>> -> memref<128xi32, #tpu.memory_space<vmem>>
      %dma_wait3A_151 = arith.constant 0 : i32
      %dma_wait3A_152 = arith.constant 0 : i32
      %dma_wait3A_153 = tpu.memref_slice %arg3[%dma_wait3A_151, %dma_wait3A_152] : memref<1007616x32xf32, #tpu.memory_space<hbm>> -> memref<1007616x32xf32, #tpu.memory_space<hbm>>
      tpu.wait_indirect_dma semaphore(%arg7 : memref<!tpu.dma_semaphore, #tpu.memory_space<semaphore_mem>>) src(%dma_wait3A_153 : memref<1007616x32xf32, #tpu.memory_space<hbm>>) dst(%dma_wait3A_147 : memref<128x32xf32, #tpu.memory_space<vmem>>)
      %dma_wait3A_154 = arith.constant 4 : i32
      %dma_wait3A_155 = arith.constant 4 : i32
      %dma_wait3A_156 = arith.constant 0 : i32
      %dma_wait3A_157 = arith.constant 0 : i32
      %dma_wait3A_158 = tpu.memref_slice %arg6[%dma_wait3A_155, %dma_wait3A_156, %dma_wait3A_157] : memref<8x128x32xf32, #tpu.memory_space<vmem>> -> memref<1x128x32xf32, #tpu.memory_space<vmem>>
      %dma_wait3A_159 = tpu.memref_squeeze %dma_wait3A_158 : memref<1x128x32xf32, #tpu.memory_space<vmem>> -> memref<128x32xf32, #tpu.memory_space<vmem>>
      %dma_wait3A_160 = arith.constant 0 : i32
      %dma_wait3A_161 = tpu.memref_slice %arg5[%dma_wait3A_154, %dma_wait3A_160] : memref<8x128xi32, #tpu.memory_space<vmem>> -> memref<1x128xi32, #tpu.memory_space<vmem>>
      %dma_wait3A_162 = tpu.memref_squeeze %dma_wait3A_161 : memref<1x128xi32, #tpu.memory_space<vmem>> -> memref<128xi32, #tpu.memory_space<vmem>>
      %dma_wait3A_163 = arith.constant 0 : i32
      %dma_wait3A_164 = arith.constant 0 : i32
      %dma_wait3A_165 = tpu.memref_slice %arg3[%dma_wait3A_163, %dma_wait3A_164] : memref<1007616x32xf32, #tpu.memory_space<hbm>> -> memref<1007616x32xf32, #tpu.memory_space<hbm>>
      tpu.wait_indirect_dma semaphore(%arg7 : memref<!tpu.dma_semaphore, #tpu.memory_space<semaphore_mem>>) src(%dma_wait3A_165 : memref<1007616x32xf32, #tpu.memory_space<hbm>>) dst(%dma_wait3A_159 : memref<128x32xf32, #tpu.memory_space<vmem>>)
      %dma_wait3A_166 = arith.constant 5 : i32
      %dma_wait3A_167 = arith.constant 5 : i32
      %dma_wait3A_168 = arith.constant 0 : i32
      %dma_wait3A_169 = arith.constant 0 : i32
      %dma_wait3A_170 = tpu.memref_slice %arg6[%dma_wait3A_167, %dma_wait3A_168, %dma_wait3A_169] : memref<8x128x32xf32, #tpu.memory_space<vmem>> -> memref<1x128x32xf32, #tpu.memory_space<vmem>>
      %dma_wait3A_171 = tpu.memref_squeeze %dma_wait3A_170 : memref<1x128x32xf32, #tpu.memory_space<vmem>> -> memref<128x32xf32, #tpu.memory_space<vmem>>
      %dma_wait3A_172 = arith.constant 0 : i32
      %dma_wait3A_173 = tpu.memref_slice %arg5[%dma_wait3A_166, %dma_wait3A_172] : memref<8x128xi32, #tpu.memory_space<vmem>> -> memref<1x128xi32, #tpu.memory_space<vmem>>
      %dma_wait3A_174 = tpu.memref_squeeze %dma_wait3A_173 : memref<1x128xi32, #tpu.memory_space<vmem>> -> memref<128xi32, #tpu.memory_space<vmem>>
      %dma_wait3A_175 = arith.constant 0 : i32
      %dma_wait3A_176 = arith.constant 0 : i32
      %dma_wait3A_177 = tpu.memref_slice %arg3[%dma_wait3A_175, %dma_wait3A_176] : memref<1007616x32xf32, #tpu.memory_space<hbm>> -> memref<1007616x32xf32, #tpu.memory_space<hbm>>
      tpu.wait_indirect_dma semaphore(%arg7 : memref<!tpu.dma_semaphore, #tpu.memory_space<semaphore_mem>>) src(%dma_wait3A_177 : memref<1007616x32xf32, #tpu.memory_space<hbm>>) dst(%dma_wait3A_171 : memref<128x32xf32, #tpu.memory_space<vmem>>)
      %dma_wait3A_178 = arith.constant 6 : i32
      %dma_wait3A_179 = arith.constant 6 : i32
      %dma_wait3A_180 = arith.constant 0 : i32
      %dma_wait3A_181 = arith.constant 0 : i32
      %dma_wait3A_182 = tpu.memref_slice %arg6[%dma_wait3A_179, %dma_wait3A_180, %dma_wait3A_181] : memref<8x128x32xf32, #tpu.memory_space<vmem>> -> memref<1x128x32xf32, #tpu.memory_space<vmem>>
      %dma_wait3A_183 = tpu.memref_squeeze %dma_wait3A_182 : memref<1x128x32xf32, #tpu.memory_space<vmem>> -> memref<128x32xf32, #tpu.memory_space<vmem>>
      %dma_wait3A_184 = arith.constant 0 : i32
      %dma_wait3A_185 = tpu.memref_slice %arg5[%dma_wait3A_178, %dma_wait3A_184] : memref<8x128xi32, #tpu.memory_space<vmem>> -> memref<1x128xi32, #tpu.memory_space<vmem>>
      %dma_wait3A_186 = tpu.memref_squeeze %dma_wait3A_185 : memref<1x128xi32, #tpu.memory_space<vmem>> -> memref<128xi32, #tpu.memory_space<vmem>>
      %dma_wait3A_187 = arith.constant 0 : i32
      %dma_wait3A_188 = arith.constant 0 : i32
      %dma_wait3A_189 = tpu.memref_slice %arg3[%dma_wait3A_187, %dma_wait3A_188] : memref<1007616x32xf32, #tpu.memory_space<hbm>> -> memref<1007616x32xf32, #tpu.memory_space<hbm>>
      tpu.wait_indirect_dma semaphore(%arg7 : memref<!tpu.dma_semaphore, #tpu.memory_space<semaphore_mem>>) src(%dma_wait3A_189 : memref<1007616x32xf32, #tpu.memory_space<hbm>>) dst(%dma_wait3A_183 : memref<128x32xf32, #tpu.memory_space<vmem>>)
      %dma_wait3A_190 = arith.constant 7 : i32
      %dma_wait3A_191 = arith.constant 7 : i32
      %dma_wait3A_192 = arith.constant 0 : i32
      %dma_wait3A_193 = arith.constant 0 : i32
      %dma_wait3A_194 = tpu.memref_slice %arg6[%dma_wait3A_191, %dma_wait3A_192, %dma_wait3A_193] : memref<8x128x32xf32, #tpu.memory_space<vmem>> -> memref<1x128x32xf32, #tpu.memory_space<vmem>>
      %dma_wait3A_195 = tpu.memref_squeeze %dma_wait3A_194 : memref<1x128x32xf32, #tpu.memory_space<vmem>> -> memref<128x32xf32, #tpu.memory_space<vmem>>
      %dma_wait3A_196 = arith.constant 0 : i32
      %dma_wait3A_197 = tpu.memref_slice %arg5[%dma_wait3A_190, %dma_wait3A_196] : memref<8x128xi32, #tpu.memory_space<vmem>> -> memref<1x128xi32, #tpu.memory_space<vmem>>
      %dma_wait3A_198 = tpu.memref_squeeze %dma_wait3A_197 : memref<1x128xi32, #tpu.memory_space<vmem>> -> memref<128xi32, #tpu.memory_space<vmem>>
      %dma_wait3A_199 = arith.constant 0 : i32
      %dma_wait3A_200 = arith.constant 0 : i32
      %dma_wait3A_201 = tpu.memref_slice %arg3[%dma_wait3A_199, %dma_wait3A_200] : memref<1007616x32xf32, #tpu.memory_space<hbm>> -> memref<1007616x32xf32, #tpu.memory_space<hbm>>
      tpu.wait_indirect_dma semaphore(%arg7 : memref<!tpu.dma_semaphore, #tpu.memory_space<semaphore_mem>>) src(%dma_wait3A_201 : memref<1007616x32xf32, #tpu.memory_space<hbm>>) dst(%dma_wait3A_195 : memref<128x32xf32, #tpu.memory_space<vmem>>)
      "tpu.region"() ({
        %run_scoped3A = tpu.sem_alloc : memref<!tpu.dma_semaphore, #tpu.memory_space<semaphore_mem>>
        %dma_start3A_202 = arith.constant 0 : i32
        %dma_start3A_203 = arith.constant 0 : i32
        %dma_start3A_204 = arith.constant 0 : i32
        %dma_start3A_205 = tpu.memref_slice %arg4[%add3A_9, %dma_start3A_202, %dma_start3A_203, %dma_start3A_204] : memref<160x8x128x32xf32, #tpu.memory_space<hbm>> -> memref<1x8x128x32xf32, #tpu.memory_space<hbm>>
        %dma_start3A_206 = tpu.memref_squeeze %dma_start3A_205 : memref<1x8x128x32xf32, #tpu.memory_space<hbm>> -> memref<8x128x32xf32, #tpu.memory_space<hbm>>
        %dma_start3A_207 = arith.constant 0 : i32
        %dma_start3A_208 = arith.constant 0 : i32
        %dma_start3A_209 = arith.constant 0 : i32
        %dma_start3A_210 = tpu.memref_slice %arg4[%add3A_9, %dma_start3A_207, %dma_start3A_208, %dma_start3A_209] : memref<160x8x128x32xf32, #tpu.memory_space<hbm>> -> memref<1x8x128x32xf32, #tpu.memory_space<hbm>>
        %dma_start3A_211 = tpu.memref_squeeze %dma_start3A_210 : memref<1x8x128x32xf32, #tpu.memory_space<hbm>> -> memref<8x128x32xf32, #tpu.memory_space<hbm>>
        tpu.enqueue_dma source(%arg6 : memref<8x128x32xf32, #tpu.memory_space<vmem>>) target(%dma_start3A_211 : memref<8x128x32xf32, #tpu.memory_space<hbm>>) target_semaphore(%run_scoped3A : memref<!tpu.dma_semaphore, #tpu.memory_space<semaphore_mem>>)
        %dma_wait3A_212 = arith.constant 0 : i32
        %dma_wait3A_213 = arith.constant 0 : i32
        %dma_wait3A_214 = arith.constant 0 : i32
        %dma_wait3A_215 = tpu.memref_slice %arg4[%add3A_9, %dma_wait3A_212, %dma_wait3A_213, %dma_wait3A_214] : memref<160x8x128x32xf32, #tpu.memory_space<hbm>> -> memref<1x8x128x32xf32, #tpu.memory_space<hbm>>
        %dma_wait3A_216 = tpu.memref_squeeze %dma_wait3A_215 : memref<1x8x128x32xf32, #tpu.memory_space<hbm>> -> memref<8x128x32xf32, #tpu.memory_space<hbm>>
        %dma_wait3A_217 = arith.constant 0 : i32
        %dma_wait3A_218 = arith.constant 0 : i32
        %dma_wait3A_219 = arith.constant 0 : i32
        %dma_wait3A_220 = tpu.memref_slice %arg4[%add3A_9, %dma_wait3A_217, %dma_wait3A_218, %dma_wait3A_219] : memref<160x8x128x32xf32, #tpu.memory_space<hbm>> -> memref<1x8x128x32xf32, #tpu.memory_space<hbm>>
        %dma_wait3A_221 = tpu.memref_squeeze %dma_wait3A_220 : memref<1x8x128x32xf32, #tpu.memory_space<hbm>> -> memref<8x128x32xf32, #tpu.memory_space<hbm>>
        tpu.wait_dma2 semaphore(%run_scoped3A : memref<!tpu.dma_semaphore, #tpu.memory_space<semaphore_mem>>) src(%arg6 : memref<8x128x32xf32, #tpu.memory_space<vmem>>) dst(%dma_wait3A_221 : memref<8x128x32xf32, #tpu.memory_space<hbm>>)
        tpu.yield
      }) : () -> ()
    }
    %scan3A_7 = arith.constant 5 : i32
    return
  }
}

#map = affine_map<(d0, d1) -> (0, 0)>
#map1 = affine_map<(d0, d1) -> (0, 0, 0, 0)>
module attributes {stable_mosaic.version = 14 : i64} {
  func.func @gather_kernel(%arg0: i32, %arg1: i32, %arg2: memref<256x128xi32, #tpu.memory_space<hbm>>, %arg3: memref<1007616x32xf32, #tpu.memory_space<hbm>>, %arg4: memref<32x8x128x32xf32, #tpu.memory_space<hbm>>, %arg5: memref<8x128xi32, #tpu.memory_space<vmem>>, %arg6: memref<8x128x32xf32, #tpu.memory_space<vmem>>, %arg7: memref<!tpu.dma_semaphore, #tpu.memory_space<semaphore_mem>>) attributes {dimension_semantics = [#tpu.dimension_semantics<core_parallel>, #tpu.dimension_semantics<subcore_parallel>], iteration_bounds = array<i64: 2, 16>, scalar_prefetch = 0 : i64, scratch_operands = 3 : i64, tpu.core_type = #tpu.core_type<sc_vector_subcore>, window_params = [{transform_indices = #map}, {transform_indices = #map}, {transform_indices = #map1}]} {
    %mul3A = arith.constant 2 : i32
    %mul3A_0 = arith.muli %arg1, %mul3A : i32
    %add3A = arith.addi %mul3A_0, %arg0 : i32
    %mul3A_1 = arith.constant 1 : i32
    %mul3A_2 = arith.muli %add3A, %mul3A_1 : i32
    %scan3A = arith.constant 0 : i32
    %scan3A_3 = arith.constant 0 : i32
    %add3A_4 = arith.addi %mul3A_2, %scan3A_3 : i32
    %mul3A_5 = arith.constant 8 : i32
    %mul3A_6 = arith.muli %add3A_4, %mul3A_5 : i32
    "tpu.region"() ({
      %run_scoped3A = tpu.sem_alloc : memref<!tpu.dma_semaphore, #tpu.memory_space<semaphore_mem>>
      %dma_start3A_198 = arith.constant 0 : i32
      %dma_start3A_199 = tpu.memref_slice %arg2[%mul3A_6, %dma_start3A_198] : memref<256x128xi32, #tpu.memory_space<hbm>> -> memref<8x128xi32, #tpu.memory_space<hbm>>
      %dma_start3A_200 = arith.constant 0 : i32
      %dma_start3A_201 = tpu.memref_slice %arg2[%mul3A_6, %dma_start3A_200] : memref<256x128xi32, #tpu.memory_space<hbm>> -> memref<8x128xi32, #tpu.memory_space<hbm>>
      tpu.enqueue_dma source(%dma_start3A_201 : memref<8x128xi32, #tpu.memory_space<hbm>>) target(%arg5 : memref<8x128xi32, #tpu.memory_space<vmem>>) target_semaphore(%run_scoped3A : memref<!tpu.dma_semaphore, #tpu.memory_space<semaphore_mem>>)
      %dma_wait3A_202 = arith.constant 0 : i32
      %dma_wait3A_203 = tpu.memref_slice %arg2[%mul3A_6, %dma_wait3A_202] : memref<256x128xi32, #tpu.memory_space<hbm>> -> memref<8x128xi32, #tpu.memory_space<hbm>>
      %dma_wait3A_204 = arith.constant 0 : i32
      %dma_wait3A_205 = tpu.memref_slice %arg2[%mul3A_6, %dma_wait3A_204] : memref<256x128xi32, #tpu.memory_space<hbm>> -> memref<8x128xi32, #tpu.memory_space<hbm>>
      tpu.wait_dma2 semaphore(%run_scoped3A : memref<!tpu.dma_semaphore, #tpu.memory_space<semaphore_mem>>) src(%dma_wait3A_205 : memref<8x128xi32, #tpu.memory_space<hbm>>) dst(%arg5 : memref<8x128xi32, #tpu.memory_space<vmem>>)
      tpu.yield
    }) : () -> ()
    %dma_start3A = arith.constant 0 : i32
    %dma_start3A_7 = arith.constant 0 : i32
    %dma_start3A_8 = arith.constant 0 : i32
    %dma_start3A_9 = arith.constant 0 : i32
    %dma_start3A_10 = tpu.memref_slice %arg6[%dma_start3A_7, %dma_start3A_8, %dma_start3A_9] : memref<8x128x32xf32, #tpu.memory_space<vmem>> -> memref<1x128x32xf32, #tpu.memory_space<vmem>>
    %dma_start3A_11 = tpu.memref_squeeze %dma_start3A_10 : memref<1x128x32xf32, #tpu.memory_space<vmem>> -> memref<128x32xf32, #tpu.memory_space<vmem>>
    %dma_start3A_12 = arith.constant 0 : i32
    %dma_start3A_13 = tpu.memref_slice %arg5[%dma_start3A, %dma_start3A_12] : memref<8x128xi32, #tpu.memory_space<vmem>> -> memref<1x128xi32, #tpu.memory_space<vmem>>
    %dma_start3A_14 = tpu.memref_squeeze %dma_start3A_13 : memref<1x128xi32, #tpu.memory_space<vmem>> -> memref<128xi32, #tpu.memory_space<vmem>>
    %dma_start3A_15 = arith.constant 0 : i32
    %dma_start3A_16 = arith.constant 0 : i32
    %dma_start3A_17 = tpu.memref_slice %arg3[%dma_start3A_15, %dma_start3A_16] : memref<1007616x32xf32, #tpu.memory_space<hbm>> -> memref<1007616x32xf32, #tpu.memory_space<hbm>>
    tpu.enqueue_indirect_dma source(%dma_start3A_17 : memref<1007616x32xf32, #tpu.memory_space<hbm>>) target(%dma_start3A_11 : memref<128x32xf32, #tpu.memory_space<vmem>>) offsets(%dma_start3A_14 : memref<128xi32, #tpu.memory_space<vmem>>) semaphore(%arg7 : memref<!tpu.dma_semaphore, #tpu.memory_space<semaphore_mem>>)
    %dma_start3A_18 = arith.constant 1 : i32
    %dma_start3A_19 = arith.constant 1 : i32
    %dma_start3A_20 = arith.constant 0 : i32
    %dma_start3A_21 = arith.constant 0 : i32
    %dma_start3A_22 = tpu.memref_slice %arg6[%dma_start3A_19, %dma_start3A_20, %dma_start3A_21] : memref<8x128x32xf32, #tpu.memory_space<vmem>> -> memref<1x128x32xf32, #tpu.memory_space<vmem>>
    %dma_start3A_23 = tpu.memref_squeeze %dma_start3A_22 : memref<1x128x32xf32, #tpu.memory_space<vmem>> -> memref<128x32xf32, #tpu.memory_space<vmem>>
    %dma_start3A_24 = arith.constant 0 : i32
    %dma_start3A_25 = tpu.memref_slice %arg5[%dma_start3A_18, %dma_start3A_24] : memref<8x128xi32, #tpu.memory_space<vmem>> -> memref<1x128xi32, #tpu.memory_space<vmem>>
    %dma_start3A_26 = tpu.memref_squeeze %dma_start3A_25 : memref<1x128xi32, #tpu.memory_space<vmem>> -> memref<128xi32, #tpu.memory_space<vmem>>
    %dma_start3A_27 = arith.constant 0 : i32
    %dma_start3A_28 = arith.constant 0 : i32
    %dma_start3A_29 = tpu.memref_slice %arg3[%dma_start3A_27, %dma_start3A_28] : memref<1007616x32xf32, #tpu.memory_space<hbm>> -> memref<1007616x32xf32, #tpu.memory_space<hbm>>
    tpu.enqueue_indirect_dma source(%dma_start3A_29 : memref<1007616x32xf32, #tpu.memory_space<hbm>>) target(%dma_start3A_23 : memref<128x32xf32, #tpu.memory_space<vmem>>) offsets(%dma_start3A_26 : memref<128xi32, #tpu.memory_space<vmem>>) semaphore(%arg7 : memref<!tpu.dma_semaphore, #tpu.memory_space<semaphore_mem>>)
    %dma_start3A_30 = arith.constant 2 : i32
    %dma_start3A_31 = arith.constant 2 : i32
    %dma_start3A_32 = arith.constant 0 : i32
    %dma_start3A_33 = arith.constant 0 : i32
    %dma_start3A_34 = tpu.memref_slice %arg6[%dma_start3A_31, %dma_start3A_32, %dma_start3A_33] : memref<8x128x32xf32, #tpu.memory_space<vmem>> -> memref<1x128x32xf32, #tpu.memory_space<vmem>>
    %dma_start3A_35 = tpu.memref_squeeze %dma_start3A_34 : memref<1x128x32xf32, #tpu.memory_space<vmem>> -> memref<128x32xf32, #tpu.memory_space<vmem>>
    %dma_start3A_36 = arith.constant 0 : i32
    %dma_start3A_37 = tpu.memref_slice %arg5[%dma_start3A_30, %dma_start3A_36] : memref<8x128xi32, #tpu.memory_space<vmem>> -> memref<1x128xi32, #tpu.memory_space<vmem>>
    %dma_start3A_38 = tpu.memref_squeeze %dma_start3A_37 : memref<1x128xi32, #tpu.memory_space<vmem>> -> memref<128xi32, #tpu.memory_space<vmem>>
    %dma_start3A_39 = arith.constant 0 : i32
    %dma_start3A_40 = arith.constant 0 : i32
    %dma_start3A_41 = tpu.memref_slice %arg3[%dma_start3A_39, %dma_start3A_40] : memref<1007616x32xf32, #tpu.memory_space<hbm>> -> memref<1007616x32xf32, #tpu.memory_space<hbm>>
    tpu.enqueue_indirect_dma source(%dma_start3A_41 : memref<1007616x32xf32, #tpu.memory_space<hbm>>) target(%dma_start3A_35 : memref<128x32xf32, #tpu.memory_space<vmem>>) offsets(%dma_start3A_38 : memref<128xi32, #tpu.memory_space<vmem>>) semaphore(%arg7 : memref<!tpu.dma_semaphore, #tpu.memory_space<semaphore_mem>>)
    %dma_start3A_42 = arith.constant 3 : i32
    %dma_start3A_43 = arith.constant 3 : i32
    %dma_start3A_44 = arith.constant 0 : i32
    %dma_start3A_45 = arith.constant 0 : i32
    %dma_start3A_46 = tpu.memref_slice %arg6[%dma_start3A_43, %dma_start3A_44, %dma_start3A_45] : memref<8x128x32xf32, #tpu.memory_space<vmem>> -> memref<1x128x32xf32, #tpu.memory_space<vmem>>
    %dma_start3A_47 = tpu.memref_squeeze %dma_start3A_46 : memref<1x128x32xf32, #tpu.memory_space<vmem>> -> memref<128x32xf32, #tpu.memory_space<vmem>>
    %dma_start3A_48 = arith.constant 0 : i32
    %dma_start3A_49 = tpu.memref_slice %arg5[%dma_start3A_42, %dma_start3A_48] : memref<8x128xi32, #tpu.memory_space<vmem>> -> memref<1x128xi32, #tpu.memory_space<vmem>>
    %dma_start3A_50 = tpu.memref_squeeze %dma_start3A_49 : memref<1x128xi32, #tpu.memory_space<vmem>> -> memref<128xi32, #tpu.memory_space<vmem>>
    %dma_start3A_51 = arith.constant 0 : i32
    %dma_start3A_52 = arith.constant 0 : i32
    %dma_start3A_53 = tpu.memref_slice %arg3[%dma_start3A_51, %dma_start3A_52] : memref<1007616x32xf32, #tpu.memory_space<hbm>> -> memref<1007616x32xf32, #tpu.memory_space<hbm>>
    tpu.enqueue_indirect_dma source(%dma_start3A_53 : memref<1007616x32xf32, #tpu.memory_space<hbm>>) target(%dma_start3A_47 : memref<128x32xf32, #tpu.memory_space<vmem>>) offsets(%dma_start3A_50 : memref<128xi32, #tpu.memory_space<vmem>>) semaphore(%arg7 : memref<!tpu.dma_semaphore, #tpu.memory_space<semaphore_mem>>)
    %dma_start3A_54 = arith.constant 4 : i32
    %dma_start3A_55 = arith.constant 4 : i32
    %dma_start3A_56 = arith.constant 0 : i32
    %dma_start3A_57 = arith.constant 0 : i32
    %dma_start3A_58 = tpu.memref_slice %arg6[%dma_start3A_55, %dma_start3A_56, %dma_start3A_57] : memref<8x128x32xf32, #tpu.memory_space<vmem>> -> memref<1x128x32xf32, #tpu.memory_space<vmem>>
    %dma_start3A_59 = tpu.memref_squeeze %dma_start3A_58 : memref<1x128x32xf32, #tpu.memory_space<vmem>> -> memref<128x32xf32, #tpu.memory_space<vmem>>
    %dma_start3A_60 = arith.constant 0 : i32
    %dma_start3A_61 = tpu.memref_slice %arg5[%dma_start3A_54, %dma_start3A_60] : memref<8x128xi32, #tpu.memory_space<vmem>> -> memref<1x128xi32, #tpu.memory_space<vmem>>
    %dma_start3A_62 = tpu.memref_squeeze %dma_start3A_61 : memref<1x128xi32, #tpu.memory_space<vmem>> -> memref<128xi32, #tpu.memory_space<vmem>>
    %dma_start3A_63 = arith.constant 0 : i32
    %dma_start3A_64 = arith.constant 0 : i32
    %dma_start3A_65 = tpu.memref_slice %arg3[%dma_start3A_63, %dma_start3A_64] : memref<1007616x32xf32, #tpu.memory_space<hbm>> -> memref<1007616x32xf32, #tpu.memory_space<hbm>>
    tpu.enqueue_indirect_dma source(%dma_start3A_65 : memref<1007616x32xf32, #tpu.memory_space<hbm>>) target(%dma_start3A_59 : memref<128x32xf32, #tpu.memory_space<vmem>>) offsets(%dma_start3A_62 : memref<128xi32, #tpu.memory_space<vmem>>) semaphore(%arg7 : memref<!tpu.dma_semaphore, #tpu.memory_space<semaphore_mem>>)
    %dma_start3A_66 = arith.constant 5 : i32
    %dma_start3A_67 = arith.constant 5 : i32
    %dma_start3A_68 = arith.constant 0 : i32
    %dma_start3A_69 = arith.constant 0 : i32
    %dma_start3A_70 = tpu.memref_slice %arg6[%dma_start3A_67, %dma_start3A_68, %dma_start3A_69] : memref<8x128x32xf32, #tpu.memory_space<vmem>> -> memref<1x128x32xf32, #tpu.memory_space<vmem>>
    %dma_start3A_71 = tpu.memref_squeeze %dma_start3A_70 : memref<1x128x32xf32, #tpu.memory_space<vmem>> -> memref<128x32xf32, #tpu.memory_space<vmem>>
    %dma_start3A_72 = arith.constant 0 : i32
    %dma_start3A_73 = tpu.memref_slice %arg5[%dma_start3A_66, %dma_start3A_72] : memref<8x128xi32, #tpu.memory_space<vmem>> -> memref<1x128xi32, #tpu.memory_space<vmem>>
    %dma_start3A_74 = tpu.memref_squeeze %dma_start3A_73 : memref<1x128xi32, #tpu.memory_space<vmem>> -> memref<128xi32, #tpu.memory_space<vmem>>
    %dma_start3A_75 = arith.constant 0 : i32
    %dma_start3A_76 = arith.constant 0 : i32
    %dma_start3A_77 = tpu.memref_slice %arg3[%dma_start3A_75, %dma_start3A_76] : memref<1007616x32xf32, #tpu.memory_space<hbm>> -> memref<1007616x32xf32, #tpu.memory_space<hbm>>
    tpu.enqueue_indirect_dma source(%dma_start3A_77 : memref<1007616x32xf32, #tpu.memory_space<hbm>>) target(%dma_start3A_71 : memref<128x32xf32, #tpu.memory_space<vmem>>) offsets(%dma_start3A_74 : memref<128xi32, #tpu.memory_space<vmem>>) semaphore(%arg7 : memref<!tpu.dma_semaphore, #tpu.memory_space<semaphore_mem>>)
    %dma_start3A_78 = arith.constant 6 : i32
    %dma_start3A_79 = arith.constant 6 : i32
    %dma_start3A_80 = arith.constant 0 : i32
    %dma_start3A_81 = arith.constant 0 : i32
    %dma_start3A_82 = tpu.memref_slice %arg6[%dma_start3A_79, %dma_start3A_80, %dma_start3A_81] : memref<8x128x32xf32, #tpu.memory_space<vmem>> -> memref<1x128x32xf32, #tpu.memory_space<vmem>>
    %dma_start3A_83 = tpu.memref_squeeze %dma_start3A_82 : memref<1x128x32xf32, #tpu.memory_space<vmem>> -> memref<128x32xf32, #tpu.memory_space<vmem>>
    %dma_start3A_84 = arith.constant 0 : i32
    %dma_start3A_85 = tpu.memref_slice %arg5[%dma_start3A_78, %dma_start3A_84] : memref<8x128xi32, #tpu.memory_space<vmem>> -> memref<1x128xi32, #tpu.memory_space<vmem>>
    %dma_start3A_86 = tpu.memref_squeeze %dma_start3A_85 : memref<1x128xi32, #tpu.memory_space<vmem>> -> memref<128xi32, #tpu.memory_space<vmem>>
    %dma_start3A_87 = arith.constant 0 : i32
    %dma_start3A_88 = arith.constant 0 : i32
    %dma_start3A_89 = tpu.memref_slice %arg3[%dma_start3A_87, %dma_start3A_88] : memref<1007616x32xf32, #tpu.memory_space<hbm>> -> memref<1007616x32xf32, #tpu.memory_space<hbm>>
    tpu.enqueue_indirect_dma source(%dma_start3A_89 : memref<1007616x32xf32, #tpu.memory_space<hbm>>) target(%dma_start3A_83 : memref<128x32xf32, #tpu.memory_space<vmem>>) offsets(%dma_start3A_86 : memref<128xi32, #tpu.memory_space<vmem>>) semaphore(%arg7 : memref<!tpu.dma_semaphore, #tpu.memory_space<semaphore_mem>>)
    %dma_start3A_90 = arith.constant 7 : i32
    %dma_start3A_91 = arith.constant 7 : i32
    %dma_start3A_92 = arith.constant 0 : i32
    %dma_start3A_93 = arith.constant 0 : i32
    %dma_start3A_94 = tpu.memref_slice %arg6[%dma_start3A_91, %dma_start3A_92, %dma_start3A_93] : memref<8x128x32xf32, #tpu.memory_space<vmem>> -> memref<1x128x32xf32, #tpu.memory_space<vmem>>
    %dma_start3A_95 = tpu.memref_squeeze %dma_start3A_94 : memref<1x128x32xf32, #tpu.memory_space<vmem>> -> memref<128x32xf32, #tpu.memory_space<vmem>>
    %dma_start3A_96 = arith.constant 0 : i32
    %dma_start3A_97 = tpu.memref_slice %arg5[%dma_start3A_90, %dma_start3A_96] : memref<8x128xi32, #tpu.memory_space<vmem>> -> memref<1x128xi32, #tpu.memory_space<vmem>>
    %dma_start3A_98 = tpu.memref_squeeze %dma_start3A_97 : memref<1x128xi32, #tpu.memory_space<vmem>> -> memref<128xi32, #tpu.memory_space<vmem>>
    %dma_start3A_99 = arith.constant 0 : i32
    %dma_start3A_100 = arith.constant 0 : i32
    %dma_start3A_101 = tpu.memref_slice %arg3[%dma_start3A_99, %dma_start3A_100] : memref<1007616x32xf32, #tpu.memory_space<hbm>> -> memref<1007616x32xf32, #tpu.memory_space<hbm>>
    tpu.enqueue_indirect_dma source(%dma_start3A_101 : memref<1007616x32xf32, #tpu.memory_space<hbm>>) target(%dma_start3A_95 : memref<128x32xf32, #tpu.memory_space<vmem>>) offsets(%dma_start3A_98 : memref<128xi32, #tpu.memory_space<vmem>>) semaphore(%arg7 : memref<!tpu.dma_semaphore, #tpu.memory_space<semaphore_mem>>)
    %dma_wait3A = arith.constant 0 : i32
    %dma_wait3A_102 = arith.constant 0 : i32
    %dma_wait3A_103 = arith.constant 0 : i32
    %dma_wait3A_104 = arith.constant 0 : i32
    %dma_wait3A_105 = tpu.memref_slice %arg6[%dma_wait3A_102, %dma_wait3A_103, %dma_wait3A_104] : memref<8x128x32xf32, #tpu.memory_space<vmem>> -> memref<1x128x32xf32, #tpu.memory_space<vmem>>
    %dma_wait3A_106 = tpu.memref_squeeze %dma_wait3A_105 : memref<1x128x32xf32, #tpu.memory_space<vmem>> -> memref<128x32xf32, #tpu.memory_space<vmem>>
    %dma_wait3A_107 = arith.constant 0 : i32
    %dma_wait3A_108 = tpu.memref_slice %arg5[%dma_wait3A, %dma_wait3A_107] : memref<8x128xi32, #tpu.memory_space<vmem>> -> memref<1x128xi32, #tpu.memory_space<vmem>>
    %dma_wait3A_109 = tpu.memref_squeeze %dma_wait3A_108 : memref<1x128xi32, #tpu.memory_space<vmem>> -> memref<128xi32, #tpu.memory_space<vmem>>
    %dma_wait3A_110 = arith.constant 0 : i32
    %dma_wait3A_111 = arith.constant 0 : i32
    %dma_wait3A_112 = tpu.memref_slice %arg3[%dma_wait3A_110, %dma_wait3A_111] : memref<1007616x32xf32, #tpu.memory_space<hbm>> -> memref<1007616x32xf32, #tpu.memory_space<hbm>>
    tpu.wait_indirect_dma semaphore(%arg7 : memref<!tpu.dma_semaphore, #tpu.memory_space<semaphore_mem>>) src(%dma_wait3A_112 : memref<1007616x32xf32, #tpu.memory_space<hbm>>) dst(%dma_wait3A_106 : memref<128x32xf32, #tpu.memory_space<vmem>>)
    %dma_wait3A_113 = arith.constant 1 : i32
    %dma_wait3A_114 = arith.constant 1 : i32
    %dma_wait3A_115 = arith.constant 0 : i32
    %dma_wait3A_116 = arith.constant 0 : i32
    %dma_wait3A_117 = tpu.memref_slice %arg6[%dma_wait3A_114, %dma_wait3A_115, %dma_wait3A_116] : memref<8x128x32xf32, #tpu.memory_space<vmem>> -> memref<1x128x32xf32, #tpu.memory_space<vmem>>
    %dma_wait3A_118 = tpu.memref_squeeze %dma_wait3A_117 : memref<1x128x32xf32, #tpu.memory_space<vmem>> -> memref<128x32xf32, #tpu.memory_space<vmem>>
    %dma_wait3A_119 = arith.constant 0 : i32
    %dma_wait3A_120 = tpu.memref_slice %arg5[%dma_wait3A_113, %dma_wait3A_119] : memref<8x128xi32, #tpu.memory_space<vmem>> -> memref<1x128xi32, #tpu.memory_space<vmem>>
    %dma_wait3A_121 = tpu.memref_squeeze %dma_wait3A_120 : memref<1x128xi32, #tpu.memory_space<vmem>> -> memref<128xi32, #tpu.memory_space<vmem>>
    %dma_wait3A_122 = arith.constant 0 : i32
    %dma_wait3A_123 = arith.constant 0 : i32
    %dma_wait3A_124 = tpu.memref_slice %arg3[%dma_wait3A_122, %dma_wait3A_123] : memref<1007616x32xf32, #tpu.memory_space<hbm>> -> memref<1007616x32xf32, #tpu.memory_space<hbm>>
    tpu.wait_indirect_dma semaphore(%arg7 : memref<!tpu.dma_semaphore, #tpu.memory_space<semaphore_mem>>) src(%dma_wait3A_124 : memref<1007616x32xf32, #tpu.memory_space<hbm>>) dst(%dma_wait3A_118 : memref<128x32xf32, #tpu.memory_space<vmem>>)
    %dma_wait3A_125 = arith.constant 2 : i32
    %dma_wait3A_126 = arith.constant 2 : i32
    %dma_wait3A_127 = arith.constant 0 : i32
    %dma_wait3A_128 = arith.constant 0 : i32
    %dma_wait3A_129 = tpu.memref_slice %arg6[%dma_wait3A_126, %dma_wait3A_127, %dma_wait3A_128] : memref<8x128x32xf32, #tpu.memory_space<vmem>> -> memref<1x128x32xf32, #tpu.memory_space<vmem>>
    %dma_wait3A_130 = tpu.memref_squeeze %dma_wait3A_129 : memref<1x128x32xf32, #tpu.memory_space<vmem>> -> memref<128x32xf32, #tpu.memory_space<vmem>>
    %dma_wait3A_131 = arith.constant 0 : i32
    %dma_wait3A_132 = tpu.memref_slice %arg5[%dma_wait3A_125, %dma_wait3A_131] : memref<8x128xi32, #tpu.memory_space<vmem>> -> memref<1x128xi32, #tpu.memory_space<vmem>>
    %dma_wait3A_133 = tpu.memref_squeeze %dma_wait3A_132 : memref<1x128xi32, #tpu.memory_space<vmem>> -> memref<128xi32, #tpu.memory_space<vmem>>
    %dma_wait3A_134 = arith.constant 0 : i32
    %dma_wait3A_135 = arith.constant 0 : i32
    %dma_wait3A_136 = tpu.memref_slice %arg3[%dma_wait3A_134, %dma_wait3A_135] : memref<1007616x32xf32, #tpu.memory_space<hbm>> -> memref<1007616x32xf32, #tpu.memory_space<hbm>>
    tpu.wait_indirect_dma semaphore(%arg7 : memref<!tpu.dma_semaphore, #tpu.memory_space<semaphore_mem>>) src(%dma_wait3A_136 : memref<1007616x32xf32, #tpu.memory_space<hbm>>) dst(%dma_wait3A_130 : memref<128x32xf32, #tpu.memory_space<vmem>>)
    %dma_wait3A_137 = arith.constant 3 : i32
    %dma_wait3A_138 = arith.constant 3 : i32
    %dma_wait3A_139 = arith.constant 0 : i32
    %dma_wait3A_140 = arith.constant 0 : i32
    %dma_wait3A_141 = tpu.memref_slice %arg6[%dma_wait3A_138, %dma_wait3A_139, %dma_wait3A_140] : memref<8x128x32xf32, #tpu.memory_space<vmem>> -> memref<1x128x32xf32, #tpu.memory_space<vmem>>
    %dma_wait3A_142 = tpu.memref_squeeze %dma_wait3A_141 : memref<1x128x32xf32, #tpu.memory_space<vmem>> -> memref<128x32xf32, #tpu.memory_space<vmem>>
    %dma_wait3A_143 = arith.constant 0 : i32
    %dma_wait3A_144 = tpu.memref_slice %arg5[%dma_wait3A_137, %dma_wait3A_143] : memref<8x128xi32, #tpu.memory_space<vmem>> -> memref<1x128xi32, #tpu.memory_space<vmem>>
    %dma_wait3A_145 = tpu.memref_squeeze %dma_wait3A_144 : memref<1x128xi32, #tpu.memory_space<vmem>> -> memref<128xi32, #tpu.memory_space<vmem>>
    %dma_wait3A_146 = arith.constant 0 : i32
    %dma_wait3A_147 = arith.constant 0 : i32
    %dma_wait3A_148 = tpu.memref_slice %arg3[%dma_wait3A_146, %dma_wait3A_147] : memref<1007616x32xf32, #tpu.memory_space<hbm>> -> memref<1007616x32xf32, #tpu.memory_space<hbm>>
    tpu.wait_indirect_dma semaphore(%arg7 : memref<!tpu.dma_semaphore, #tpu.memory_space<semaphore_mem>>) src(%dma_wait3A_148 : memref<1007616x32xf32, #tpu.memory_space<hbm>>) dst(%dma_wait3A_142 : memref<128x32xf32, #tpu.memory_space<vmem>>)
    %dma_wait3A_149 = arith.constant 4 : i32
    %dma_wait3A_150 = arith.constant 4 : i32
    %dma_wait3A_151 = arith.constant 0 : i32
    %dma_wait3A_152 = arith.constant 0 : i32
    %dma_wait3A_153 = tpu.memref_slice %arg6[%dma_wait3A_150, %dma_wait3A_151, %dma_wait3A_152] : memref<8x128x32xf32, #tpu.memory_space<vmem>> -> memref<1x128x32xf32, #tpu.memory_space<vmem>>
    %dma_wait3A_154 = tpu.memref_squeeze %dma_wait3A_153 : memref<1x128x32xf32, #tpu.memory_space<vmem>> -> memref<128x32xf32, #tpu.memory_space<vmem>>
    %dma_wait3A_155 = arith.constant 0 : i32
    %dma_wait3A_156 = tpu.memref_slice %arg5[%dma_wait3A_149, %dma_wait3A_155] : memref<8x128xi32, #tpu.memory_space<vmem>> -> memref<1x128xi32, #tpu.memory_space<vmem>>
    %dma_wait3A_157 = tpu.memref_squeeze %dma_wait3A_156 : memref<1x128xi32, #tpu.memory_space<vmem>> -> memref<128xi32, #tpu.memory_space<vmem>>
    %dma_wait3A_158 = arith.constant 0 : i32
    %dma_wait3A_159 = arith.constant 0 : i32
    %dma_wait3A_160 = tpu.memref_slice %arg3[%dma_wait3A_158, %dma_wait3A_159] : memref<1007616x32xf32, #tpu.memory_space<hbm>> -> memref<1007616x32xf32, #tpu.memory_space<hbm>>
    tpu.wait_indirect_dma semaphore(%arg7 : memref<!tpu.dma_semaphore, #tpu.memory_space<semaphore_mem>>) src(%dma_wait3A_160 : memref<1007616x32xf32, #tpu.memory_space<hbm>>) dst(%dma_wait3A_154 : memref<128x32xf32, #tpu.memory_space<vmem>>)
    %dma_wait3A_161 = arith.constant 5 : i32
    %dma_wait3A_162 = arith.constant 5 : i32
    %dma_wait3A_163 = arith.constant 0 : i32
    %dma_wait3A_164 = arith.constant 0 : i32
    %dma_wait3A_165 = tpu.memref_slice %arg6[%dma_wait3A_162, %dma_wait3A_163, %dma_wait3A_164] : memref<8x128x32xf32, #tpu.memory_space<vmem>> -> memref<1x128x32xf32, #tpu.memory_space<vmem>>
    %dma_wait3A_166 = tpu.memref_squeeze %dma_wait3A_165 : memref<1x128x32xf32, #tpu.memory_space<vmem>> -> memref<128x32xf32, #tpu.memory_space<vmem>>
    %dma_wait3A_167 = arith.constant 0 : i32
    %dma_wait3A_168 = tpu.memref_slice %arg5[%dma_wait3A_161, %dma_wait3A_167] : memref<8x128xi32, #tpu.memory_space<vmem>> -> memref<1x128xi32, #tpu.memory_space<vmem>>
    %dma_wait3A_169 = tpu.memref_squeeze %dma_wait3A_168 : memref<1x128xi32, #tpu.memory_space<vmem>> -> memref<128xi32, #tpu.memory_space<vmem>>
    %dma_wait3A_170 = arith.constant 0 : i32
    %dma_wait3A_171 = arith.constant 0 : i32
    %dma_wait3A_172 = tpu.memref_slice %arg3[%dma_wait3A_170, %dma_wait3A_171] : memref<1007616x32xf32, #tpu.memory_space<hbm>> -> memref<1007616x32xf32, #tpu.memory_space<hbm>>
    tpu.wait_indirect_dma semaphore(%arg7 : memref<!tpu.dma_semaphore, #tpu.memory_space<semaphore_mem>>) src(%dma_wait3A_172 : memref<1007616x32xf32, #tpu.memory_space<hbm>>) dst(%dma_wait3A_166 : memref<128x32xf32, #tpu.memory_space<vmem>>)
    %dma_wait3A_173 = arith.constant 6 : i32
    %dma_wait3A_174 = arith.constant 6 : i32
    %dma_wait3A_175 = arith.constant 0 : i32
    %dma_wait3A_176 = arith.constant 0 : i32
    %dma_wait3A_177 = tpu.memref_slice %arg6[%dma_wait3A_174, %dma_wait3A_175, %dma_wait3A_176] : memref<8x128x32xf32, #tpu.memory_space<vmem>> -> memref<1x128x32xf32, #tpu.memory_space<vmem>>
    %dma_wait3A_178 = tpu.memref_squeeze %dma_wait3A_177 : memref<1x128x32xf32, #tpu.memory_space<vmem>> -> memref<128x32xf32, #tpu.memory_space<vmem>>
    %dma_wait3A_179 = arith.constant 0 : i32
    %dma_wait3A_180 = tpu.memref_slice %arg5[%dma_wait3A_173, %dma_wait3A_179] : memref<8x128xi32, #tpu.memory_space<vmem>> -> memref<1x128xi32, #tpu.memory_space<vmem>>
    %dma_wait3A_181 = tpu.memref_squeeze %dma_wait3A_180 : memref<1x128xi32, #tpu.memory_space<vmem>> -> memref<128xi32, #tpu.memory_space<vmem>>
    %dma_wait3A_182 = arith.constant 0 : i32
    %dma_wait3A_183 = arith.constant 0 : i32
    %dma_wait3A_184 = tpu.memref_slice %arg3[%dma_wait3A_182, %dma_wait3A_183] : memref<1007616x32xf32, #tpu.memory_space<hbm>> -> memref<1007616x32xf32, #tpu.memory_space<hbm>>
    tpu.wait_indirect_dma semaphore(%arg7 : memref<!tpu.dma_semaphore, #tpu.memory_space<semaphore_mem>>) src(%dma_wait3A_184 : memref<1007616x32xf32, #tpu.memory_space<hbm>>) dst(%dma_wait3A_178 : memref<128x32xf32, #tpu.memory_space<vmem>>)
    %dma_wait3A_185 = arith.constant 7 : i32
    %dma_wait3A_186 = arith.constant 7 : i32
    %dma_wait3A_187 = arith.constant 0 : i32
    %dma_wait3A_188 = arith.constant 0 : i32
    %dma_wait3A_189 = tpu.memref_slice %arg6[%dma_wait3A_186, %dma_wait3A_187, %dma_wait3A_188] : memref<8x128x32xf32, #tpu.memory_space<vmem>> -> memref<1x128x32xf32, #tpu.memory_space<vmem>>
    %dma_wait3A_190 = tpu.memref_squeeze %dma_wait3A_189 : memref<1x128x32xf32, #tpu.memory_space<vmem>> -> memref<128x32xf32, #tpu.memory_space<vmem>>
    %dma_wait3A_191 = arith.constant 0 : i32
    %dma_wait3A_192 = tpu.memref_slice %arg5[%dma_wait3A_185, %dma_wait3A_191] : memref<8x128xi32, #tpu.memory_space<vmem>> -> memref<1x128xi32, #tpu.memory_space<vmem>>
    %dma_wait3A_193 = tpu.memref_squeeze %dma_wait3A_192 : memref<1x128xi32, #tpu.memory_space<vmem>> -> memref<128xi32, #tpu.memory_space<vmem>>
    %dma_wait3A_194 = arith.constant 0 : i32
    %dma_wait3A_195 = arith.constant 0 : i32
    %dma_wait3A_196 = tpu.memref_slice %arg3[%dma_wait3A_194, %dma_wait3A_195] : memref<1007616x32xf32, #tpu.memory_space<hbm>> -> memref<1007616x32xf32, #tpu.memory_space<hbm>>
    tpu.wait_indirect_dma semaphore(%arg7 : memref<!tpu.dma_semaphore, #tpu.memory_space<semaphore_mem>>) src(%dma_wait3A_196 : memref<1007616x32xf32, #tpu.memory_space<hbm>>) dst(%dma_wait3A_190 : memref<128x32xf32, #tpu.memory_space<vmem>>)
    "tpu.region"() ({
      %run_scoped3A = tpu.sem_alloc : memref<!tpu.dma_semaphore, #tpu.memory_space<semaphore_mem>>
      %dma_start3A_198 = arith.constant 0 : i32
      %dma_start3A_199 = arith.constant 0 : i32
      %dma_start3A_200 = arith.constant 0 : i32
      %dma_start3A_201 = tpu.memref_slice %arg4[%add3A_4, %dma_start3A_198, %dma_start3A_199, %dma_start3A_200] : memref<32x8x128x32xf32, #tpu.memory_space<hbm>> -> memref<1x8x128x32xf32, #tpu.memory_space<hbm>>
      %dma_start3A_202 = tpu.memref_squeeze %dma_start3A_201 : memref<1x8x128x32xf32, #tpu.memory_space<hbm>> -> memref<8x128x32xf32, #tpu.memory_space<hbm>>
      %dma_start3A_203 = arith.constant 0 : i32
      %dma_start3A_204 = arith.constant 0 : i32
      %dma_start3A_205 = arith.constant 0 : i32
      %dma_start3A_206 = tpu.memref_slice %arg4[%add3A_4, %dma_start3A_203, %dma_start3A_204, %dma_start3A_205] : memref<32x8x128x32xf32, #tpu.memory_space<hbm>> -> memref<1x8x128x32xf32, #tpu.memory_space<hbm>>
      %dma_start3A_207 = tpu.memref_squeeze %dma_start3A_206 : memref<1x8x128x32xf32, #tpu.memory_space<hbm>> -> memref<8x128x32xf32, #tpu.memory_space<hbm>>
      tpu.enqueue_dma source(%arg6 : memref<8x128x32xf32, #tpu.memory_space<vmem>>) target(%dma_start3A_207 : memref<8x128x32xf32, #tpu.memory_space<hbm>>) target_semaphore(%run_scoped3A : memref<!tpu.dma_semaphore, #tpu.memory_space<semaphore_mem>>)
      %dma_wait3A_208 = arith.constant 0 : i32
      %dma_wait3A_209 = arith.constant 0 : i32
      %dma_wait3A_210 = arith.constant 0 : i32
      %dma_wait3A_211 = tpu.memref_slice %arg4[%add3A_4, %dma_wait3A_208, %dma_wait3A_209, %dma_wait3A_210] : memref<32x8x128x32xf32, #tpu.memory_space<hbm>> -> memref<1x8x128x32xf32, #tpu.memory_space<hbm>>
      %dma_wait3A_212 = tpu.memref_squeeze %dma_wait3A_211 : memref<1x8x128x32xf32, #tpu.memory_space<hbm>> -> memref<8x128x32xf32, #tpu.memory_space<hbm>>
      %dma_wait3A_213 = arith.constant 0 : i32
      %dma_wait3A_214 = arith.constant 0 : i32
      %dma_wait3A_215 = arith.constant 0 : i32
      %dma_wait3A_216 = tpu.memref_slice %arg4[%add3A_4, %dma_wait3A_213, %dma_wait3A_214, %dma_wait3A_215] : memref<32x8x128x32xf32, #tpu.memory_space<hbm>> -> memref<1x8x128x32xf32, #tpu.memory_space<hbm>>
      %dma_wait3A_217 = tpu.memref_squeeze %dma_wait3A_216 : memref<1x8x128x32xf32, #tpu.memory_space<hbm>> -> memref<8x128x32xf32, #tpu.memory_space<hbm>>
      tpu.wait_dma2 semaphore(%run_scoped3A : memref<!tpu.dma_semaphore, #tpu.memory_space<semaphore_mem>>) src(%arg6 : memref<8x128x32xf32, #tpu.memory_space<vmem>>) dst(%dma_wait3A_217 : memref<8x128x32xf32, #tpu.memory_space<hbm>>)
      tpu.yield
    }) : () -> ()
    %scan3A_197 = arith.constant 1 : i32
    return
  }
}

#map = affine_map<(d0, d1) -> (0, 0)>
#map1 = affine_map<(d0, d1) -> (0, 0, 0, 0)>
module attributes {stable_mosaic.version = 14 : i64} {
  func.func @gather_kernel(%arg0: i32, %arg1: i32, %arg2: memref<2304x128xi32, #tpu.memory_space<hbm>>, %arg3: memref<1007616x32xf32, #tpu.memory_space<hbm>>, %arg4: memref<288x8x128x32xf32, #tpu.memory_space<hbm>>, %arg5: memref<8x128xi32, #tpu.memory_space<vmem>>, %arg6: memref<8x128x32xf32, #tpu.memory_space<vmem>>, %arg7: memref<!tpu.dma_semaphore, #tpu.memory_space<semaphore_mem>>) attributes {dimension_semantics = [#tpu.dimension_semantics<core_parallel>, #tpu.dimension_semantics<subcore_parallel>], iteration_bounds = array<i64: 2, 16>, scalar_prefetch = 0 : i64, scratch_operands = 3 : i64, tpu.core_type = #tpu.core_type<sc_vector_subcore>, window_params = [{transform_indices = #map}, {transform_indices = #map}, {transform_indices = #map1}]} {
    %mul3A = arith.constant 2 : i32
    %mul3A_0 = arith.muli %arg1, %mul3A : i32
    %add3A = arith.addi %mul3A_0, %arg0 : i32
    %mul3A_1 = arith.constant 9 : i32
    %mul3A_2 = arith.muli %add3A, %mul3A_1 : i32
    %scan3A = arith.constant 0 : i32
    %scan3A_3 = arith.constant 0 : i32
    %scan3A_4 = arith.constant 9 : i32
    %scan3A_5 = arith.addi %scan3A_3, %scan3A_4 : i32
    %scan3A_6 = arith.constant 1 : i32
    scf.for %scan3A_8 = %scan3A_3 to %scan3A_5 step %scan3A_6  : i32 {
      %add3A_9 = arith.addi %mul3A_2, %scan3A_8 : i32
      %mul3A_10 = arith.constant 8 : i32
      %mul3A_11 = arith.muli %add3A_9, %mul3A_10 : i32
      "tpu.region"() ({
        %run_scoped3A = tpu.sem_alloc : memref<!tpu.dma_semaphore, #tpu.memory_space<semaphore_mem>>
        %dma_start3A_202 = arith.constant 0 : i32
        %dma_start3A_203 = tpu.memref_slice %arg2[%mul3A_11, %dma_start3A_202] : memref<2304x128xi32, #tpu.memory_space<hbm>> -> memref<8x128xi32, #tpu.memory_space<hbm>>
        %dma_start3A_204 = arith.constant 0 : i32
        %dma_start3A_205 = tpu.memref_slice %arg2[%mul3A_11, %dma_start3A_204] : memref<2304x128xi32, #tpu.memory_space<hbm>> -> memref<8x128xi32, #tpu.memory_space<hbm>>
        tpu.enqueue_dma source(%dma_start3A_205 : memref<8x128xi32, #tpu.memory_space<hbm>>) target(%arg5 : memref<8x128xi32, #tpu.memory_space<vmem>>) target_semaphore(%run_scoped3A : memref<!tpu.dma_semaphore, #tpu.memory_space<semaphore_mem>>)
        %dma_wait3A_206 = arith.constant 0 : i32
        %dma_wait3A_207 = tpu.memref_slice %arg2[%mul3A_11, %dma_wait3A_206] : memref<2304x128xi32, #tpu.memory_space<hbm>> -> memref<8x128xi32, #tpu.memory_space<hbm>>
        %dma_wait3A_208 = arith.constant 0 : i32
        %dma_wait3A_209 = tpu.memref_slice %arg2[%mul3A_11, %dma_wait3A_208] : memref<2304x128xi32, #tpu.memory_space<hbm>> -> memref<8x128xi32, #tpu.memory_space<hbm>>
        tpu.wait_dma2 semaphore(%run_scoped3A : memref<!tpu.dma_semaphore, #tpu.memory_space<semaphore_mem>>) src(%dma_wait3A_209 : memref<8x128xi32, #tpu.memory_space<hbm>>) dst(%arg5 : memref<8x128xi32, #tpu.memory_space<vmem>>)
        tpu.yield
      }) : () -> ()
      %dma_start3A = arith.constant 0 : i32
      %dma_start3A_12 = arith.constant 0 : i32
      %dma_start3A_13 = arith.constant 0 : i32
      %dma_start3A_14 = arith.constant 0 : i32
      %dma_start3A_15 = tpu.memref_slice %arg6[%dma_start3A_12, %dma_start3A_13, %dma_start3A_14] : memref<8x128x32xf32, #tpu.memory_space<vmem>> -> memref<1x128x32xf32, #tpu.memory_space<vmem>>
      %dma_start3A_16 = tpu.memref_squeeze %dma_start3A_15 : memref<1x128x32xf32, #tpu.memory_space<vmem>> -> memref<128x32xf32, #tpu.memory_space<vmem>>
      %dma_start3A_17 = arith.constant 0 : i32
      %dma_start3A_18 = tpu.memref_slice %arg5[%dma_start3A, %dma_start3A_17] : memref<8x128xi32, #tpu.memory_space<vmem>> -> memref<1x128xi32, #tpu.memory_space<vmem>>
      %dma_start3A_19 = tpu.memref_squeeze %dma_start3A_18 : memref<1x128xi32, #tpu.memory_space<vmem>> -> memref<128xi32, #tpu.memory_space<vmem>>
      %dma_start3A_20 = arith.constant 0 : i32
      %dma_start3A_21 = arith.constant 0 : i32
      %dma_start3A_22 = tpu.memref_slice %arg3[%dma_start3A_20, %dma_start3A_21] : memref<1007616x32xf32, #tpu.memory_space<hbm>> -> memref<1007616x32xf32, #tpu.memory_space<hbm>>
      tpu.enqueue_indirect_dma source(%dma_start3A_22 : memref<1007616x32xf32, #tpu.memory_space<hbm>>) target(%dma_start3A_16 : memref<128x32xf32, #tpu.memory_space<vmem>>) offsets(%dma_start3A_19 : memref<128xi32, #tpu.memory_space<vmem>>) semaphore(%arg7 : memref<!tpu.dma_semaphore, #tpu.memory_space<semaphore_mem>>)
      %dma_start3A_23 = arith.constant 1 : i32
      %dma_start3A_24 = arith.constant 1 : i32
      %dma_start3A_25 = arith.constant 0 : i32
      %dma_start3A_26 = arith.constant 0 : i32
      %dma_start3A_27 = tpu.memref_slice %arg6[%dma_start3A_24, %dma_start3A_25, %dma_start3A_26] : memref<8x128x32xf32, #tpu.memory_space<vmem>> -> memref<1x128x32xf32, #tpu.memory_space<vmem>>
      %dma_start3A_28 = tpu.memref_squeeze %dma_start3A_27 : memref<1x128x32xf32, #tpu.memory_space<vmem>> -> memref<128x32xf32, #tpu.memory_space<vmem>>
      %dma_start3A_29 = arith.constant 0 : i32
      %dma_start3A_30 = tpu.memref_slice %arg5[%dma_start3A_23, %dma_start3A_29] : memref<8x128xi32, #tpu.memory_space<vmem>> -> memref<1x128xi32, #tpu.memory_space<vmem>>
      %dma_start3A_31 = tpu.memref_squeeze %dma_start3A_30 : memref<1x128xi32, #tpu.memory_space<vmem>> -> memref<128xi32, #tpu.memory_space<vmem>>
      %dma_start3A_32 = arith.constant 0 : i32
      %dma_start3A_33 = arith.constant 0 : i32
      %dma_start3A_34 = tpu.memref_slice %arg3[%dma_start3A_32, %dma_start3A_33] : memref<1007616x32xf32, #tpu.memory_space<hbm>> -> memref<1007616x32xf32, #tpu.memory_space<hbm>>
      tpu.enqueue_indirect_dma source(%dma_start3A_34 : memref<1007616x32xf32, #tpu.memory_space<hbm>>) target(%dma_start3A_28 : memref<128x32xf32, #tpu.memory_space<vmem>>) offsets(%dma_start3A_31 : memref<128xi32, #tpu.memory_space<vmem>>) semaphore(%arg7 : memref<!tpu.dma_semaphore, #tpu.memory_space<semaphore_mem>>)
      %dma_start3A_35 = arith.constant 2 : i32
      %dma_start3A_36 = arith.constant 2 : i32
      %dma_start3A_37 = arith.constant 0 : i32
      %dma_start3A_38 = arith.constant 0 : i32
      %dma_start3A_39 = tpu.memref_slice %arg6[%dma_start3A_36, %dma_start3A_37, %dma_start3A_38] : memref<8x128x32xf32, #tpu.memory_space<vmem>> -> memref<1x128x32xf32, #tpu.memory_space<vmem>>
      %dma_start3A_40 = tpu.memref_squeeze %dma_start3A_39 : memref<1x128x32xf32, #tpu.memory_space<vmem>> -> memref<128x32xf32, #tpu.memory_space<vmem>>
      %dma_start3A_41 = arith.constant 0 : i32
      %dma_start3A_42 = tpu.memref_slice %arg5[%dma_start3A_35, %dma_start3A_41] : memref<8x128xi32, #tpu.memory_space<vmem>> -> memref<1x128xi32, #tpu.memory_space<vmem>>
      %dma_start3A_43 = tpu.memref_squeeze %dma_start3A_42 : memref<1x128xi32, #tpu.memory_space<vmem>> -> memref<128xi32, #tpu.memory_space<vmem>>
      %dma_start3A_44 = arith.constant 0 : i32
      %dma_start3A_45 = arith.constant 0 : i32
      %dma_start3A_46 = tpu.memref_slice %arg3[%dma_start3A_44, %dma_start3A_45] : memref<1007616x32xf32, #tpu.memory_space<hbm>> -> memref<1007616x32xf32, #tpu.memory_space<hbm>>
      tpu.enqueue_indirect_dma source(%dma_start3A_46 : memref<1007616x32xf32, #tpu.memory_space<hbm>>) target(%dma_start3A_40 : memref<128x32xf32, #tpu.memory_space<vmem>>) offsets(%dma_start3A_43 : memref<128xi32, #tpu.memory_space<vmem>>) semaphore(%arg7 : memref<!tpu.dma_semaphore, #tpu.memory_space<semaphore_mem>>)
      %dma_start3A_47 = arith.constant 3 : i32
      %dma_start3A_48 = arith.constant 3 : i32
      %dma_start3A_49 = arith.constant 0 : i32
      %dma_start3A_50 = arith.constant 0 : i32
      %dma_start3A_51 = tpu.memref_slice %arg6[%dma_start3A_48, %dma_start3A_49, %dma_start3A_50] : memref<8x128x32xf32, #tpu.memory_space<vmem>> -> memref<1x128x32xf32, #tpu.memory_space<vmem>>
      %dma_start3A_52 = tpu.memref_squeeze %dma_start3A_51 : memref<1x128x32xf32, #tpu.memory_space<vmem>> -> memref<128x32xf32, #tpu.memory_space<vmem>>
      %dma_start3A_53 = arith.constant 0 : i32
      %dma_start3A_54 = tpu.memref_slice %arg5[%dma_start3A_47, %dma_start3A_53] : memref<8x128xi32, #tpu.memory_space<vmem>> -> memref<1x128xi32, #tpu.memory_space<vmem>>
      %dma_start3A_55 = tpu.memref_squeeze %dma_start3A_54 : memref<1x128xi32, #tpu.memory_space<vmem>> -> memref<128xi32, #tpu.memory_space<vmem>>
      %dma_start3A_56 = arith.constant 0 : i32
      %dma_start3A_57 = arith.constant 0 : i32
      %dma_start3A_58 = tpu.memref_slice %arg3[%dma_start3A_56, %dma_start3A_57] : memref<1007616x32xf32, #tpu.memory_space<hbm>> -> memref<1007616x32xf32, #tpu.memory_space<hbm>>
      tpu.enqueue_indirect_dma source(%dma_start3A_58 : memref<1007616x32xf32, #tpu.memory_space<hbm>>) target(%dma_start3A_52 : memref<128x32xf32, #tpu.memory_space<vmem>>) offsets(%dma_start3A_55 : memref<128xi32, #tpu.memory_space<vmem>>) semaphore(%arg7 : memref<!tpu.dma_semaphore, #tpu.memory_space<semaphore_mem>>)
      %dma_start3A_59 = arith.constant 4 : i32
      %dma_start3A_60 = arith.constant 4 : i32
      %dma_start3A_61 = arith.constant 0 : i32
      %dma_start3A_62 = arith.constant 0 : i32
      %dma_start3A_63 = tpu.memref_slice %arg6[%dma_start3A_60, %dma_start3A_61, %dma_start3A_62] : memref<8x128x32xf32, #tpu.memory_space<vmem>> -> memref<1x128x32xf32, #tpu.memory_space<vmem>>
      %dma_start3A_64 = tpu.memref_squeeze %dma_start3A_63 : memref<1x128x32xf32, #tpu.memory_space<vmem>> -> memref<128x32xf32, #tpu.memory_space<vmem>>
      %dma_start3A_65 = arith.constant 0 : i32
      %dma_start3A_66 = tpu.memref_slice %arg5[%dma_start3A_59, %dma_start3A_65] : memref<8x128xi32, #tpu.memory_space<vmem>> -> memref<1x128xi32, #tpu.memory_space<vmem>>
      %dma_start3A_67 = tpu.memref_squeeze %dma_start3A_66 : memref<1x128xi32, #tpu.memory_space<vmem>> -> memref<128xi32, #tpu.memory_space<vmem>>
      %dma_start3A_68 = arith.constant 0 : i32
      %dma_start3A_69 = arith.constant 0 : i32
      %dma_start3A_70 = tpu.memref_slice %arg3[%dma_start3A_68, %dma_start3A_69] : memref<1007616x32xf32, #tpu.memory_space<hbm>> -> memref<1007616x32xf32, #tpu.memory_space<hbm>>
      tpu.enqueue_indirect_dma source(%dma_start3A_70 : memref<1007616x32xf32, #tpu.memory_space<hbm>>) target(%dma_start3A_64 : memref<128x32xf32, #tpu.memory_space<vmem>>) offsets(%dma_start3A_67 : memref<128xi32, #tpu.memory_space<vmem>>) semaphore(%arg7 : memref<!tpu.dma_semaphore, #tpu.memory_space<semaphore_mem>>)
      %dma_start3A_71 = arith.constant 5 : i32
      %dma_start3A_72 = arith.constant 5 : i32
      %dma_start3A_73 = arith.constant 0 : i32
      %dma_start3A_74 = arith.constant 0 : i32
      %dma_start3A_75 = tpu.memref_slice %arg6[%dma_start3A_72, %dma_start3A_73, %dma_start3A_74] : memref<8x128x32xf32, #tpu.memory_space<vmem>> -> memref<1x128x32xf32, #tpu.memory_space<vmem>>
      %dma_start3A_76 = tpu.memref_squeeze %dma_start3A_75 : memref<1x128x32xf32, #tpu.memory_space<vmem>> -> memref<128x32xf32, #tpu.memory_space<vmem>>
      %dma_start3A_77 = arith.constant 0 : i32
      %dma_start3A_78 = tpu.memref_slice %arg5[%dma_start3A_71, %dma_start3A_77] : memref<8x128xi32, #tpu.memory_space<vmem>> -> memref<1x128xi32, #tpu.memory_space<vmem>>
      %dma_start3A_79 = tpu.memref_squeeze %dma_start3A_78 : memref<1x128xi32, #tpu.memory_space<vmem>> -> memref<128xi32, #tpu.memory_space<vmem>>
      %dma_start3A_80 = arith.constant 0 : i32
      %dma_start3A_81 = arith.constant 0 : i32
      %dma_start3A_82 = tpu.memref_slice %arg3[%dma_start3A_80, %dma_start3A_81] : memref<1007616x32xf32, #tpu.memory_space<hbm>> -> memref<1007616x32xf32, #tpu.memory_space<hbm>>
      tpu.enqueue_indirect_dma source(%dma_start3A_82 : memref<1007616x32xf32, #tpu.memory_space<hbm>>) target(%dma_start3A_76 : memref<128x32xf32, #tpu.memory_space<vmem>>) offsets(%dma_start3A_79 : memref<128xi32, #tpu.memory_space<vmem>>) semaphore(%arg7 : memref<!tpu.dma_semaphore, #tpu.memory_space<semaphore_mem>>)
      %dma_start3A_83 = arith.constant 6 : i32
      %dma_start3A_84 = arith.constant 6 : i32
      %dma_start3A_85 = arith.constant 0 : i32
      %dma_start3A_86 = arith.constant 0 : i32
      %dma_start3A_87 = tpu.memref_slice %arg6[%dma_start3A_84, %dma_start3A_85, %dma_start3A_86] : memref<8x128x32xf32, #tpu.memory_space<vmem>> -> memref<1x128x32xf32, #tpu.memory_space<vmem>>
      %dma_start3A_88 = tpu.memref_squeeze %dma_start3A_87 : memref<1x128x32xf32, #tpu.memory_space<vmem>> -> memref<128x32xf32, #tpu.memory_space<vmem>>
      %dma_start3A_89 = arith.constant 0 : i32
      %dma_start3A_90 = tpu.memref_slice %arg5[%dma_start3A_83, %dma_start3A_89] : memref<8x128xi32, #tpu.memory_space<vmem>> -> memref<1x128xi32, #tpu.memory_space<vmem>>
      %dma_start3A_91 = tpu.memref_squeeze %dma_start3A_90 : memref<1x128xi32, #tpu.memory_space<vmem>> -> memref<128xi32, #tpu.memory_space<vmem>>
      %dma_start3A_92 = arith.constant 0 : i32
      %dma_start3A_93 = arith.constant 0 : i32
      %dma_start3A_94 = tpu.memref_slice %arg3[%dma_start3A_92, %dma_start3A_93] : memref<1007616x32xf32, #tpu.memory_space<hbm>> -> memref<1007616x32xf32, #tpu.memory_space<hbm>>
      tpu.enqueue_indirect_dma source(%dma_start3A_94 : memref<1007616x32xf32, #tpu.memory_space<hbm>>) target(%dma_start3A_88 : memref<128x32xf32, #tpu.memory_space<vmem>>) offsets(%dma_start3A_91 : memref<128xi32, #tpu.memory_space<vmem>>) semaphore(%arg7 : memref<!tpu.dma_semaphore, #tpu.memory_space<semaphore_mem>>)
      %dma_start3A_95 = arith.constant 7 : i32
      %dma_start3A_96 = arith.constant 7 : i32
      %dma_start3A_97 = arith.constant 0 : i32
      %dma_start3A_98 = arith.constant 0 : i32
      %dma_start3A_99 = tpu.memref_slice %arg6[%dma_start3A_96, %dma_start3A_97, %dma_start3A_98] : memref<8x128x32xf32, #tpu.memory_space<vmem>> -> memref<1x128x32xf32, #tpu.memory_space<vmem>>
      %dma_start3A_100 = tpu.memref_squeeze %dma_start3A_99 : memref<1x128x32xf32, #tpu.memory_space<vmem>> -> memref<128x32xf32, #tpu.memory_space<vmem>>
      %dma_start3A_101 = arith.constant 0 : i32
      %dma_start3A_102 = tpu.memref_slice %arg5[%dma_start3A_95, %dma_start3A_101] : memref<8x128xi32, #tpu.memory_space<vmem>> -> memref<1x128xi32, #tpu.memory_space<vmem>>
      %dma_start3A_103 = tpu.memref_squeeze %dma_start3A_102 : memref<1x128xi32, #tpu.memory_space<vmem>> -> memref<128xi32, #tpu.memory_space<vmem>>
      %dma_start3A_104 = arith.constant 0 : i32
      %dma_start3A_105 = arith.constant 0 : i32
      %dma_start3A_106 = tpu.memref_slice %arg3[%dma_start3A_104, %dma_start3A_105] : memref<1007616x32xf32, #tpu.memory_space<hbm>> -> memref<1007616x32xf32, #tpu.memory_space<hbm>>
      tpu.enqueue_indirect_dma source(%dma_start3A_106 : memref<1007616x32xf32, #tpu.memory_space<hbm>>) target(%dma_start3A_100 : memref<128x32xf32, #tpu.memory_space<vmem>>) offsets(%dma_start3A_103 : memref<128xi32, #tpu.memory_space<vmem>>) semaphore(%arg7 : memref<!tpu.dma_semaphore, #tpu.memory_space<semaphore_mem>>)
      %dma_wait3A = arith.constant 0 : i32
      %dma_wait3A_107 = arith.constant 0 : i32
      %dma_wait3A_108 = arith.constant 0 : i32
      %dma_wait3A_109 = arith.constant 0 : i32
      %dma_wait3A_110 = tpu.memref_slice %arg6[%dma_wait3A_107, %dma_wait3A_108, %dma_wait3A_109] : memref<8x128x32xf32, #tpu.memory_space<vmem>> -> memref<1x128x32xf32, #tpu.memory_space<vmem>>
      %dma_wait3A_111 = tpu.memref_squeeze %dma_wait3A_110 : memref<1x128x32xf32, #tpu.memory_space<vmem>> -> memref<128x32xf32, #tpu.memory_space<vmem>>
      %dma_wait3A_112 = arith.constant 0 : i32
      %dma_wait3A_113 = tpu.memref_slice %arg5[%dma_wait3A, %dma_wait3A_112] : memref<8x128xi32, #tpu.memory_space<vmem>> -> memref<1x128xi32, #tpu.memory_space<vmem>>
      %dma_wait3A_114 = tpu.memref_squeeze %dma_wait3A_113 : memref<1x128xi32, #tpu.memory_space<vmem>> -> memref<128xi32, #tpu.memory_space<vmem>>
      %dma_wait3A_115 = arith.constant 0 : i32
      %dma_wait3A_116 = arith.constant 0 : i32
      %dma_wait3A_117 = tpu.memref_slice %arg3[%dma_wait3A_115, %dma_wait3A_116] : memref<1007616x32xf32, #tpu.memory_space<hbm>> -> memref<1007616x32xf32, #tpu.memory_space<hbm>>
      tpu.wait_indirect_dma semaphore(%arg7 : memref<!tpu.dma_semaphore, #tpu.memory_space<semaphore_mem>>) src(%dma_wait3A_117 : memref<1007616x32xf32, #tpu.memory_space<hbm>>) dst(%dma_wait3A_111 : memref<128x32xf32, #tpu.memory_space<vmem>>)
      %dma_wait3A_118 = arith.constant 1 : i32
      %dma_wait3A_119 = arith.constant 1 : i32
      %dma_wait3A_120 = arith.constant 0 : i32
      %dma_wait3A_121 = arith.constant 0 : i32
      %dma_wait3A_122 = tpu.memref_slice %arg6[%dma_wait3A_119, %dma_wait3A_120, %dma_wait3A_121] : memref<8x128x32xf32, #tpu.memory_space<vmem>> -> memref<1x128x32xf32, #tpu.memory_space<vmem>>
      %dma_wait3A_123 = tpu.memref_squeeze %dma_wait3A_122 : memref<1x128x32xf32, #tpu.memory_space<vmem>> -> memref<128x32xf32, #tpu.memory_space<vmem>>
      %dma_wait3A_124 = arith.constant 0 : i32
      %dma_wait3A_125 = tpu.memref_slice %arg5[%dma_wait3A_118, %dma_wait3A_124] : memref<8x128xi32, #tpu.memory_space<vmem>> -> memref<1x128xi32, #tpu.memory_space<vmem>>
      %dma_wait3A_126 = tpu.memref_squeeze %dma_wait3A_125 : memref<1x128xi32, #tpu.memory_space<vmem>> -> memref<128xi32, #tpu.memory_space<vmem>>
      %dma_wait3A_127 = arith.constant 0 : i32
      %dma_wait3A_128 = arith.constant 0 : i32
      %dma_wait3A_129 = tpu.memref_slice %arg3[%dma_wait3A_127, %dma_wait3A_128] : memref<1007616x32xf32, #tpu.memory_space<hbm>> -> memref<1007616x32xf32, #tpu.memory_space<hbm>>
      tpu.wait_indirect_dma semaphore(%arg7 : memref<!tpu.dma_semaphore, #tpu.memory_space<semaphore_mem>>) src(%dma_wait3A_129 : memref<1007616x32xf32, #tpu.memory_space<hbm>>) dst(%dma_wait3A_123 : memref<128x32xf32, #tpu.memory_space<vmem>>)
      %dma_wait3A_130 = arith.constant 2 : i32
      %dma_wait3A_131 = arith.constant 2 : i32
      %dma_wait3A_132 = arith.constant 0 : i32
      %dma_wait3A_133 = arith.constant 0 : i32
      %dma_wait3A_134 = tpu.memref_slice %arg6[%dma_wait3A_131, %dma_wait3A_132, %dma_wait3A_133] : memref<8x128x32xf32, #tpu.memory_space<vmem>> -> memref<1x128x32xf32, #tpu.memory_space<vmem>>
      %dma_wait3A_135 = tpu.memref_squeeze %dma_wait3A_134 : memref<1x128x32xf32, #tpu.memory_space<vmem>> -> memref<128x32xf32, #tpu.memory_space<vmem>>
      %dma_wait3A_136 = arith.constant 0 : i32
      %dma_wait3A_137 = tpu.memref_slice %arg5[%dma_wait3A_130, %dma_wait3A_136] : memref<8x128xi32, #tpu.memory_space<vmem>> -> memref<1x128xi32, #tpu.memory_space<vmem>>
      %dma_wait3A_138 = tpu.memref_squeeze %dma_wait3A_137 : memref<1x128xi32, #tpu.memory_space<vmem>> -> memref<128xi32, #tpu.memory_space<vmem>>
      %dma_wait3A_139 = arith.constant 0 : i32
      %dma_wait3A_140 = arith.constant 0 : i32
      %dma_wait3A_141 = tpu.memref_slice %arg3[%dma_wait3A_139, %dma_wait3A_140] : memref<1007616x32xf32, #tpu.memory_space<hbm>> -> memref<1007616x32xf32, #tpu.memory_space<hbm>>
      tpu.wait_indirect_dma semaphore(%arg7 : memref<!tpu.dma_semaphore, #tpu.memory_space<semaphore_mem>>) src(%dma_wait3A_141 : memref<1007616x32xf32, #tpu.memory_space<hbm>>) dst(%dma_wait3A_135 : memref<128x32xf32, #tpu.memory_space<vmem>>)
      %dma_wait3A_142 = arith.constant 3 : i32
      %dma_wait3A_143 = arith.constant 3 : i32
      %dma_wait3A_144 = arith.constant 0 : i32
      %dma_wait3A_145 = arith.constant 0 : i32
      %dma_wait3A_146 = tpu.memref_slice %arg6[%dma_wait3A_143, %dma_wait3A_144, %dma_wait3A_145] : memref<8x128x32xf32, #tpu.memory_space<vmem>> -> memref<1x128x32xf32, #tpu.memory_space<vmem>>
      %dma_wait3A_147 = tpu.memref_squeeze %dma_wait3A_146 : memref<1x128x32xf32, #tpu.memory_space<vmem>> -> memref<128x32xf32, #tpu.memory_space<vmem>>
      %dma_wait3A_148 = arith.constant 0 : i32
      %dma_wait3A_149 = tpu.memref_slice %arg5[%dma_wait3A_142, %dma_wait3A_148] : memref<8x128xi32, #tpu.memory_space<vmem>> -> memref<1x128xi32, #tpu.memory_space<vmem>>
      %dma_wait3A_150 = tpu.memref_squeeze %dma_wait3A_149 : memref<1x128xi32, #tpu.memory_space<vmem>> -> memref<128xi32, #tpu.memory_space<vmem>>
      %dma_wait3A_151 = arith.constant 0 : i32
      %dma_wait3A_152 = arith.constant 0 : i32
      %dma_wait3A_153 = tpu.memref_slice %arg3[%dma_wait3A_151, %dma_wait3A_152] : memref<1007616x32xf32, #tpu.memory_space<hbm>> -> memref<1007616x32xf32, #tpu.memory_space<hbm>>
      tpu.wait_indirect_dma semaphore(%arg7 : memref<!tpu.dma_semaphore, #tpu.memory_space<semaphore_mem>>) src(%dma_wait3A_153 : memref<1007616x32xf32, #tpu.memory_space<hbm>>) dst(%dma_wait3A_147 : memref<128x32xf32, #tpu.memory_space<vmem>>)
      %dma_wait3A_154 = arith.constant 4 : i32
      %dma_wait3A_155 = arith.constant 4 : i32
      %dma_wait3A_156 = arith.constant 0 : i32
      %dma_wait3A_157 = arith.constant 0 : i32
      %dma_wait3A_158 = tpu.memref_slice %arg6[%dma_wait3A_155, %dma_wait3A_156, %dma_wait3A_157] : memref<8x128x32xf32, #tpu.memory_space<vmem>> -> memref<1x128x32xf32, #tpu.memory_space<vmem>>
      %dma_wait3A_159 = tpu.memref_squeeze %dma_wait3A_158 : memref<1x128x32xf32, #tpu.memory_space<vmem>> -> memref<128x32xf32, #tpu.memory_space<vmem>>
      %dma_wait3A_160 = arith.constant 0 : i32
      %dma_wait3A_161 = tpu.memref_slice %arg5[%dma_wait3A_154, %dma_wait3A_160] : memref<8x128xi32, #tpu.memory_space<vmem>> -> memref<1x128xi32, #tpu.memory_space<vmem>>
      %dma_wait3A_162 = tpu.memref_squeeze %dma_wait3A_161 : memref<1x128xi32, #tpu.memory_space<vmem>> -> memref<128xi32, #tpu.memory_space<vmem>>
      %dma_wait3A_163 = arith.constant 0 : i32
      %dma_wait3A_164 = arith.constant 0 : i32
      %dma_wait3A_165 = tpu.memref_slice %arg3[%dma_wait3A_163, %dma_wait3A_164] : memref<1007616x32xf32, #tpu.memory_space<hbm>> -> memref<1007616x32xf32, #tpu.memory_space<hbm>>
      tpu.wait_indirect_dma semaphore(%arg7 : memref<!tpu.dma_semaphore, #tpu.memory_space<semaphore_mem>>) src(%dma_wait3A_165 : memref<1007616x32xf32, #tpu.memory_space<hbm>>) dst(%dma_wait3A_159 : memref<128x32xf32, #tpu.memory_space<vmem>>)
      %dma_wait3A_166 = arith.constant 5 : i32
      %dma_wait3A_167 = arith.constant 5 : i32
      %dma_wait3A_168 = arith.constant 0 : i32
      %dma_wait3A_169 = arith.constant 0 : i32
      %dma_wait3A_170 = tpu.memref_slice %arg6[%dma_wait3A_167, %dma_wait3A_168, %dma_wait3A_169] : memref<8x128x32xf32, #tpu.memory_space<vmem>> -> memref<1x128x32xf32, #tpu.memory_space<vmem>>
      %dma_wait3A_171 = tpu.memref_squeeze %dma_wait3A_170 : memref<1x128x32xf32, #tpu.memory_space<vmem>> -> memref<128x32xf32, #tpu.memory_space<vmem>>
      %dma_wait3A_172 = arith.constant 0 : i32
      %dma_wait3A_173 = tpu.memref_slice %arg5[%dma_wait3A_166, %dma_wait3A_172] : memref<8x128xi32, #tpu.memory_space<vmem>> -> memref<1x128xi32, #tpu.memory_space<vmem>>
      %dma_wait3A_174 = tpu.memref_squeeze %dma_wait3A_173 : memref<1x128xi32, #tpu.memory_space<vmem>> -> memref<128xi32, #tpu.memory_space<vmem>>
      %dma_wait3A_175 = arith.constant 0 : i32
      %dma_wait3A_176 = arith.constant 0 : i32
      %dma_wait3A_177 = tpu.memref_slice %arg3[%dma_wait3A_175, %dma_wait3A_176] : memref<1007616x32xf32, #tpu.memory_space<hbm>> -> memref<1007616x32xf32, #tpu.memory_space<hbm>>
      tpu.wait_indirect_dma semaphore(%arg7 : memref<!tpu.dma_semaphore, #tpu.memory_space<semaphore_mem>>) src(%dma_wait3A_177 : memref<1007616x32xf32, #tpu.memory_space<hbm>>) dst(%dma_wait3A_171 : memref<128x32xf32, #tpu.memory_space<vmem>>)
      %dma_wait3A_178 = arith.constant 6 : i32
      %dma_wait3A_179 = arith.constant 6 : i32
      %dma_wait3A_180 = arith.constant 0 : i32
      %dma_wait3A_181 = arith.constant 0 : i32
      %dma_wait3A_182 = tpu.memref_slice %arg6[%dma_wait3A_179, %dma_wait3A_180, %dma_wait3A_181] : memref<8x128x32xf32, #tpu.memory_space<vmem>> -> memref<1x128x32xf32, #tpu.memory_space<vmem>>
      %dma_wait3A_183 = tpu.memref_squeeze %dma_wait3A_182 : memref<1x128x32xf32, #tpu.memory_space<vmem>> -> memref<128x32xf32, #tpu.memory_space<vmem>>
      %dma_wait3A_184 = arith.constant 0 : i32
      %dma_wait3A_185 = tpu.memref_slice %arg5[%dma_wait3A_178, %dma_wait3A_184] : memref<8x128xi32, #tpu.memory_space<vmem>> -> memref<1x128xi32, #tpu.memory_space<vmem>>
      %dma_wait3A_186 = tpu.memref_squeeze %dma_wait3A_185 : memref<1x128xi32, #tpu.memory_space<vmem>> -> memref<128xi32, #tpu.memory_space<vmem>>
      %dma_wait3A_187 = arith.constant 0 : i32
      %dma_wait3A_188 = arith.constant 0 : i32
      %dma_wait3A_189 = tpu.memref_slice %arg3[%dma_wait3A_187, %dma_wait3A_188] : memref<1007616x32xf32, #tpu.memory_space<hbm>> -> memref<1007616x32xf32, #tpu.memory_space<hbm>>
      tpu.wait_indirect_dma semaphore(%arg7 : memref<!tpu.dma_semaphore, #tpu.memory_space<semaphore_mem>>) src(%dma_wait3A_189 : memref<1007616x32xf32, #tpu.memory_space<hbm>>) dst(%dma_wait3A_183 : memref<128x32xf32, #tpu.memory_space<vmem>>)
      %dma_wait3A_190 = arith.constant 7 : i32
      %dma_wait3A_191 = arith.constant 7 : i32
      %dma_wait3A_192 = arith.constant 0 : i32
      %dma_wait3A_193 = arith.constant 0 : i32
      %dma_wait3A_194 = tpu.memref_slice %arg6[%dma_wait3A_191, %dma_wait3A_192, %dma_wait3A_193] : memref<8x128x32xf32, #tpu.memory_space<vmem>> -> memref<1x128x32xf32, #tpu.memory_space<vmem>>
      %dma_wait3A_195 = tpu.memref_squeeze %dma_wait3A_194 : memref<1x128x32xf32, #tpu.memory_space<vmem>> -> memref<128x32xf32, #tpu.memory_space<vmem>>
      %dma_wait3A_196 = arith.constant 0 : i32
      %dma_wait3A_197 = tpu.memref_slice %arg5[%dma_wait3A_190, %dma_wait3A_196] : memref<8x128xi32, #tpu.memory_space<vmem>> -> memref<1x128xi32, #tpu.memory_space<vmem>>
      %dma_wait3A_198 = tpu.memref_squeeze %dma_wait3A_197 : memref<1x128xi32, #tpu.memory_space<vmem>> -> memref<128xi32, #tpu.memory_space<vmem>>
      %dma_wait3A_199 = arith.constant 0 : i32
      %dma_wait3A_200 = arith.constant 0 : i32
      %dma_wait3A_201 = tpu.memref_slice %arg3[%dma_wait3A_199, %dma_wait3A_200] : memref<1007616x32xf32, #tpu.memory_space<hbm>> -> memref<1007616x32xf32, #tpu.memory_space<hbm>>
      tpu.wait_indirect_dma semaphore(%arg7 : memref<!tpu.dma_semaphore, #tpu.memory_space<semaphore_mem>>) src(%dma_wait3A_201 : memref<1007616x32xf32, #tpu.memory_space<hbm>>) dst(%dma_wait3A_195 : memref<128x32xf32, #tpu.memory_space<vmem>>)
      "tpu.region"() ({
        %run_scoped3A = tpu.sem_alloc : memref<!tpu.dma_semaphore, #tpu.memory_space<semaphore_mem>>
        %dma_start3A_202 = arith.constant 0 : i32
        %dma_start3A_203 = arith.constant 0 : i32
        %dma_start3A_204 = arith.constant 0 : i32
        %dma_start3A_205 = tpu.memref_slice %arg4[%add3A_9, %dma_start3A_202, %dma_start3A_203, %dma_start3A_204] : memref<288x8x128x32xf32, #tpu.memory_space<hbm>> -> memref<1x8x128x32xf32, #tpu.memory_space<hbm>>
        %dma_start3A_206 = tpu.memref_squeeze %dma_start3A_205 : memref<1x8x128x32xf32, #tpu.memory_space<hbm>> -> memref<8x128x32xf32, #tpu.memory_space<hbm>>
        %dma_start3A_207 = arith.constant 0 : i32
        %dma_start3A_208 = arith.constant 0 : i32
        %dma_start3A_209 = arith.constant 0 : i32
        %dma_start3A_210 = tpu.memref_slice %arg4[%add3A_9, %dma_start3A_207, %dma_start3A_208, %dma_start3A_209] : memref<288x8x128x32xf32, #tpu.memory_space<hbm>> -> memref<1x8x128x32xf32, #tpu.memory_space<hbm>>
        %dma_start3A_211 = tpu.memref_squeeze %dma_start3A_210 : memref<1x8x128x32xf32, #tpu.memory_space<hbm>> -> memref<8x128x32xf32, #tpu.memory_space<hbm>>
        tpu.enqueue_dma source(%arg6 : memref<8x128x32xf32, #tpu.memory_space<vmem>>) target(%dma_start3A_211 : memref<8x128x32xf32, #tpu.memory_space<hbm>>) target_semaphore(%run_scoped3A : memref<!tpu.dma_semaphore, #tpu.memory_space<semaphore_mem>>)
        %dma_wait3A_212 = arith.constant 0 : i32
        %dma_wait3A_213 = arith.constant 0 : i32
        %dma_wait3A_214 = arith.constant 0 : i32
        %dma_wait3A_215 = tpu.memref_slice %arg4[%add3A_9, %dma_wait3A_212, %dma_wait3A_213, %dma_wait3A_214] : memref<288x8x128x32xf32, #tpu.memory_space<hbm>> -> memref<1x8x128x32xf32, #tpu.memory_space<hbm>>
        %dma_wait3A_216 = tpu.memref_squeeze %dma_wait3A_215 : memref<1x8x128x32xf32, #tpu.memory_space<hbm>> -> memref<8x128x32xf32, #tpu.memory_space<hbm>>
        %dma_wait3A_217 = arith.constant 0 : i32
        %dma_wait3A_218 = arith.constant 0 : i32
        %dma_wait3A_219 = arith.constant 0 : i32
        %dma_wait3A_220 = tpu.memref_slice %arg4[%add3A_9, %dma_wait3A_217, %dma_wait3A_218, %dma_wait3A_219] : memref<288x8x128x32xf32, #tpu.memory_space<hbm>> -> memref<1x8x128x32xf32, #tpu.memory_space<hbm>>
        %dma_wait3A_221 = tpu.memref_squeeze %dma_wait3A_220 : memref<1x8x128x32xf32, #tpu.memory_space<hbm>> -> memref<8x128x32xf32, #tpu.memory_space<hbm>>
        tpu.wait_dma2 semaphore(%run_scoped3A : memref<!tpu.dma_semaphore, #tpu.memory_space<semaphore_mem>>) src(%arg6 : memref<8x128x32xf32, #tpu.memory_space<vmem>>) dst(%dma_wait3A_221 : memref<8x128x32xf32, #tpu.memory_space<hbm>>)
        tpu.yield
      }) : () -> ()
    }
    %scan3A_7 = arith.constant 9 : i32
    return
  }
}

module attributes {stable_mosaic.version = 14 : i64} {
  func.func @pack_body(%arg0: i32, %arg1: memref<32x8192xf32, #tpu.memory_space<vmem>>, %arg2: memref<2048x128xf32, #tpu.memory_space<vmem>>) attributes {dimension_semantics = [#tpu.dimension_semantics<arbitrary>], iteration_bounds = array<i64: 123>, scalar_prefetch = 0 : i64, scratch_operands = 0 : i64, tpu.core_type = #tpu.core_type<tc>, window_params = [{transform_indices = @transform_0, window_bounds = array<i64: 32, 8192>}, {transform_indices = @transform_1, window_bounds = array<i64: 2048, 128>}]} {
    %get3A = arith.constant 0 : index
    %get3A_0 = arith.constant 0 : index
    %get3A_1 = vector.load %arg1[%get3A, %get3A_0] : memref<32x8192xf32, #tpu.memory_space<vmem>>, vector<32x8192xf32>
    %transpose3A = tpu.transpose %get3A_1, [1, 0] : vector<32x8192xf32> -> vector<8192x32xf32>
    %reshape3A = vector.shape_cast %transpose3A : vector<8192x32xf32> to vector<2048x4x32xf32>
    %slice3A = vector.extract_strided_slice %reshape3A {offsets = [0, 0, 0], sizes = [2048, 1, 32], strides = [1, 1, 1]} : vector<2048x4x32xf32> to vector<2048x1x32xf32>
    %squeeze3A = vector.shape_cast %slice3A : vector<2048x1x32xf32> to vector<2048x32xf32>
    %slice3A_2 = vector.extract_strided_slice %reshape3A {offsets = [0, 1, 0], sizes = [2048, 1, 32], strides = [1, 1, 1]} : vector<2048x4x32xf32> to vector<2048x1x32xf32>
    %squeeze3A_3 = vector.shape_cast %slice3A_2 : vector<2048x1x32xf32> to vector<2048x32xf32>
    %slice3A_4 = vector.extract_strided_slice %reshape3A {offsets = [0, 2, 0], sizes = [2048, 1, 32], strides = [1, 1, 1]} : vector<2048x4x32xf32> to vector<2048x1x32xf32>
    %squeeze3A_5 = vector.shape_cast %slice3A_4 : vector<2048x1x32xf32> to vector<2048x32xf32>
    %slice3A_6 = vector.extract_strided_slice %reshape3A {offsets = [0, 3, 0], sizes = [2048, 1, 32], strides = [1, 1, 1]} : vector<2048x4x32xf32> to vector<2048x1x32xf32>
    %squeeze3A_7 = vector.shape_cast %slice3A_6 : vector<2048x1x32xf32> to vector<2048x32xf32>
    %concatenate3A = tpu.concatenate %squeeze3A, %squeeze3A_3, %squeeze3A_5, %squeeze3A_7 in 1 : vector<2048x32xf32>, vector<2048x32xf32>, vector<2048x32xf32>, vector<2048x32xf32> -> vector<2048x128xf32>
    %swap3A = arith.constant 0 : index
    %swap3A_8 = arith.constant 0 : index
    %swap3A_9 = vector.load %arg2[%swap3A, %swap3A_8] : memref<2048x128xf32, #tpu.memory_space<vmem>>, vector<2048x128xf32>
    tpu.vector_store %arg2[%swap3A, %swap3A_8], %concatenate3A {strides = array<i32>} : memref<2048x128xf32, #tpu.memory_space<vmem>>, vector<2048x128xf32>,
    return
  }
  func.func @transform_0(%arg0: i32) -> (i32, i32) {
    %c0_i32 = arith.constant 0 : i32
    %c0_i32_0 = arith.constant 0 : i32
    return %c0_i32, %arg0 : i32, i32
  }
  func.func @transform_1(%arg0: i32) -> (i32, i32) {
    %c0_i32 = arith.constant 0 : i32
    %c0_i32_0 = arith.constant 0 : i32
    return %arg0, %c0_i32 : i32, i32
  }
}

module attributes {stable_mosaic.version = 14 : i64} {
  func.func @mm_body(%arg0: i32, %arg1: memref<2048x128xf32, #tpu.memory_space<vmem>>, %arg2: memref<128x512xf32, #tpu.memory_space<vmem>>, %arg3: memref<8192x128xf32, #tpu.memory_space<vmem>>) attributes {dimension_semantics = [#tpu.dimension_semantics<arbitrary>], iteration_bounds = array<i64: 4>, scalar_prefetch = 0 : i64, scratch_operands = 0 : i64, tpu.core_type = #tpu.core_type<tc>, window_params = [{transform_indices = @transform_0, window_bounds = array<i64: 2048, 128>}, {pipeline_mode = #tpu.pipeline_mode<synchronous>, transform_indices = @transform_1, window_bounds = array<i64: 128, 512>}, {transform_indices = @transform_2, window_bounds = array<i64: 8192, 128>}]} {
    %get3A = arith.constant 0 : index
    %get3A_0 = arith.constant 0 : index
    %get3A_1 = vector.load %arg1[%get3A, %get3A_0] : memref<2048x128xf32, #tpu.memory_space<vmem>>, vector<2048x128xf32>
    %get3A_2 = arith.constant 0 : index
    %get3A_3 = arith.constant 0 : index
    %get3A_4 = vector.load %arg2[%get3A_2, %get3A_3] : memref<128x512xf32, #tpu.memory_space<vmem>>, vector<128x512xf32>
    %dot_general3A = arith.constant dense<0.000000e+00> : vector<2048x512xf32>
    %dot_general3A_5 = tpu.matmul %get3A_1, %get3A_4, %dot_general3A {dimension_numbers = #tpu.dot_dimension_numbers<[1], [0], [0], [1], [0, 0, 1, 1], [], []>, transpose_lhs_hint = false} : vector<2048x128xf32>, vector<128x512xf32>, vector<2048x512xf32> -> vector<2048x512xf32>
    %reshape3A = vector.shape_cast %dot_general3A_5 : vector<2048x512xf32> to vector<8192x128xf32>
    %swap3A = arith.constant 0 : index
    %swap3A_6 = arith.constant 0 : index
    %swap3A_7 = vector.load %arg3[%swap3A, %swap3A_6] : memref<8192x128xf32, #tpu.memory_space<vmem>>, vector<8192x128xf32>
    tpu.vector_store %arg3[%swap3A, %swap3A_6], %reshape3A {strides = array<i32>} : memref<8192x128xf32, #tpu.memory_space<vmem>>, vector<8192x128xf32>,
    return
  }
  func.func @transform_0(%arg0: i32) -> (i32, i32) {
    %c0_i32 = arith.constant 0 : i32
    %c0_i32_0 = arith.constant 0 : i32
    return %arg0, %c0_i32 : i32, i32
  }
  func.func @transform_1(%arg0: i32) -> (i32, i32) {
    %c0_i32 = arith.constant 0 : i32
    %c0_i32_0 = arith.constant 0 : i32
    %c0_i32_1 = arith.constant 0 : i32
    return %c0_i32, %c0_i32_0 : i32, i32
  }
  func.func @transform_2(%arg0: i32) -> (i32, i32) {
    %add3A = arith.constant 0 : i32
    %add3A_0 = arith.addi %add3A, %arg0 : i32
    %c0_i32 = arith.constant 0 : i32
    %c0_i32_1 = arith.constant 0 : i32
    return %add3A_0, %c0_i32 : i32, i32
  }
}

module attributes {stable_mosaic.version = 14 : i64} {
  func.func @mm_body_acc(%arg0: i32, %arg1: memref<2048x128xf32, #tpu.memory_space<vmem>>, %arg2: memref<128x512xf32, #tpu.memory_space<vmem>>, %arg3: memref<819200x128xf32, #tpu.memory_space<any>>, %arg4: memref<8192x128xf32, #tpu.memory_space<vmem>>) attributes {dimension_semantics = [#tpu.dimension_semantics<arbitrary>], iteration_bounds = array<i64: 12>, scalar_prefetch = 0 : i64, scratch_operands = 0 : i64, tpu.core_type = #tpu.core_type<tc>, window_params = [{transform_indices = @transform_0, window_bounds = array<i64: 2048, 128>}, {pipeline_mode = #tpu.pipeline_mode<synchronous>, transform_indices = @transform_1, window_bounds = array<i64: 128, 512>}, {}, {transform_indices = @transform_3, window_bounds = array<i64: 8192, 128>}]} {
    %get3A = arith.constant 0 : index
    %get3A_0 = arith.constant 0 : index
    %get3A_1 = vector.load %arg1[%get3A, %get3A_0] : memref<2048x128xf32, #tpu.memory_space<vmem>>, vector<2048x128xf32>
    %get3A_2 = arith.constant 0 : index
    %get3A_3 = arith.constant 0 : index
    %get3A_4 = vector.load %arg2[%get3A_2, %get3A_3] : memref<128x512xf32, #tpu.memory_space<vmem>>, vector<128x512xf32>
    %dot_general3A = arith.constant dense<0.000000e+00> : vector<2048x512xf32>
    %dot_general3A_5 = tpu.matmul %get3A_1, %get3A_4, %dot_general3A {dimension_numbers = #tpu.dot_dimension_numbers<[1], [0], [0], [1], [0, 0, 1, 1], [], []>, transpose_lhs_hint = false} : vector<2048x128xf32>, vector<128x512xf32>, vector<2048x512xf32> -> vector<2048x512xf32>
    %reshape3A = vector.shape_cast %dot_general3A_5 : vector<2048x512xf32> to vector<8192x128xf32>
    %swap3A = arith.constant 0 : index
    %swap3A_6 = arith.constant 0 : index
    %swap3A_7 = vector.load %arg4[%swap3A, %swap3A_6] : memref<8192x128xf32, #tpu.memory_space<vmem>>, vector<8192x128xf32>
    tpu.vector_store %arg4[%swap3A, %swap3A_6], %reshape3A {strides = array<i32>} : memref<8192x128xf32, #tpu.memory_space<vmem>>, vector<8192x128xf32>,
    return
  }
  func.func @transform_0(%arg0: i32) -> (i32, i32) {
    %c0_i32 = arith.constant 0 : i32
    %c0_i32_0 = arith.constant 0 : i32
    return %arg0, %c0_i32 : i32, i32
  }
  func.func @transform_1(%arg0: i32) -> (i32, i32) {
    %c0_i32 = arith.constant 0 : i32
    %c0_i32_0 = arith.constant 0 : i32
    %c0_i32_1 = arith.constant 0 : i32
    return %c0_i32, %c0_i32_0 : i32, i32
  }
  func.func @transform_3(%arg0: i32) -> (i32, i32) {
    %add3A = arith.constant 4 : i32
    %add3A_0 = arith.addi %add3A, %arg0 : i32
    %c0_i32 = arith.constant 0 : i32
    %c0_i32_1 = arith.constant 0 : i32
    return %add3A_0, %c0_i32 : i32, i32
  }
}

module attributes {stable_mosaic.version = 14 : i64} {
  func.func @mm_body_acc(%arg0: i32, %arg1: memref<2048x128xf32, #tpu.memory_space<vmem>>, %arg2: memref<128x512xf32, #tpu.memory_space<vmem>>, %arg3: memref<819200x128xf32, #tpu.memory_space<any>>, %arg4: memref<8192x128xf32, #tpu.memory_space<vmem>>) attributes {dimension_semantics = [#tpu.dimension_semantics<arbitrary>], iteration_bounds = array<i64: 20>, scalar_prefetch = 0 : i64, scratch_operands = 0 : i64, tpu.core_type = #tpu.core_type<tc>, window_params = [{transform_indices = @transform_0, window_bounds = array<i64: 2048, 128>}, {pipeline_mode = #tpu.pipeline_mode<synchronous>, transform_indices = @transform_1, window_bounds = array<i64: 128, 512>}, {}, {transform_indices = @transform_3, window_bounds = array<i64: 8192, 128>}]} {
    %get3A = arith.constant 0 : index
    %get3A_0 = arith.constant 0 : index
    %get3A_1 = vector.load %arg1[%get3A, %get3A_0] : memref<2048x128xf32, #tpu.memory_space<vmem>>, vector<2048x128xf32>
    %get3A_2 = arith.constant 0 : index
    %get3A_3 = arith.constant 0 : index
    %get3A_4 = vector.load %arg2[%get3A_2, %get3A_3] : memref<128x512xf32, #tpu.memory_space<vmem>>, vector<128x512xf32>
    %dot_general3A = arith.constant dense<0.000000e+00> : vector<2048x512xf32>
    %dot_general3A_5 = tpu.matmul %get3A_1, %get3A_4, %dot_general3A {dimension_numbers = #tpu.dot_dimension_numbers<[1], [0], [0], [1], [0, 0, 1, 1], [], []>, transpose_lhs_hint = false} : vector<2048x128xf32>, vector<128x512xf32>, vector<2048x512xf32> -> vector<2048x512xf32>
    %reshape3A = vector.shape_cast %dot_general3A_5 : vector<2048x512xf32> to vector<8192x128xf32>
    %swap3A = arith.constant 0 : index
    %swap3A_6 = arith.constant 0 : index
    %swap3A_7 = vector.load %arg4[%swap3A, %swap3A_6] : memref<8192x128xf32, #tpu.memory_space<vmem>>, vector<8192x128xf32>
    tpu.vector_store %arg4[%swap3A, %swap3A_6], %reshape3A {strides = array<i32>} : memref<8192x128xf32, #tpu.memory_space<vmem>>, vector<8192x128xf32>,
    return
  }
  func.func @transform_0(%arg0: i32) -> (i32, i32) {
    %c0_i32 = arith.constant 0 : i32
    %c0_i32_0 = arith.constant 0 : i32
    return %arg0, %c0_i32 : i32, i32
  }
  func.func @transform_1(%arg0: i32) -> (i32, i32) {
    %c0_i32 = arith.constant 0 : i32
    %c0_i32_0 = arith.constant 0 : i32
    %c0_i32_1 = arith.constant 0 : i32
    return %c0_i32, %c0_i32_0 : i32, i32
  }
  func.func @transform_3(%arg0: i32) -> (i32, i32) {
    %add3A = arith.constant 16 : i32
    %add3A_0 = arith.addi %add3A, %arg0 : i32
    %c0_i32 = arith.constant 0 : i32
    %c0_i32_1 = arith.constant 0 : i32
    return %add3A_0, %c0_i32 : i32, i32
  }
}

module attributes {stable_mosaic.version = 14 : i64} {
  func.func @mm_body_acc(%arg0: i32, %arg1: memref<2048x128xf32, #tpu.memory_space<vmem>>, %arg2: memref<128x512xf32, #tpu.memory_space<vmem>>, %arg3: memref<819200x128xf32, #tpu.memory_space<any>>, %arg4: memref<8192x128xf32, #tpu.memory_space<vmem>>) attributes {dimension_semantics = [#tpu.dimension_semantics<arbitrary>], iteration_bounds = array<i64: 28>, scalar_prefetch = 0 : i64, scratch_operands = 0 : i64, tpu.core_type = #tpu.core_type<tc>, window_params = [{transform_indices = @transform_0, window_bounds = array<i64: 2048, 128>}, {pipeline_mode = #tpu.pipeline_mode<synchronous>, transform_indices = @transform_1, window_bounds = array<i64: 128, 512>}, {}, {transform_indices = @transform_3, window_bounds = array<i64: 8192, 128>}]} {
    %get3A = arith.constant 0 : index
    %get3A_0 = arith.constant 0 : index
    %get3A_1 = vector.load %arg1[%get3A, %get3A_0] : memref<2048x128xf32, #tpu.memory_space<vmem>>, vector<2048x128xf32>
    %get3A_2 = arith.constant 0 : index
    %get3A_3 = arith.constant 0 : index
    %get3A_4 = vector.load %arg2[%get3A_2, %get3A_3] : memref<128x512xf32, #tpu.memory_space<vmem>>, vector<128x512xf32>
    %dot_general3A = arith.constant dense<0.000000e+00> : vector<2048x512xf32>
    %dot_general3A_5 = tpu.matmul %get3A_1, %get3A_4, %dot_general3A {dimension_numbers = #tpu.dot_dimension_numbers<[1], [0], [0], [1], [0, 0, 1, 1], [], []>, transpose_lhs_hint = false} : vector<2048x128xf32>, vector<128x512xf32>, vector<2048x512xf32> -> vector<2048x512xf32>
    %reshape3A = vector.shape_cast %dot_general3A_5 : vector<2048x512xf32> to vector<8192x128xf32>
    %swap3A = arith.constant 0 : index
    %swap3A_6 = arith.constant 0 : index
    %swap3A_7 = vector.load %arg4[%swap3A, %swap3A_6] : memref<8192x128xf32, #tpu.memory_space<vmem>>, vector<8192x128xf32>
    tpu.vector_store %arg4[%swap3A, %swap3A_6], %reshape3A {strides = array<i32>} : memref<8192x128xf32, #tpu.memory_space<vmem>>, vector<8192x128xf32>,
    return
  }
  func.func @transform_0(%arg0: i32) -> (i32, i32) {
    %c0_i32 = arith.constant 0 : i32
    %c0_i32_0 = arith.constant 0 : i32
    return %arg0, %c0_i32 : i32, i32
  }
  func.func @transform_1(%arg0: i32) -> (i32, i32) {
    %c0_i32 = arith.constant 0 : i32
    %c0_i32_0 = arith.constant 0 : i32
    %c0_i32_1 = arith.constant 0 : i32
    return %c0_i32, %c0_i32_0 : i32, i32
  }
  func.func @transform_3(%arg0: i32) -> (i32, i32) {
    %add3A = arith.constant 36 : i32
    %add3A_0 = arith.addi %add3A, %arg0 : i32
    %c0_i32 = arith.constant 0 : i32
    %c0_i32_1 = arith.constant 0 : i32
    return %add3A_0, %c0_i32 : i32, i32
  }
}

module attributes {stable_mosaic.version = 14 : i64} {
  func.func @mm_body_acc(%arg0: i32, %arg1: memref<2048x128xf32, #tpu.memory_space<vmem>>, %arg2: memref<128x512xf32, #tpu.memory_space<vmem>>, %arg3: memref<819200x128xf32, #tpu.memory_space<any>>, %arg4: memref<8192x128xf32, #tpu.memory_space<vmem>>) attributes {dimension_semantics = [#tpu.dimension_semantics<arbitrary>], iteration_bounds = array<i64: 36>, scalar_prefetch = 0 : i64, scratch_operands = 0 : i64, tpu.core_type = #tpu.core_type<tc>, window_params = [{transform_indices = @transform_0, window_bounds = array<i64: 2048, 128>}, {pipeline_mode = #tpu.pipeline_mode<synchronous>, transform_indices = @transform_1, window_bounds = array<i64: 128, 512>}, {}, {transform_indices = @transform_3, window_bounds = array<i64: 8192, 128>}]} {
    %get3A = arith.constant 0 : index
    %get3A_0 = arith.constant 0 : index
    %get3A_1 = vector.load %arg1[%get3A, %get3A_0] : memref<2048x128xf32, #tpu.memory_space<vmem>>, vector<2048x128xf32>
    %get3A_2 = arith.constant 0 : index
    %get3A_3 = arith.constant 0 : index
    %get3A_4 = vector.load %arg2[%get3A_2, %get3A_3] : memref<128x512xf32, #tpu.memory_space<vmem>>, vector<128x512xf32>
    %dot_general3A = arith.constant dense<0.000000e+00> : vector<2048x512xf32>
    %dot_general3A_5 = tpu.matmul %get3A_1, %get3A_4, %dot_general3A {dimension_numbers = #tpu.dot_dimension_numbers<[1], [0], [0], [1], [0, 0, 1, 1], [], []>, transpose_lhs_hint = false} : vector<2048x128xf32>, vector<128x512xf32>, vector<2048x512xf32> -> vector<2048x512xf32>
    %reshape3A = vector.shape_cast %dot_general3A_5 : vector<2048x512xf32> to vector<8192x128xf32>
    %swap3A = arith.constant 0 : index
    %swap3A_6 = arith.constant 0 : index
    %swap3A_7 = vector.load %arg4[%swap3A, %swap3A_6] : memref<8192x128xf32, #tpu.memory_space<vmem>>, vector<8192x128xf32>
    tpu.vector_store %arg4[%swap3A, %swap3A_6], %reshape3A {strides = array<i32>} : memref<8192x128xf32, #tpu.memory_space<vmem>>, vector<8192x128xf32>,
    return
  }
  func.func @transform_0(%arg0: i32) -> (i32, i32) {
    %c0_i32 = arith.constant 0 : i32
    %c0_i32_0 = arith.constant 0 : i32
    return %arg0, %c0_i32 : i32, i32
  }
  func.func @transform_1(%arg0: i32) -> (i32, i32) {
    %c0_i32 = arith.constant 0 : i32
    %c0_i32_0 = arith.constant 0 : i32
    %c0_i32_1 = arith.constant 0 : i32
    return %c0_i32, %c0_i32_0 : i32, i32
  }
  func.func @transform_3(%arg0: i32) -> (i32, i32) {
    %add3A = arith.constant 64 : i32
    %add3A_0 = arith.addi %add3A, %arg0 : i32
    %c0_i32 = arith.constant 0 : i32
    %c0_i32_1 = arith.constant 0 : i32
    return %add3A_0, %c0_i32 : i32, i32
  }
}

</mosaic_0001>

<sc_bundles>
// kernel: kernel.13.cloned.1.call-start
scs
__scs_entry_jumppad:
0x0: {  	(pc) =	sbr.rel $0x88, $3  }
0x1: {  	(tag) =	ssettag $0x0;
	lr =	simm.s32 $0x1  }
0x2: {  	[smem:$0x3F9E] =	sst lr;
	_ =	strace $0xD0000000  }
0x3: {  	_ = 	snop  }
0x4: {  	_ = 	snop  }
0x5: {  	_ = 	snop  }
0x6: {  	_ = 	snop  }
0x7: {  	_ = 	snop  }
__scs_overlays_trampoline_lowered:
0x8: {  	[smem:$0x3FAD] =	sst s0  }
0x9: {  	[smem:$0x3FAE] =	sst s1  }
0xa: {  	[smem:$0x3FAF] =	sst s2  }
0xb: {  	[smem:$0x3FB0] =	sst s3  }
0xc: {  	[smem:$0x3FB1] =	sst s4  }
0xd: {  	[smem:$0x3FB2] =	sst s5  }
0xe: {  	[smem:$0x3FB3] =	sst s6  }
0xf: {  	[smem:$0x3FB4] =	sst s7  }
0x10: {  	[smem:$0x3FB5] =	sst s8  }
0x11: {  	[smem:$0x3FB6] =	sst s9;
	s0 =	simm.s32 @!p0 $0x0  }
0x12: {  	s1 =	sld [smem:$0x3F9C];
	s0 =	simm.s32 @p0 $0x1  }
0x13: {  	[smem:$0x3FB7] =	sst s0;
	s0 =	simm.s32 @!p1 $0x0  }
0x14: {  	s2 =	sld [smem:$0x3F9B];
	s0 =	simm.s32 @p1 $0x1  }
0x15: {  	[smem:$0x3FB8] =	sst s0;
	s0 =	simm.s32 @!p2 $0x0  }
0x16: {  	s3 =	sld [smem:$0x3FDB];
	s0 =	simm.s32 @p2 $0x1  }
0x17: {  	s4 =	simm.s32 $0x1BF5;
	[smem:$0x3FBA] =	sst s0  }
0x18: {  	s0 =	sld [smem:$0x3F9D];
	_ =	swait.ge [sflag:s4], $0x0  }
0x19: {  	s7 =	sld [smem:$0x3F9E]  }
0x1a: {  	s8 =	sadd.s32 $0xFFFFE003, lr  }
0x1b: {  	s9 =	sadd.s32 $0xFFFFFEF7, lr;
	s5 =	simm.s32 $0xFFFFFFFF;
	p2 =	slt.u32 s8, $0xFFFFF086  }
0x1c: {  	p1 =	slt.u32 s9, $0xF7A;
	s5 =	simm.s32 @!p2 $0x0  }
0x1d: {  	s5 =	simm.s32 @p1 $0x1;
	p0 =	seq.s32 s7, s2  }
0x1e: {  	s7 =	smul.u32 @!p0 $0xF7A, s2;
	p2 =	seq.s32 @!p0 s5, $0x0  }
0x1f: {  	s9 =	smul.u32 $0xF7A, s1;
	s8 =	simm.s32 @!p0 $0x1BF5;
	p2 =	por !p2, p0  }
0x20: {  	[sflag:s8] =	ssyncset.s32 @!p0 $0xFFFFF086;
	s6 =	sadd.s32 @!p0 s3, s7;
	s7 =	simm.s32 @!p0 $0x108  }
0x21: {  	s3 =	sadd.s32 s3, s9;
	s6 =	sadd.s32 @!p0 $0x88, s6;
	s7 =	simm.s32 @p2 $0x1082  }
0x22: {  	[simem:s7], [sflag:s8] =	dma.local @!p0 [hbm:s6], $0xF7A  }
0x23: {  	s9 =	sor.u32 $0xD0000000, s2;
	s6 =	simm.s32 $0x108;
	_ =	swait.ge @!p0 [sflag:s8], $0x0  }
0x24: {  	s3 =	sadd.s32 $0x88, s3;
	s6 =	simm.s32 @!p1 $0x1082;
	[sflag:s4] =	ssyncset.s32 $0xFFFFF086  }
0x25: {  	[simem:s6], [sflag:s4] =	dma.local [hbm:s3], $0xF7A  }
0x26: {  	[smem:$0x3F9E] =	sst s1;
	(tag) =	ssettag s2;
	_ =	strace s9  }
0x27: {  	s1 =	sld [smem:$0x3FAE]  }
0x28: {  	s2 =	sld [smem:$0x3FAF]  }
0x29: {  	s4 =	sld [smem:$0x3FB1]  }
0x2a: {  	p0 =	seq.s32 s5, $0x0;
	s5 =	sld [smem:$0x3FB2]  }
0x2b: {  	s6 =	sld [smem:$0x3FB3]  }
0x2c: {  	s7 =	sld [smem:$0x3FB4]  }
0x2d: {  	s3 =	simm.s32 $0x108;
	s8 =	sld [smem:$0x3FB5]  }
0x2e: {  	s3 =	simm.s32 @!p0 $0x1082;
	s9 =	sld [smem:$0x3FB6]  }
0x2f: {  	lr =	sadd.s32 s0, s3;
	s0 =	sld [smem:$0x3FAD]  }
0x30: {  	s3 =	sld [smem:$0x3FB0]  }
0x31: {  	[smem:$0x3FB9] =	sst s10  }
0x32: {  	s10 =	sld [smem:$0x3FB7];
	_ =	sdelay $0x3  }
0x33: {  	p0 =	seq.s32 s10, $0x1;
	s10 =	sld [smem:$0x3FB9];
	_ =	sdelay $0x3  }
0x34: {  	[smem:$0x3FB9] =	sst s10  }
0x35: {  	s10 =	sld [smem:$0x3FB8];
	_ =	sdelay $0x3  }
0x36: {  	p1 =	seq.s32 s10, $0x1;
	s10 =	sld [smem:$0x3FB9];
	_ =	sdelay $0x3  }
0x37: {  	[smem:$0x3FB9] =	sst s10  }
0x38: {  	s10 =	sld [smem:$0x3FBA]  }
0x39: {  	_ = 	snop;
	(pc) =	sbr.ind lr, $3  }
0x3a: {  	_ = 	snop  }
0x3b: {  	_ = 	snop  }
0x3c: {  	p2 =	seq.s32 s10, $0x1;
	s10 =	sld [smem:$0x3FB9]  }
0x3d: {  	_ =	shalt  }
0x3e: {  	_ =	shalt  }
0x3f: {  	_ =	shalt  }
0x40: {  	_ =	shalt  }
0x41: {  	_ =	shalt  }
0x42: {  	_ =	shalt  }
0x43: {  	_ =	shalt  }
0x44: {  	_ =	shalt  }
0x45: {  	_ =	shalt  }
0x46: {  	_ =	shalt  }
0x47: {  	_ =	shalt  }
0x48: {  	_ =	shalt  }
0x49: {  	_ =	shalt  }
0x4a: {  	_ =	shalt  }
0x4b: {  	_ =	shalt  }
0x4c: {  	_ =	shalt  }
0x4d: {  	_ =	shalt  }
0x4e: {  	_ =	shalt  }
0x4f: {  	_ =	shalt  }
0x50: {  	_ =	shalt  }
0x51: {  	_ =	shalt  }
0x52: {  	_ =	shalt  }
0x53: {  	_ =	shalt  }
0x54: {  	_ =	shalt  }
0x55: {  	_ =	shalt  }
0x56: {  	_ =	shalt  }
0x57: {  	_ =	shalt  }
0x58: {  	_ =	shalt  }
0x59: {  	_ =	shalt  }
0x5a: {  	_ =	shalt  }
0x5b: {  	_ =	shalt  }
0x5c: {  	_ =	shalt  }
0x5d: {  	_ =	shalt  }
0x5e: {  	_ =	shalt  }
0x5f: {  	_ =	shalt  }
0x60: {  	_ =	shalt  }
0x61: {  	_ =	shalt  }
0x62: {  	_ =	shalt  }
0x63: {  	_ =	shalt  }
0x64: {  	_ =	shalt  }
0x65: {  	_ =	shalt  }
0x66: {  	_ =	shalt  }
0x67: {  	_ =	shalt  }
0x68: {  	_ =	shalt  }
0x69: {  	_ =	shalt  }
0x6a: {  	_ =	shalt  }
0x6b: {  	_ =	shalt  }
0x6c: {  	_ =	shalt  }
0x6d: {  	_ =	shalt  }
0x6e: {  	_ =	shalt  }
0x6f: {  	_ =	shalt  }
0x70: {  	_ =	shalt  }
0x71: {  	_ =	shalt  }
0x72: {  	_ =	shalt  }
0x73: {  	_ =	shalt  }
0x74: {  	_ =	shalt  }
0x75: {  	_ =	shalt  }
0x76: {  	_ =	shalt  }
0x77: {  	_ =	shalt  }
0x78: {  	_ =	shalt  }
0x79: {  	_ =	shalt  }
0x7a: {  	_ =	shalt  }
0x7b: {  	_ =	shalt  }
0x7c: {  	_ =	shalt  }
0x7d: {  	_ =	shalt  }
0x7e: {  	_ =	shalt  }
0x7f: {  	_ =	shalt  }
0x80: {  	_ =	shalt  }
0x81: {  	_ =	shalt  }
0x82: {  	_ =	shalt  }
0x83: {  	_ =	shalt  }
0x84: {  	_ =	shalt  }
0x85: {  	_ =	shalt  }
0x86: {  	_ =	shalt  }
0x87: {  	_ =	shalt  }
.Lfunc_end0:
.L_simem_size_0:
called_computation_lowered:
.L_overlay_start_0:
0x88: {  	s2 =	sld [smem:$0x3FD9]  }
0x89: {  	s3 =	sld [smem:$0x3FFE];
	_ =	sdelay $0x1  }
0x8a: {  	s1 =	srdreg.scid  }
0x8b: {  	s0 =	sand.u32 $0x1, s1  }
0x8c: {  	s17 =	sshll.u32 s0, $0xA;
	s2 =	sadd.s32 s3, s2  }
0x8d: {  	s2 =	sadd.s32 s2, s17  }
0x8e: {  	[smem:$0x3FC5] =	sst s2  }
0x8f: {  	_ = 	snop  }
0x90: {  	s2 =	sld [smem:$0x3FD0];
	(tm) =	ssettm $0x1  }
0x91: {  	s18 =	sld [smem:$0x3FFB];
	_ =	sdelay $0x3  }
0x92: {  	_ =	strace s18  }
0x93: {  	s3 =	sld [smem:$0x3FFC];
	_ =	sdelay $0x3  }
0x94: {  	_ =	strace s3  }
0x95: {  	s3 =	sld [smem:$0x3FFD];
	_ =	sdelay $0x3  }
0x96: {  	_ =	strace s3  }
0x97: {  	_ =	strace $0x8FFFFFFF  }
0x98: {  	s19 =	sld [smem:$0x3FDB];
	_ =	sdelay $0x1  }
0x99: {  	s4 =	simm.s32 $_scs_section_size  }
0x9a: {  	s5 =	simm.s32 $_size__tile_overlayer_lowered;
	s6 =	simm.s32 $_tile_overlayer_lowered  }
0x9b: {  	s22 =	simm.s32 $0x1BFF;
	s21 =	sshll.u32 s6, $0x1;
	s3 =	sadd.s32 s4, s19  }
0x9c: {  	s7 =	simm.s32 $0x0;
	s20 =	sshll.u32 s5, $0x1;
	s5 =	sadd.s32 s21, s3  }
0x9d: {  	[timem:s7], [sflag:s22] =	dma.local [hbm:s5], s20  }
0x9e: {  	_ =	swait.ge [sflag:s22], s20  }
0x9f: {  	s4 =	ssub.s32 $0x0, s20;
	[sflag:s22] =	ssyncset.done $0x0  }
0xa0: {  	[sflag:s22] =	ssyncadd.s32 s4;
	_ =	sdelay $0x1  }
0xa1: {  	s23 =	simm.s32 $0x1B8B  }
0xa2: {  	_ =	swait.ge [sflag:s23], $0x1  }
0xa3: {  	[sflag:s23] =	ssyncset.done $0x0  }
0xa4: {  	s25 =	simm.s32 $0x1B8E;
	s24 =	sld [smem:$0x3FFE];
	[sflag:s23] =	ssyncadd.s32 $0xFFFFFFFF  }
0xa5: {  	s26 =	simm.s32 $execute0_lowered;
	[smem:$0x3FD2] =	sst s25  }
0xa6: {  	s5 =	sshll.u32 s26, $0x1;
	_ =	strace $0x80000046;
	[dreg:$0x1] =	wrdreg $0xFFFFFFFF  }
0xa7: {  	s28 =	simm.s32 $_size_execute0_lowered;
	s3 =	sadd.s32 s3, s5;
	[dreg:$0x0] =	wrdreg $0x0  }
0xa8: {  	s5 =	sshll.u32 s28, $0x1;
	[dreg:$0x2] =	wrdreg s3  }
0xa9: {  	[dreg:$0x3] =	wrdreg s5  }
0xaa: {  	[dreg:$0x4] =	wrdreg $0xC0  }
0xab: {  	_ =	task [dreg:s7], $0x5FFFF  }
0xac: {  	[dreg:$0x1] =	wrdreg $0xFFFFFFFF  }
0xad: {  	[dreg:$0x0] =	wrdreg $0x60  }
0xae: {  	[dreg:$0x2] =	wrdreg s24  }
0xaf: {  	[dreg:$0x3] =	wrdreg s2  }
0xb0: {  	[dreg:$0x4] =	wrdreg $0x9  }
0xb1: {  	_ =	task.clear_ibuf [dreg:s7], $0x5FFFF;
	_ =	strace $0x90000046  }
0xb2: {  	s29 =	simm.s32 $0x9;
	_ =	strace $0x80000048  }
0xb3: {  	_ =	swait.ge [sflag:s29], $0x1  }
0xb4: {  	[sflag:s29] =	ssyncadd.s32 $0xFFFFFFFF  }
0xb5: {  	_ =	strace $0x90000048  }
0xb6: {  	_ =	sfence  }
0xb7: {  	s30 =	sld [smem:$0x0];
	_ =	sdelay $0x2  }
0xb8: {  	s31 =	sshll.u32 s1, $0xD;
	s1 =	sshrl.u32 s1, $0x2  }
0xb9: {  	s3 =	sand.u32 $0x4000, s31;
	s1 =	sadd.s32 s1, s30  }
0xba: {  	s0 =	sor.u32 s3, s0;
	s1 =	sshll.u32 s1, $0x11  }
0xbb: {  	s0 =	sor.u32 s1, s0  }
0xbc: {  	s0 =	sadd.s32 $0x8F2B, s0  }
0xbd: {  	[sflag:s0] =	ssyncadd.remote.s32 $0x1  }
0xbe: {  	_ =	sfence.sel $0xFFFF  }
0xbf: {  	[dreg:$0x0] =	wrdreg $0xFFFFFFFF;
	(pc) =	sbr.abs _section_cstart, $3  }
0xc0: {  	[dreg:$0x1] =	wrdreg $0xFFFFFFFF  }
0xc1: {  	_ =	task.clear_ibuf [dreg:s7], $0x2FFFF;
	_ =	strace $0x9FFFFFFF  }
0xc2: {  	(tm) =	ssettm $0x7FFFFFFF  }
0xc3: {  	_ =	shalt  }
tec
execute0_lowered:
.L_overlay_start_1:
0x0: {  	(tag) =	ssettag $0x1  }
0x1: {  	s1 =	srdreg.scid;
	s0 =	stileid.u32  }
0x2: {  	s5 =	rddreg [dreg:$0x0];
	s24 =	sand.u32 $0x1, s1;
	s30 =	sshll.u32 s0, $0x1  }
0x3: {  	s22 =	rddreg [dreg:$0x1];
	s23 =	sor.u32 s24, s30  }
0x4: {  	s2 =	simm.s32 $0x0;
	s1 =	rddreg [dreg:$0x2];
	s3 =	sshll.u32 s23, $0x7  }
0x5: {  	[smem:$0x7FF] =	sst s2;
	s3 =	sadd.s32 s3, s5  }
0x6: {  	_ =	strace $0x80000047;
	s4 =	sadd.s32 $0x1B000, s3;
	s3 =	simm.s32 $0x2  }
0x7: {  	[tilespmem:s2], [sflag:$0x2] =	stream.linear.gather [hbm4b:s4+s2], $0x400, $0x38;
	[tilespmem:$0x8400] =	vst v63  }
0x8: {  	_ =	swait.ge [sflag:s3], $0x400  }
0x9: {  	s6 =	simm.s32 $0x80;
	[sflag:s3] =	ssyncset.done $0x0  }
0xa: {  	s7 =	simm.s32 $0x400;
	s5 =	sadd.s32 $0x1C000, s5;
	[sflag:s3] =	ssyncadd.s32 $0xFFFFFC00  }
0xb: {  	[tilespmem:s7], [sflag:$0x1] =	stream.indirect.gather [hbm4b:s5+s6], $0x20, s2, s6, $0xb8;
	[tilespmem:$0x8400] =	vst v63  }
0xc: {  	s8 =	simm.s32 $0x1400  }
0xd: {  	[tilespmem:s8], [sflag:$0x1] =	stream.indirect.gather [hbm4b:s5+s6], $0x20, s6, s6, $0xb8;
	[tilespmem:$0x8400] =	vst v63  }
0xe: {  	s9 =	simm.s32 $0x100;
	s10 =	simm.s32 $0x2400  }
0xf: {  	[tilespmem:s10], [sflag:$0x1] =	stream.indirect.gather [hbm4b:s5+s6], $0x20, s9, s6, $0xb8;
	[tilespmem:$0x8400] =	vst v63  }
0x10: {  	s11 =	simm.s32 $0x180;
	s12 =	simm.s32 $0x3400  }
0x11: {  	[tilespmem:s12], [sflag:$0x1] =	stream.indirect.gather [hbm4b:s5+s6], $0x20, s11, s6, $0xb8;
	[tilespmem:$0x8400] =	vst v63  }
0x12: {  	s13 =	simm.s32 $0x200;
	s14 =	simm.s32 $0x4400  }
0x13: {  	[tilespmem:s14], [sflag:$0x1] =	stream.indirect.gather [hbm4b:s5+s6], $0x20, s13, s6, $0xb8;
	[tilespmem:$0x8400] =	vst v63  }
0x14: {  	s15 =	simm.s32 $0x280;
	s16 =	simm.s32 $0x5400  }
0x15: {  	[tilespmem:s16], [sflag:$0x1] =	stream.indirect.gather [hbm4b:s5+s6], $0x20, s15, s6, $0xb8;
	[tilespmem:$0x8400] =	vst v63  }
0x16: {  	s17 =	simm.s32 $0x300;
	s18 =	simm.s32 $0x6400  }
0x17: {  	[tilespmem:s18], [sflag:$0x1] =	stream.indirect.gather [hbm4b:s5+s6], $0x20, s17, s6, $0xb8;
	[tilespmem:$0x8400] =	vst v63  }
0x18: {  	s19 =	simm.s32 $0x380;
	s20 =	simm.s32 $0x7400;
	s21 =	simm.s32 $0x1  }
0x19: {  	[tilespmem:s20], [sflag:$0x1] =	stream.indirect.gather [hbm4b:s5+s6], $0x20, s19, s6, $0xb8;
	[tilespmem:$0x8400] =	vst v63  }
0x1a: {  	_ =	swait.ge [sflag:s21], $0x1000  }
0x1b: {  	[sflag:s21] =	ssyncset.done $0x0  }
0x1c: {  	[sflag:s21] =	ssyncadd.s32 $0xFFFFF000  }
0x1d: {  	_ =	swait.ge [sflag:s21], $0x1000  }
0x1e: {  	[sflag:s21] =	ssyncset.done $0x0  }
0x1f: {  	[sflag:s21] =	ssyncadd.s32 $0xFFFFF000  }
0x20: {  	_ =	swait.ge [sflag:s21], $0x1000  }
0x21: {  	[sflag:s21] =	ssyncset.done $0x0  }
0x22: {  	[sflag:s21] =	ssyncadd.s32 $0xFFFFF000  }
0x23: {  	_ =	swait.ge [sflag:s21], $0x1000  }
0x24: {  	[sflag:s21] =	ssyncset.done $0x0  }
0x25: {  	[sflag:s21] =	ssyncadd.s32 $0xFFFFF000  }
0x26: {  	_ =	swait.ge [sflag:s21], $0x1000  }
0x27: {  	[sflag:s21] =	ssyncset.done $0x0  }
0x28: {  	[sflag:s21] =	ssyncadd.s32 $0xFFFFF000  }
0x29: {  	_ =	swait.ge [sflag:s21], $0x1000  }
0x2a: {  	[sflag:s21] =	ssyncset.done $0x0  }
0x2b: {  	s24 =	ssub.s32 $0x2, s24;
	[sflag:s21] =	ssyncadd.s32 $0xFFFFF000  }
0x2c: {  	s25 =	sshrl.u32 s24, $0x1;
	_ =	swait.ge [sflag:s21], $0x1000  }
0x2d: {  	s24 =	ssub.s32 s24, s25;
	[sflag:s21] =	ssyncset.done $0x0  }
0x2e: {  	s31 =	smax.u32 s24, $0x1;
	[sflag:s21] =	ssyncadd.s32 $0xFFFFF000  }
0x2f: {  	p0 =	sne.s32 s31, $0x1;
	_ =	swait.ge [sflag:s21], $0x1000  }
.Ltmp0:
0x30: {  	s23 =	sshll.u32 s23, $0xC;
	[sflag:s21] =	ssyncset.done $0x0;
	(pc) =	sbr.rel @!p0 .LBB2_2-.Ltmp0, $4  }
0x31: {  	s22 =	sadd.s32 s22, s23;
	[sflag:s21] =	ssyncadd.s32 $0xFFFFF000  }
0x32: {  	[hbm4b:s22+s2] =	stream.linear.scatter [tilespmem:s7], [sflag:$0x2], $0x8000, $0x38;
	[tilespmem:$0x8400] =	vst v63  }
0x33: {  	_ =	swait.ge [sflag:s3], $0x8000  }
0x34: {  	s23 =	sadd.s32 $0xFFFFFFFF, s31;
	[sflag:s3] =	ssyncset.done $0x0  }
.LBB2_1:
0x35: {  	p0 =	sne.s32 s23, $0x1;
	s23 =	sadd.s32 $0xFFFFFFFF, s23;
	[sflag:s3] =	ssyncadd.s32 $0xFFFF8000  }
0x36: {  	[tilespmem:s2], [sflag:$0x2] =	stream.linear.gather [hbm4b:s4+s2], $0x400, $0x38;
	[tilespmem:$0x8400] =	vst v63  }
0x37: {  	_ =	swait.ge [sflag:s3], $0x400  }
0x38: {  	[sflag:s3] =	ssyncset.done $0x0  }
0x39: {  	[sflag:s3] =	ssyncadd.s32 $0xFFFFFC00  }
0x3a: {  	[tilespmem:s7], [sflag:$0x1] =	stream.indirect.gather [hbm4b:s5+s6], $0x20, s2, s6, $0xb8;
	[tilespmem:$0x8400] =	vst v63  }
0x3b: {  	_ = 	snop  }
0x3c: {  	[tilespmem:s8], [sflag:$0x1] =	stream.indirect.gather [hbm4b:s5+s6], $0x20, s6, s6, $0xb8;
	[tilespmem:$0x8400] =	vst v63  }
0x3d: {  	_ = 	snop  }
0x3e: {  	[tilespmem:s10], [sflag:$0x1] =	stream.indirect.gather [hbm4b:s5+s6], $0x20, s9, s6, $0xb8;
	[tilespmem:$0x8400] =	vst v63  }
0x3f: {  	_ = 	snop  }
0x40: {  	[tilespmem:s12], [sflag:$0x1] =	stream.indirect.gather [hbm4b:s5+s6], $0x20, s11, s6, $0xb8;
	[tilespmem:$0x8400] =	vst v63  }
0x41: {  	_ = 	snop  }
0x42: {  	[tilespmem:s14], [sflag:$0x1] =	stream.indirect.gather [hbm4b:s5+s6], $0x20, s13, s6, $0xb8;
	[tilespmem:$0x8400] =	vst v63  }
0x43: {  	_ = 	snop  }
0x44: {  	[tilespmem:s16], [sflag:$0x1] =	stream.indirect.gather [hbm4b:s5+s6], $0x20, s15, s6, $0xb8;
	[tilespmem:$0x8400] =	vst v63  }
0x45: {  	_ = 	snop  }
0x46: {  	[tilespmem:s18], [sflag:$0x1] =	stream.indirect.gather [hbm4b:s5+s6], $0x20, s17, s6, $0xb8;
	[tilespmem:$0x8400] =	vst v63  }
0x47: {  	_ = 	snop  }
0x48: {  	[tilespmem:s20], [sflag:$0x1] =	stream.indirect.gather [hbm4b:s5+s6], $0x20, s19, s6, $0xb8;
	[tilespmem:$0x8400] =	vst v63  }
0x49: {  	_ =	swait.ge [sflag:s21], $0x1000  }
0x4a: {  	[sflag:s21] =	ssyncset.done $0x0  }
0x4b: {  	[sflag:s21] =	ssyncadd.s32 $0xFFFFF000  }
0x4c: {  	_ =	swait.ge [sflag:s21], $0x1000  }
0x4d: {  	[sflag:s21] =	ssyncset.done $0x0  }
0x4e: {  	[sflag:s21] =	ssyncadd.s32 $0xFFFFF000  }
0x4f: {  	_ =	swait.ge [sflag:s21], $0x1000  }
0x50: {  	[sflag:s21] =	ssyncset.done $0x0  }
0x51: {  	[sflag:s21] =	ssyncadd.s32 $0xFFFFF000  }
0x52: {  	_ =	swait.ge [sflag:s21], $0x1000  }
0x53: {  	[sflag:s21] =	ssyncset.done $0x0  }
0x54: {  	[sflag:s21] =	ssyncadd.s32 $0xFFFFF000  }
0x55: {  	_ =	swait.ge [sflag:s21], $0x1000  }
0x56: {  	[sflag:s21] =	ssyncset.done $0x0  }
0x57: {  	[sflag:s21] =	ssyncadd.s32 $0xFFFFF000  }
0x58: {  	_ =	swait.ge [sflag:s21], $0x1000  }
0x59: {  	[sflag:s21] =	ssyncset.done $0x0  }
0x5a: {  	[sflag:s21] =	ssyncadd.s32 $0xFFFFF000  }
0x5b: {  	_ =	swait.ge [sflag:s21], $0x1000  }
0x5c: {  	[sflag:s21] =	ssyncset.done $0x0  }
0x5d: {  	[sflag:s21] =	ssyncadd.s32 $0xFFFFF000  }
0x5e: {  	_ =	swait.ge [sflag:s21], $0x1000  }
.Ltmp1:
0x5f: {  	[sflag:s21] =	ssyncset.done $0x0;
	(pc) =	sbr.rel @p0 .LBB2_1-.Ltmp1, $4  }
0x60: {  	[sflag:s21] =	ssyncadd.s32 $0xFFFFF000  }
0x61: {  	[hbm4b:s22+s2] =	stream.linear.scatter [tilespmem:s7], [sflag:$0x2], $0x8000, $0x38;
	[tilespmem:$0x8400] =	vst v63  }
0x62: {  	_ =	swait.ge [sflag:s3], $0x8000  }
0x63: {  	[sflag:s3] =	ssyncset.done $0x0  }
.LBB2_2:
0x64: {  	[sflag:s3] =	ssyncadd.s32 $0xFFFF8000  }
0x65: {  	_ =	sfence.sel $0x180000  }
0x66: {  	[bflag:$0x0] =	sbarrier.arrive $0xFFFF  }
0x67: {  	p0 =	sne.s32 s0, $0x0;
	_ =	strace $0x90000047  }
0x68: {  	s0 =	sadd.s32 @!p0 $0x100000, s1;
	[bflag:$0x2] =	sbarrier.arrive $0xFFFF  }
0x69: {  	[sflag:s0] =	ssyncadd.tile.s32 @!p0 $0x1;
	_ =	shalt  }
.Lfunc_end2:
_tile_overlayer_lowered:
.L_overlay_start_2:
0x6a: {  	(tag) =	ssettag $0x2  }
0x6b: {  	s0 =	rddreg [dreg:$0x0];
	s2 =	stileid.u32  }
0x6c: {  	s1 =	rddreg [dreg:$0x1];
	p0 =	sne.s32 s2, $0x0  }
0x6d: {  	s3 =	rddreg [dreg:$0x2];
	[bflag:$0x3] =	sbarrier.arrive $0xFFFF;
	s2 =	simm.s32 @!p0 $0x1C02  }
0x6e: {  	[timem:s3], [sflag:s2] =	dma.local @!p0 [hbm:s0], s1  }
0x6f: {  	s0 =	simm.s32 @!p0 $0x2  }
0x70: {  	_ =	swait.ge @!p0 [sflag:s0], s1  }
0x71: {  	s1 =	ssub.s32 @!p0 $0x0, s1;
	[sflag:s0] =	ssyncset.done @!p0 $0x0  }
0x72: {  	[sflag:s0] =	ssyncadd.s32 @!p0 s1  }
0x73: {  	[bflag:$0x3] =	sbarrier.arrive $0xFFFF  }
0x74: {  	_ =	shalt  }

// kernel: kernel.16.cloned.1.call-start
scs
__scs_entry_jumppad:
0x0: {  	(pc) =	sbr.rel $0x88, $3  }
0x1: {  	(tag) =	ssettag $0x0;
	lr =	simm.s32 $0x1  }
0x2: {  	[smem:$0x3F9E] =	sst lr;
	_ =	strace $0xD0000000  }
0x3: {  	_ = 	snop  }
0x4: {  	_ = 	snop  }
0x5: {  	_ = 	snop  }
0x6: {  	_ = 	snop  }
0x7: {  	_ = 	snop  }
__scs_overlays_trampoline_lowered:
0x8: {  	[smem:$0x3FAD] =	sst s0  }
0x9: {  	[smem:$0x3FAE] =	sst s1  }
0xa: {  	[smem:$0x3FAF] =	sst s2  }
0xb: {  	[smem:$0x3FB0] =	sst s3  }
0xc: {  	[smem:$0x3FB1] =	sst s4  }
0xd: {  	[smem:$0x3FB2] =	sst s5  }
0xe: {  	[smem:$0x3FB3] =	sst s6  }
0xf: {  	[smem:$0x3FB4] =	sst s7  }
0x10: {  	[smem:$0x3FB5] =	sst s8  }
0x11: {  	[smem:$0x3FB6] =	sst s9;
	s0 =	simm.s32 @!p0 $0x0  }
0x12: {  	s1 =	sld [smem:$0x3F9C];
	s0 =	simm.s32 @p0 $0x1  }
0x13: {  	[smem:$0x3FB7] =	sst s0;
	s0 =	simm.s32 @!p1 $0x0  }
0x14: {  	s2 =	sld [smem:$0x3F9B];
	s0 =	simm.s32 @p1 $0x1  }
0x15: {  	[smem:$0x3FB8] =	sst s0;
	s0 =	simm.s32 @!p2 $0x0  }
0x16: {  	s3 =	sld [smem:$0x3FDB];
	s0 =	simm.s32 @p2 $0x1  }
0x17: {  	s4 =	simm.s32 $0x1BF5;
	[smem:$0x3FBA] =	sst s0  }
0x18: {  	s0 =	sld [smem:$0x3F9D];
	_ =	swait.ge [sflag:s4], $0x0  }
0x19: {  	s7 =	sld [smem:$0x3F9E]  }
0x1a: {  	s8 =	sadd.s32 $0xFFFFE003, lr  }
0x1b: {  	s9 =	sadd.s32 $0xFFFFFEF7, lr;
	s5 =	simm.s32 $0xFFFFFFFF;
	p2 =	slt.u32 s8, $0xFFFFF086  }
0x1c: {  	p1 =	slt.u32 s9, $0xF7A;
	s5 =	simm.s32 @!p2 $0x0  }
0x1d: {  	s5 =	simm.s32 @p1 $0x1;
	p0 =	seq.s32 s7, s2  }
0x1e: {  	s7 =	smul.u32 @!p0 $0xF7A, s2;
	p2 =	seq.s32 @!p0 s5, $0x0  }
0x1f: {  	s9 =	smul.u32 $0xF7A, s1;
	s8 =	simm.s32 @!p0 $0x1BF5;
	p2 =	por !p2, p0  }
0x20: {  	[sflag:s8] =	ssyncset.s32 @!p0 $0xFFFFF086;
	s6 =	sadd.s32 @!p0 s3, s7;
	s7 =	simm.s32 @!p0 $0x108  }
0x21: {  	s3 =	sadd.s32 s3, s9;
	s6 =	sadd.s32 @!p0 $0x88, s6;
	s7 =	simm.s32 @p2 $0x1082  }
0x22: {  	[simem:s7], [sflag:s8] =	dma.local @!p0 [hbm:s6], $0xF7A  }
0x23: {  	s9 =	sor.u32 $0xD0000000, s2;
	s6 =	simm.s32 $0x108;
	_ =	swait.ge @!p0 [sflag:s8], $0x0  }
0x24: {  	s3 =	sadd.s32 $0x88, s3;
	s6 =	simm.s32 @!p1 $0x1082;
	[sflag:s4] =	ssyncset.s32 $0xFFFFF086  }
0x25: {  	[simem:s6], [sflag:s4] =	dma.local [hbm:s3], $0xF7A  }
0x26: {  	[smem:$0x3F9E] =	sst s1;
	(tag) =	ssettag s2;
	_ =	strace s9  }
0x27: {  	s1 =	sld [smem:$0x3FAE]  }
0x28: {  	s2 =	sld [smem:$0x3FAF]  }
0x29: {  	s4 =	sld [smem:$0x3FB1]  }
0x2a: {  	p0 =	seq.s32 s5, $0x0;
	s5 =	sld [smem:$0x3FB2]  }
0x2b: {  	s6 =	sld [smem:$0x3FB3]  }
0x2c: {  	s7 =	sld [smem:$0x3FB4]  }
0x2d: {  	s3 =	simm.s32 $0x108;
	s8 =	sld [smem:$0x3FB5]  }
0x2e: {  	s3 =	simm.s32 @!p0 $0x1082;
	s9 =	sld [smem:$0x3FB6]  }
0x2f: {  	lr =	sadd.s32 s0, s3;
	s0 =	sld [smem:$0x3FAD]  }
0x30: {  	s3 =	sld [smem:$0x3FB0]  }
0x31: {  	[smem:$0x3FB9] =	sst s10  }
0x32: {  	s10 =	sld [smem:$0x3FB7];
	_ =	sdelay $0x3  }
0x33: {  	p0 =	seq.s32 s10, $0x1;
	s10 =	sld [smem:$0x3FB9];
	_ =	sdelay $0x3  }
0x34: {  	[smem:$0x3FB9] =	sst s10  }
0x35: {  	s10 =	sld [smem:$0x3FB8];
	_ =	sdelay $0x3  }
0x36: {  	p1 =	seq.s32 s10, $0x1;
	s10 =	sld [smem:$0x3FB9];
	_ =	sdelay $0x3  }
0x37: {  	[smem:$0x3FB9] =	sst s10  }
0x38: {  	s10 =	sld [smem:$0x3FBA]  }
0x39: {  	_ = 	snop;
	(pc) =	sbr.ind lr, $3  }
0x3a: {  	_ = 	snop  }
0x3b: {  	_ = 	snop  }
0x3c: {  	p2 =	seq.s32 s10, $0x1;
	s10 =	sld [smem:$0x3FB9]  }
0x3d: {  	_ =	shalt  }
0x3e: {  	_ =	shalt  }
0x3f: {  	_ =	shalt  }
0x40: {  	_ =	shalt  }
0x41: {  	_ =	shalt  }
0x42: {  	_ =	shalt  }
0x43: {  	_ =	shalt  }
0x44: {  	_ =	shalt  }
0x45: {  	_ =	shalt  }
0x46: {  	_ =	shalt  }
0x47: {  	_ =	shalt  }
0x48: {  	_ =	shalt  }
0x49: {  	_ =	shalt  }
0x4a: {  	_ =	shalt  }
0x4b: {  	_ =	shalt  }
0x4c: {  	_ =	shalt  }
0x4d: {  	_ =	shalt  }
0x4e: {  	_ =	shalt  }
0x4f: {  	_ =	shalt  }
0x50: {  	_ =	shalt  }
0x51: {  	_ =	shalt  }
0x52: {  	_ =	shalt  }
0x53: {  	_ =	shalt  }
0x54: {  	_ =	shalt  }
0x55: {  	_ =	shalt  }
0x56: {  	_ =	shalt  }
0x57: {  	_ =	shalt  }
0x58: {  	_ =	shalt  }
0x59: {  	_ =	shalt  }
0x5a: {  	_ =	shalt  }
0x5b: {  	_ =	shalt  }
0x5c: {  	_ =	shalt  }
0x5d: {  	_ =	shalt  }
0x5e: {  	_ =	shalt  }
0x5f: {  	_ =	shalt  }
0x60: {  	_ =	shalt  }
0x61: {  	_ =	shalt  }
0x62: {  	_ =	shalt  }
0x63: {  	_ =	shalt  }
0x64: {  	_ =	shalt  }
0x65: {  	_ =	shalt  }
0x66: {  	_ =	shalt  }
0x67: {  	_ =	shalt  }
0x68: {  	_ =	shalt  }
0x69: {  	_ =	shalt  }
0x6a: {  	_ =	shalt  }
0x6b: {  	_ =	shalt  }
0x6c: {  	_ =	shalt  }
0x6d: {  	_ =	shalt  }
0x6e: {  	_ =	shalt  }
0x6f: {  	_ =	shalt  }
0x70: {  	_ =	shalt  }
0x71: {  	_ =	shalt  }
0x72: {  	_ =	shalt  }
0x73: {  	_ =	shalt  }
0x74: {  	_ =	shalt  }
0x75: {  	_ =	shalt  }
0x76: {  	_ =	shalt  }
0x77: {  	_ =	shalt  }
0x78: {  	_ =	shalt  }
0x79: {  	_ =	shalt  }
0x7a: {  	_ =	shalt  }
0x7b: {  	_ =	shalt  }
0x7c: {  	_ =	shalt  }
0x7d: {  	_ =	shalt  }
0x7e: {  	_ =	shalt  }
0x7f: {  	_ =	shalt  }
0x80: {  	_ =	shalt  }
0x81: {  	_ =	shalt  }
0x82: {  	_ =	shalt  }
0x83: {  	_ =	shalt  }
0x84: {  	_ =	shalt  }
0x85: {  	_ =	shalt  }
0x86: {  	_ =	shalt  }
0x87: {  	_ =	shalt  }
.Lfunc_end0:
.L_simem_size_0:
called_computation.1_lowered:
.L_overlay_start_0:
0x88: {  	s2 =	sld [smem:$0x3FD9]  }
0x89: {  	s3 =	sld [smem:$0x3FFE];
	_ =	sdelay $0x1  }
0x8a: {  	s1 =	srdreg.scid  }
0x8b: {  	s0 =	sand.u32 $0x1, s1  }
0x8c: {  	s17 =	sshll.u32 s0, $0xA;
	s2 =	sadd.s32 s3, s2  }
0x8d: {  	s2 =	sadd.s32 s2, s17  }
0x8e: {  	[smem:$0x3FC5] =	sst s2  }
0x8f: {  	_ = 	snop  }
0x90: {  	(tm) =	ssettm $0x1  }
0x91: {  	s18 =	sld [smem:$0x3FFB];
	_ =	sdelay $0x3  }
0x92: {  	_ =	strace s18  }
0x93: {  	s2 =	sld [smem:$0x3FFC];
	_ =	sdelay $0x3  }
0x94: {  	_ =	strace s2  }
0x95: {  	s2 =	sld [smem:$0x3FFD];
	_ =	sdelay $0x3  }
0x96: {  	_ =	strace s2  }
0x97: {  	_ =	strace $0x8FFFFFFF  }
0x98: {  	s19 =	sld [smem:$0x3FDB];
	_ =	sdelay $0x1  }
0x99: {  	s20 =	simm.s32 $_scs_section_size  }
0x9a: {  	s4 =	simm.s32 $_size__tile_overlayer_lowered;
	s5 =	simm.s32 $_tile_overlayer_lowered  }
0x9b: {  	s6 =	simm.s32 $0x1BFF;
	s21 =	sshll.u32 s5, $0x1;
	s3 =	sadd.s32 s20, s19  }
0x9c: {  	s22 =	simm.s32 $0x0;
	s4 =	sshll.u32 s4, $0x1;
	s5 =	sadd.s32 s21, s3  }
0x9d: {  	[timem:s22], [sflag:s6] =	dma.local [hbm:s5], s4  }
0x9e: {  	_ =	swait.ge [sflag:s6], s4  }
0x9f: {  	s4 =	ssub.s32 $0x0, s4;
	[sflag:s6] =	ssyncset.done $0x0  }
0xa0: {  	[sflag:s6] =	ssyncadd.s32 s4;
	_ =	sdelay $0x1  }
0xa1: {  	s23 =	simm.s32 $0x1B8B  }
0xa2: {  	_ =	swait.ge [sflag:s23], $0x1  }
0xa3: {  	[sflag:s23] =	ssyncset.done $0x0  }
0xa4: {  	[sflag:s23] =	ssyncadd.s32 $0xFFFFFFFF  }
0xa5: {  	s4 =	sld [smem:$0x0]  }
0xa6: {  	s5 =	sand.u32 $0xFFFFFFFE, s1  }
0xa7: {  	p0 =	sne.s32 s1, s5  }
0xa8: {  	s5 =	sshll.u32 @p0 s5, $0xE  }
0xa9: {  	s5 =	sadd.s32 @p0 $0x11B8D, s5;
	s6 =	sshll.u32 @p0 s4, $0x11  }
0xaa: {  	s5 =	sor.u32 @p0 s6, s5  }
0xab: {  	[sflag:s5] =	ssyncadd.remote.s32 @p0 $0x1;
	_ =	sdelay $0x1  }
0xac: {  	s5 =	simm.s32 @p0 $0x1B8D  }
0xad: {  	_ =	swait.eq @p0 [sflag:s5], $0x1  }
0xae: {  	[sflag:s5] =	ssyncadd.s32 @p0 $0xFFFFFFFF  }
0xaf: {  	s6 =	sshll.u32 @!p0 s1, $0xE  }
0xb0: {  	s6 =	sor.u32 @!p0 $0x4000, s6;
	s5 =	simm.s32 @!p0 $0x1B8D  }
0xb1: {  	s4 =	sshll.u32 @!p0 s4, $0x11;
	s6 =	sadd.s32 @!p0 $0x11B8D, s6;
	_ =	swait.eq @!p0 [sflag:s5], $0x1  }
0xb2: {  	s4 =	sor.u32 @!p0 s4, s6;
	[sflag:s5] =	ssyncadd.s32 @!p0 $0xFFFFFFFF  }
0xb3: {  	s25 =	simm.s32 $0x1B8E;
	s24 =	sld [smem:$0x3FFE];
	[sflag:s4] =	ssyncadd.remote.s32 @!p0 $0x1  }
0xb4: {  	s26 =	simm.s32 $execute0_lowered;
	[smem:$0x3FD2] =	sst s25  }
0xb5: {  	s5 =	sshll.u32 s26, $0x1;
	_ =	strace $0x80000049;
	[dreg:$0x1] =	wrdreg $0xFFFFFFFF  }
0xb6: {  	s28 =	simm.s32 $_size_execute0_lowered;
	s3 =	sadd.s32 s3, s5;
	[dreg:$0x0] =	wrdreg $0x0  }
0xb7: {  	s5 =	sshll.u32 s28, $0x1;
	[dreg:$0x2] =	wrdreg s3  }
0xb8: {  	[dreg:$0x3] =	wrdreg s5  }
0xb9: {  	[dreg:$0x4] =	wrdreg $0xC0  }
0xba: {  	_ =	task [dreg:s22], $0x5FFFF  }
0xbb: {  	[dreg:$0x1] =	wrdreg $0xFFFFFFFF  }
0xbc: {  	[dreg:$0x0] =	wrdreg $0x60  }
0xbd: {  	[dreg:$0x2] =	wrdreg s24  }
0xbe: {  	[dreg:$0x3] =	wrdreg $0xA  }
0xbf: {  	_ =	task.clear_ibuf [dreg:s22], $0x4FFFF;
	_ =	strace $0x90000049  }
0xc0: {  	s29 =	simm.s32 $0xA;
	_ =	strace $0x8000004B  }
0xc1: {  	_ =	swait.ge [sflag:s29], $0x1  }
0xc2: {  	[sflag:s29] =	ssyncadd.s32 $0xFFFFFFFF  }
0xc3: {  	_ =	strace $0x9000004B  }
0xc4: {  	_ =	sfence  }
0xc5: {  	s30 =	sld [smem:$0x0];
	_ =	sdelay $0x2  }
0xc6: {  	s31 =	sshll.u32 s1, $0xD;
	s1 =	sshrl.u32 s1, $0x2  }
0xc7: {  	s4 =	sand.u32 $0x4000, s31;
	s1 =	sadd.s32 s1, s30  }
0xc8: {  	s0 =	sor.u32 s4, s0;
	s1 =	sshll.u32 s1, $0x11  }
0xc9: {  	s0 =	sor.u32 s1, s0  }
0xca: {  	s0 =	sadd.s32 $0x8F2B, s0  }
0xcb: {  	[sflag:s0] =	ssyncadd.remote.s32 $0x1  }
0xcc: {  	_ =	sfence.sel $0xFFFF  }
0xcd: {  	[dreg:$0x0] =	wrdreg $0xFFFFFFFF;
	(pc) =	sbr.abs _section_cstart, $3  }
0xce: {  	[dreg:$0x1] =	wrdreg $0xFFFFFFFF  }
0xcf: {  	_ =	task.clear_ibuf [dreg:s22], $0x2FFFF;
	_ =	strace $0x9FFFFFFF  }
0xd0: {  	(tm) =	ssettm $0x7FFFFFFF  }
0xd1: {  	_ =	shalt  }
tec
execute0_lowered:
.L_overlay_start_1:
0x0: {  	(tag) =	ssettag $0x1  }
0x1: {  	s1 =	srdreg.scid;
	s0 =	stileid.u32  }
0x2: {  	s26 =	sand.u32 $0x1, s1;
	s30 =	sshll.u32 s0, $0x1  }
0x3: {  	s23 =	rddreg [dreg:$0x0];
	s22 =	sor.u32 s26, s30  }
0x4: {  	s2 =	simm.s32 $0x0;
	s1 =	rddreg [dreg:$0x1];
	s3 =	smul.u32 $0x180, s22  }
0x5: {  	[smem:$0x7FF] =	sst s2;
	s25 =	sadd.s32 $0x2000, s23  }
0x6: {  	_ =	strace $0x8000004A;
	s4 =	sadd.s32 s25, s3;
	s3 =	simm.s32 $0x2  }
0x7: {  	[tilespmem:s2], [sflag:$0x2] =	stream.linear.gather [hbm4b:s4+s2], $0x400, $0x38;
	[tilespmem:$0x8400] =	vst v63  }
0x8: {  	_ =	swait.ge [sflag:s3], $0x400  }
0x9: {  	s6 =	simm.s32 $0x80;
	[sflag:s3] =	ssyncset.done $0x0  }
0xa: {  	s7 =	simm.s32 $0x400;
	s5 =	sadd.s32 $0x1C000, s23;
	[sflag:s3] =	ssyncadd.s32 $0xFFFFFC00  }
0xb: {  	[tilespmem:s7], [sflag:$0x1] =	stream.indirect.gather [hbm4b:s5+s6], $0x20, s2, s6, $0xb8;
	[tilespmem:$0x8400] =	vst v63  }
0xc: {  	s8 =	simm.s32 $0x1400  }
0xd: {  	[tilespmem:s8], [sflag:$0x1] =	stream.indirect.gather [hbm4b:s5+s6], $0x20, s6, s6, $0xb8;
	[tilespmem:$0x8400] =	vst v63  }
0xe: {  	s9 =	simm.s32 $0x100;
	s10 =	simm.s32 $0x2400  }
0xf: {  	[tilespmem:s10], [sflag:$0x1] =	stream.indirect.gather [hbm4b:s5+s6], $0x20, s9, s6, $0xb8;
	[tilespmem:$0x8400] =	vst v63  }
0x10: {  	s11 =	simm.s32 $0x180;
	s12 =	simm.s32 $0x3400  }
0x11: {  	[tilespmem:s12], [sflag:$0x1] =	stream.indirect.gather [hbm4b:s5+s6], $0x20, s11, s6, $0xb8;
	[tilespmem:$0x8400] =	vst v63  }
0x12: {  	s13 =	simm.s32 $0x200;
	s14 =	simm.s32 $0x4400  }
0x13: {  	[tilespmem:s14], [sflag:$0x1] =	stream.indirect.gather [hbm4b:s5+s6], $0x20, s13, s6, $0xb8;
	[tilespmem:$0x8400] =	vst v63  }
0x14: {  	s15 =	simm.s32 $0x280;
	s16 =	simm.s32 $0x5400  }
0x15: {  	[tilespmem:s16], [sflag:$0x1] =	stream.indirect.gather [hbm4b:s5+s6], $0x20, s15, s6, $0xb8;
	[tilespmem:$0x8400] =	vst v63  }
0x16: {  	s17 =	simm.s32 $0x300;
	s18 =	simm.s32 $0x6400  }
0x17: {  	[tilespmem:s18], [sflag:$0x1] =	stream.indirect.gather [hbm4b:s5+s6], $0x20, s17, s6, $0xb8;
	[tilespmem:$0x8400] =	vst v63  }
0x18: {  	s19 =	simm.s32 $0x380;
	s20 =	simm.s32 $0x7400;
	s21 =	simm.s32 $0x1  }
0x19: {  	[tilespmem:s20], [sflag:$0x1] =	stream.indirect.gather [hbm4b:s5+s6], $0x20, s19, s6, $0xb8;
	[tilespmem:$0x8400] =	vst v63  }
0x1a: {  	_ =	swait.ge [sflag:s21], $0x1000  }
0x1b: {  	[sflag:s21] =	ssyncset.done $0x0  }
0x1c: {  	[sflag:s21] =	ssyncadd.s32 $0xFFFFF000  }
0x1d: {  	_ =	swait.ge [sflag:s21], $0x1000  }
0x1e: {  	[sflag:s21] =	ssyncset.done $0x0  }
0x1f: {  	[sflag:s21] =	ssyncadd.s32 $0xFFFFF000  }
0x20: {  	_ =	swait.ge [sflag:s21], $0x1000  }
0x21: {  	[sflag:s21] =	ssyncset.done $0x0  }
0x22: {  	[sflag:s21] =	ssyncadd.s32 $0xFFFFF000  }
0x23: {  	_ =	swait.ge [sflag:s21], $0x1000  }
0x24: {  	[sflag:s21] =	ssyncset.done $0x0  }
0x25: {  	[sflag:s21] =	ssyncadd.s32 $0xFFFFF000  }
0x26: {  	_ =	swait.ge [sflag:s21], $0x1000  }
0x27: {  	[sflag:s21] =	ssyncset.done $0x0  }
0x28: {  	[sflag:s21] =	ssyncadd.s32 $0xFFFFF000  }
0x29: {  	_ =	swait.ge [sflag:s21], $0x1000  }
0x2a: {  	[sflag:s21] =	ssyncset.done $0x0  }
0x2b: {  	[sflag:s21] =	ssyncadd.s32 $0xFFFFF000  }
0x2c: {  	_ =	swait.ge [sflag:s21], $0x1000  }
0x2d: {  	[sflag:s21] =	ssyncset.done $0x0  }
0x2e: {  	[sflag:s21] =	ssyncadd.s32 $0xFFFFF000  }
0x2f: {  	s24 =	smul.u32 $0x3000, s22;
	_ =	swait.ge [sflag:s21], $0x1000  }
0x30: {  	s28 =	sadd.s32 $0x3F4000, s23;
	[sflag:s21] =	ssyncset.done $0x0  }
0x31: {  	s29 =	smul.u32 $0x3, s22;
	s22 =	sadd.s32 s28, s24;
	[sflag:s21] =	ssyncadd.s32 $0xFFFFF000  }
0x32: {  	[hbm4b:s22+s2] =	stream.linear.scatter [tilespmem:s7], [sflag:$0x2], $0x8000, $0x38;
	[tilespmem:$0x8400] =	vst v63  }
0x33: {  	s31 =	sadd.s32 $0x1, s29;
	_ =	swait.ge [sflag:s3], $0x8000  }
0x34: {  	s30 =	sshll.u32 s31, $0x7;
	[sflag:s3] =	ssyncset.done $0x0  }
0x35: {  	s23 =	sadd.s32 s25, s30;
	[sflag:s3] =	ssyncadd.s32 $0xFFFF8000  }
0x36: {  	[tilespmem:s2], [sflag:$0x2] =	stream.linear.gather [hbm4b:s23+s2], $0x400, $0x38;
	[tilespmem:$0x8400] =	vst v63  }
0x37: {  	_ =	swait.ge [sflag:s3], $0x400  }
0x38: {  	[sflag:s3] =	ssyncset.done $0x0  }
0x39: {  	[sflag:s3] =	ssyncadd.s32 $0xFFFFFC00  }
0x3a: {  	[tilespmem:s7], [sflag:$0x1] =	stream.indirect.gather [hbm4b:s5+s6], $0x20, s2, s6, $0xb8;
	[tilespmem:$0x8400] =	vst v63  }
0x3b: {  	_ = 	snop  }
0x3c: {  	[tilespmem:s8], [sflag:$0x1] =	stream.indirect.gather [hbm4b:s5+s6], $0x20, s6, s6, $0xb8;
	[tilespmem:$0x8400] =	vst v63  }
0x3d: {  	_ = 	snop  }
0x3e: {  	[tilespmem:s10], [sflag:$0x1] =	stream.indirect.gather [hbm4b:s5+s6], $0x20, s9, s6, $0xb8;
	[tilespmem:$0x8400] =	vst v63  }
0x3f: {  	_ = 	snop  }
0x40: {  	[tilespmem:s12], [sflag:$0x1] =	stream.indirect.gather [hbm4b:s5+s6], $0x20, s11, s6, $0xb8;
	[tilespmem:$0x8400] =	vst v63  }
0x41: {  	_ = 	snop  }
0x42: {  	[tilespmem:s14], [sflag:$0x1] =	stream.indirect.gather [hbm4b:s5+s6], $0x20, s13, s6, $0xb8;
	[tilespmem:$0x8400] =	vst v63  }
0x43: {  	_ = 	snop  }
0x44: {  	[tilespmem:s16], [sflag:$0x1] =	stream.indirect.gather [hbm4b:s5+s6], $0x20, s15, s6, $0xb8;
	[tilespmem:$0x8400] =	vst v63  }
0x45: {  	_ = 	snop  }
0x46: {  	[tilespmem:s18], [sflag:$0x1] =	stream.indirect.gather [hbm4b:s5+s6], $0x20, s17, s6, $0xb8;
	[tilespmem:$0x8400] =	vst v63  }
0x47: {  	_ = 	snop  }
0x48: {  	[tilespmem:s20], [sflag:$0x1] =	stream.indirect.gather [hbm4b:s5+s6], $0x20, s19, s6, $0xb8;
	[tilespmem:$0x8400] =	vst v63  }
0x49: {  	_ =	swait.ge [sflag:s21], $0x1000  }
0x4a: {  	[sflag:s21] =	ssyncset.done $0x0  }
0x4b: {  	[sflag:s21] =	ssyncadd.s32 $0xFFFFF000  }
0x4c: {  	_ =	swait.ge [sflag:s21], $0x1000  }
0x4d: {  	[sflag:s21] =	ssyncset.done $0x0  }
0x4e: {  	[sflag:s21] =	ssyncadd.s32 $0xFFFFF000  }
0x4f: {  	_ =	swait.ge [sflag:s21], $0x1000  }
0x50: {  	[sflag:s21] =	ssyncset.done $0x0  }
0x51: {  	[sflag:s21] =	ssyncadd.s32 $0xFFFFF000  }
0x52: {  	_ =	swait.ge [sflag:s21], $0x1000  }
0x53: {  	[sflag:s21] =	ssyncset.done $0x0  }
0x54: {  	[sflag:s21] =	ssyncadd.s32 $0xFFFFF000  }
0x55: {  	_ =	swait.ge [sflag:s21], $0x1000  }
0x56: {  	[sflag:s21] =	ssyncset.done $0x0  }
0x57: {  	[sflag:s21] =	ssyncadd.s32 $0xFFFFF000  }
0x58: {  	_ =	swait.ge [sflag:s21], $0x1000  }
0x59: {  	[sflag:s21] =	ssyncset.done $0x0  }
0x5a: {  	[sflag:s21] =	ssyncadd.s32 $0xFFFFF000  }
0x5b: {  	_ =	swait.ge [sflag:s21], $0x1000  }
0x5c: {  	[sflag:s21] =	ssyncset.done $0x0  }
0x5d: {  	[sflag:s21] =	ssyncadd.s32 $0xFFFFF000  }
0x5e: {  	_ =	swait.ge [sflag:s21], $0x1000  }
0x5f: {  	s24 =	sshll.u32 s31, $0xC;
	[sflag:s21] =	ssyncset.done $0x0  }
0x60: {  	s24 =	sadd.s32 s28, s24;
	[sflag:s21] =	ssyncadd.s32 $0xFFFFF000  }
0x61: {  	[hbm4b:s24+s2] =	stream.linear.scatter [tilespmem:s7], [sflag:$0x2], $0x8000, $0x38;
	[tilespmem:$0x8400] =	vst v63  }
0x62: {  	s29 =	sadd.s32 $0x2, s29;
	_ =	swait.ge [sflag:s3], $0x8000  }
0x63: {  	s30 =	sshll.u32 s29, $0x7;
	[sflag:s3] =	ssyncset.done $0x0  }
0x64: {  	s25 =	sadd.s32 s25, s30;
	[sflag:s3] =	ssyncadd.s32 $0xFFFF8000  }
0x65: {  	[tilespmem:s2], [sflag:$0x2] =	stream.linear.gather [hbm4b:s25+s2], $0x400, $0x38;
	[tilespmem:$0x8400] =	vst v63  }
0x66: {  	_ =	swait.ge [sflag:s3], $0x400  }
0x67: {  	[sflag:s3] =	ssyncset.done $0x0  }
0x68: {  	[sflag:s3] =	ssyncadd.s32 $0xFFFFFC00  }
0x69: {  	[tilespmem:s7], [sflag:$0x1] =	stream.indirect.gather [hbm4b:s5+s6], $0x20, s2, s6, $0xb8;
	[tilespmem:$0x8400] =	vst v63  }
0x6a: {  	_ = 	snop  }
0x6b: {  	[tilespmem:s8], [sflag:$0x1] =	stream.indirect.gather [hbm4b:s5+s6], $0x20, s6, s6, $0xb8;
	[tilespmem:$0x8400] =	vst v63  }
0x6c: {  	_ = 	snop  }
0x6d: {  	[tilespmem:s10], [sflag:$0x1] =	stream.indirect.gather [hbm4b:s5+s6], $0x20, s9, s6, $0xb8;
	[tilespmem:$0x8400] =	vst v63  }
0x6e: {  	_ = 	snop  }
0x6f: {  	[tilespmem:s12], [sflag:$0x1] =	stream.indirect.gather [hbm4b:s5+s6], $0x20, s11, s6, $0xb8;
	[tilespmem:$0x8400] =	vst v63  }
0x70: {  	_ = 	snop  }
0x71: {  	[tilespmem:s14], [sflag:$0x1] =	stream.indirect.gather [hbm4b:s5+s6], $0x20, s13, s6, $0xb8;
	[tilespmem:$0x8400] =	vst v63  }
0x72: {  	_ = 	snop  }
0x73: {  	[tilespmem:s16], [sflag:$0x1] =	stream.indirect.gather [hbm4b:s5+s6], $0x20, s15, s6, $0xb8;
	[tilespmem:$0x8400] =	vst v63  }
0x74: {  	_ = 	snop  }
0x75: {  	[tilespmem:s18], [sflag:$0x1] =	stream.indirect.gather [hbm4b:s5+s6], $0x20, s17, s6, $0xb8;
	[tilespmem:$0x8400] =	vst v63  }
0x76: {  	_ = 	snop  }
0x77: {  	[tilespmem:s20], [sflag:$0x1] =	stream.indirect.gather [hbm4b:s5+s6], $0x20, s19, s6, $0xb8;
	[tilespmem:$0x8400] =	vst v63  }
0x78: {  	_ =	swait.ge [sflag:s21], $0x1000  }
0x79: {  	[sflag:s21] =	ssyncset.done $0x0  }
0x7a: {  	[sflag:s21] =	ssyncadd.s32 $0xFFFFF000  }
0x7b: {  	_ =	swait.ge [sflag:s21], $0x1000  }
0x7c: {  	[sflag:s21] =	ssyncset.done $0x0  }
0x7d: {  	[sflag:s21] =	ssyncadd.s32 $0xFFFFF000  }
0x7e: {  	_ =	swait.ge [sflag:s21], $0x1000  }
0x7f: {  	[sflag:s21] =	ssyncset.done $0x0  }
0x80: {  	[sflag:s21] =	ssyncadd.s32 $0xFFFFF000  }
0x81: {  	_ =	swait.ge [sflag:s21], $0x1000  }
0x82: {  	[sflag:s21] =	ssyncset.done $0x0  }
0x83: {  	[sflag:s21] =	ssyncadd.s32 $0xFFFFF000  }
0x84: {  	_ =	swait.ge [sflag:s21], $0x1000  }
0x85: {  	[sflag:s21] =	ssyncset.done $0x0  }
0x86: {  	[sflag:s21] =	ssyncadd.s32 $0xFFFFF000  }
0x87: {  	_ =	swait.ge [sflag:s21], $0x1000  }
0x88: {  	[sflag:s21] =	ssyncset.done $0x0  }
0x89: {  	s26 =	ssub.s32 $0x2, s26;
	[sflag:s21] =	ssyncadd.s32 $0xFFFFF000  }
0x8a: {  	s31 =	sshrl.u32 s26, $0x1;
	_ =	swait.ge [sflag:s21], $0x1000  }
0x8b: {  	s30 =	ssub.s32 s26, s31;
	s31 =	sshll.u32 s29, $0xC;
	[sflag:s21] =	ssyncset.done $0x0  }
0x8c: {  	s26 =	sadd.s32 s28, s31;
	s28 =	smax.u32 s30, $0x1;
	[sflag:s21] =	ssyncadd.s32 $0xFFFFF000  }
0x8d: {  	p0 =	sne.s32 s28, $0x1;
	_ =	swait.ge [sflag:s21], $0x1000  }
.Ltmp0:
0x8e: {  	[sflag:s21] =	ssyncset.done $0x0;
	(pc) =	sbr.rel @!p0 .LBB2_2-.Ltmp0, $4  }
0x8f: {  	[sflag:s21] =	ssyncadd.s32 $0xFFFFF000  }
0x90: {  	[hbm4b:s26+s2] =	stream.linear.scatter [tilespmem:s7], [sflag:$0x2], $0x8000, $0x38;
	[tilespmem:$0x8400] =	vst v63  }
0x91: {  	_ =	swait.ge [sflag:s3], $0x8000  }
0x92: {  	s28 =	sadd.s32 $0xFFFFFFFF, s28;
	[sflag:s3] =	ssyncset.done $0x0  }
.LBB2_1:
0x93: {  	p0 =	sne.s32 s28, $0x1;
	s28 =	sadd.s32 $0xFFFFFFFF, s28;
	[sflag:s3] =	ssyncadd.s32 $0xFFFF8000  }
0x94: {  	[tilespmem:s2], [sflag:$0x2] =	stream.linear.gather [hbm4b:s4+s2], $0x400, $0x38;
	[tilespmem:$0x8400] =	vst v63  }
0x95: {  	_ =	swait.ge [sflag:s3], $0x400  }
0x96: {  	[sflag:s3] =	ssyncset.done $0x0  }
0x97: {  	[sflag:s3] =	ssyncadd.s32 $0xFFFFFC00  }
0x98: {  	[tilespmem:s7], [sflag:$0x1] =	stream.indirect.gather [hbm4b:s5+s6], $0x20, s2, s6, $0xb8;
	[tilespmem:$0x8400] =	vst v63  }
0x99: {  	_ = 	snop  }
0x9a: {  	[tilespmem:s8], [sflag:$0x1] =	stream.indirect.gather [hbm4b:s5+s6], $0x20, s6, s6, $0xb8;
	[tilespmem:$0x8400] =	vst v63  }
0x9b: {  	_ = 	snop  }
0x9c: {  	[tilespmem:s10], [sflag:$0x1] =	stream.indirect.gather [hbm4b:s5+s6], $0x20, s9, s6, $0xb8;
	[tilespmem:$0x8400] =	vst v63  }
0x9d: {  	_ = 	snop  }
0x9e: {  	[tilespmem:s12], [sflag:$0x1] =	stream.indirect.gather [hbm4b:s5+s6], $0x20, s11, s6, $0xb8;
	[tilespmem:$0x8400] =	vst v63  }
0x9f: {  	_ = 	snop  }
0xa0: {  	[tilespmem:s14], [sflag:$0x1] =	stream.indirect.gather [hbm4b:s5+s6], $0x20, s13, s6, $0xb8;
	[tilespmem:$0x8400] =	vst v63  }
0xa1: {  	_ = 	snop  }
0xa2: {  	[tilespmem:s16], [sflag:$0x1] =	stream.indirect.gather [hbm4b:s5+s6], $0x20, s15, s6, $0xb8;
	[tilespmem:$0x8400] =	vst v63  }
0xa3: {  	_ = 	snop  }
0xa4: {  	[tilespmem:s18], [sflag:$0x1] =	stream.indirect.gather [hbm4b:s5+s6], $0x20, s17, s6, $0xb8;
	[tilespmem:$0x8400] =	vst v63  }
0xa5: {  	_ = 	snop  }
0xa6: {  	[tilespmem:s20], [sflag:$0x1] =	stream.indirect.gather [hbm4b:s5+s6], $0x20, s19, s6, $0xb8;
	[tilespmem:$0x8400] =	vst v63  }
0xa7: {  	_ =	swait.ge [sflag:s21], $0x1000  }
0xa8: {  	[sflag:s21] =	ssyncset.done $0x0  }
0xa9: {  	[sflag:s21] =	ssyncadd.s32 $0xFFFFF000  }
0xaa: {  	_ =	swait.ge [sflag:s21], $0x1000  }
0xab: {  	[sflag:s21] =	ssyncset.done $0x0  }
0xac: {  	[sflag:s21] =	ssyncadd.s32 $0xFFFFF000  }
0xad: {  	_ =	swait.ge [sflag:s21], $0x1000  }
0xae: {  	[sflag:s21] =	ssyncset.done $0x0  }
0xaf: {  	[sflag:s21] =	ssyncadd.s32 $0xFFFFF000  }
0xb0: {  	_ =	swait.ge [sflag:s21], $0x1000  }
0xb1: {  	[sflag:s21] =	ssyncset.done $0x0  }
0xb2: {  	[sflag:s21] =	ssyncadd.s32 $0xFFFFF000  }
0xb3: {  	_ =	swait.ge [sflag:s21], $0x1000  }
0xb4: {  	[sflag:s21] =	ssyncset.done $0x0  }
0xb5: {  	[sflag:s21] =	ssyncadd.s32 $0xFFFFF000  }
0xb6: {  	_ =	swait.ge [sflag:s21], $0x1000  }
0xb7: {  	[sflag:s21] =	ssyncset.done $0x0  }
0xb8: {  	[sflag:s21] =	ssyncadd.s32 $0xFFFFF000  }
0xb9: {  	_ =	swait.ge [sflag:s21], $0x1000  }
0xba: {  	[sflag:s21] =	ssyncset.done $0x0  }
0xbb: {  	[sflag:s21] =	ssyncadd.s32 $0xFFFFF000  }
0xbc: {  	_ =	swait.ge [sflag:s21], $0x1000  }
0xbd: {  	[sflag:s21] =	ssyncset.done $0x0  }
0xbe: {  	[sflag:s21] =	ssyncadd.s32 $0xFFFFF000  }
0xbf: {  	[hbm4b:s22+s2] =	stream.linear.scatter [tilespmem:s7], [sflag:$0x2], $0x8000, $0x38;
	[tilespmem:$0x8400] =	vst v63  }
0xc0: {  	_ =	swait.ge [sflag:s3], $0x8000  }
0xc1: {  	[sflag:s3] =	ssyncset.done $0x0  }
0xc2: {  	[sflag:s3] =	ssyncadd.s32 $0xFFFF8000  }
0xc3: {  	[tilespmem:s2], [sflag:$0x2] =	stream.linear.gather [hbm4b:s23+s2], $0x400, $0x38;
	[tilespmem:$0x8400] =	vst v63  }
0xc4: {  	_ =	swait.ge [sflag:s3], $0x400  }
0xc5: {  	[sflag:s3] =	ssyncset.done $0x0  }
0xc6: {  	[sflag:s3] =	ssyncadd.s32 $0xFFFFFC00  }
0xc7: {  	[tilespmem:s7], [sflag:$0x1] =	stream.indirect.gather [hbm4b:s5+s6], $0x20, s2, s6, $0xb8;
	[tilespmem:$0x8400] =	vst v63  }
0xc8: {  	_ = 	snop  }
0xc9: {  	[tilespmem:s8], [sflag:$0x1] =	stream.indirect.gather [hbm4b:s5+s6], $0x20, s6, s6, $0xb8;
	[tilespmem:$0x8400] =	vst v63  }
0xca: {  	_ = 	snop  }
0xcb: {  	[tilespmem:s10], [sflag:$0x1] =	stream.indirect.gather [hbm4b:s5+s6], $0x20, s9, s6, $0xb8;
	[tilespmem:$0x8400] =	vst v63  }
0xcc: {  	_ = 	snop  }
0xcd: {  	[tilespmem:s12], [sflag:$0x1] =	stream.indirect.gather [hbm4b:s5+s6], $0x20, s11, s6, $0xb8;
	[tilespmem:$0x8400] =	vst v63  }
0xce: {  	_ = 	snop  }
0xcf: {  	[tilespmem:s14], [sflag:$0x1] =	stream.indirect.gather [hbm4b:s5+s6], $0x20, s13, s6, $0xb8;
	[tilespmem:$0x8400] =	vst v63  }
0xd0: {  	_ = 	snop  }
0xd1: {  	[tilespmem:s16], [sflag:$0x1] =	stream.indirect.gather [hbm4b:s5+s6], $0x20, s15, s6, $0xb8;
	[tilespmem:$0x8400] =	vst v63  }
0xd2: {  	_ = 	snop  }
0xd3: {  	[tilespmem:s18], [sflag:$0x1] =	stream.indirect.gather [hbm4b:s5+s6], $0x20, s17, s6, $0xb8;
	[tilespmem:$0x8400] =	vst v63  }
0xd4: {  	_ = 	snop  }
0xd5: {  	[tilespmem:s20], [sflag:$0x1] =	stream.indirect.gather [hbm4b:s5+s6], $0x20, s19, s6, $0xb8;
	[tilespmem:$0x8400] =	vst v63  }
0xd6: {  	_ =	swait.ge [sflag:s21], $0x1000  }
0xd7: {  	[sflag:s21] =	ssyncset.done $0x0  }
0xd8: {  	[sflag:s21] =	ssyncadd.s32 $0xFFFFF000  }
0xd9: {  	_ =	swait.ge [sflag:s21], $0x1000  }
0xda: {  	[sflag:s21] =	ssyncset.done $0x0  }
0xdb: {  	[sflag:s21] =	ssyncadd.s32 $0xFFFFF000  }
0xdc: {  	_ =	swait.ge [sflag:s21], $0x1000  }
0xdd: {  	[sflag:s21] =	ssyncset.done $0x0  }
0xde: {  	[sflag:s21] =	ssyncadd.s32 $0xFFFFF000  }
0xdf: {  	_ =	swait.ge [sflag:s21], $0x1000  }
0xe0: {  	[sflag:s21] =	ssyncset.done $0x0  }
0xe1: {  	[sflag:s21] =	ssyncadd.s32 $0xFFFFF000  }
0xe2: {  	_ =	swait.ge [sflag:s21], $0x1000  }
0xe3: {  	[sflag:s21] =	ssyncset.done $0x0  }
0xe4: {  	[sflag:s21] =	ssyncadd.s32 $0xFFFFF000  }
0xe5: {  	_ =	swait.ge [sflag:s21], $0x1000  }
0xe6: {  	[sflag:s21] =	ssyncset.done $0x0  }
0xe7: {  	[sflag:s21] =	ssyncadd.s32 $0xFFFFF000  }
0xe8: {  	_ =	swait.ge [sflag:s21], $0x1000  }
0xe9: {  	[sflag:s21] =	ssyncset.done $0x0  }
0xea: {  	[sflag:s21] =	ssyncadd.s32 $0xFFFFF000  }
0xeb: {  	_ =	swait.ge [sflag:s21], $0x1000  }
0xec: {  	[sflag:s21] =	ssyncset.done $0x0  }
0xed: {  	[sflag:s21] =	ssyncadd.s32 $0xFFFFF000  }
0xee: {  	[hbm4b:s24+s2] =	stream.linear.scatter [tilespmem:s7], [sflag:$0x2], $0x8000, $0x38;
	[tilespmem:$0x8400] =	vst v63  }
0xef: {  	_ =	swait.ge [sflag:s3], $0x8000  }
0xf0: {  	[sflag:s3] =	ssyncset.done $0x0  }
0xf1: {  	[sflag:s3] =	ssyncadd.s32 $0xFFFF8000  }
0xf2: {  	[tilespmem:s2], [sflag:$0x2] =	stream.linear.gather [hbm4b:s25+s2], $0x400, $0x38;
	[tilespmem:$0x8400] =	vst v63  }
0xf3: {  	_ =	swait.ge [sflag:s3], $0x400  }
0xf4: {  	[sflag:s3] =	ssyncset.done $0x0  }
0xf5: {  	[sflag:s3] =	ssyncadd.s32 $0xFFFFFC00  }
0xf6: {  	[tilespmem:s7], [sflag:$0x1] =	stream.indirect.gather [hbm4b:s5+s6], $0x20, s2, s6, $0xb8;
	[tilespmem:$0x8400] =	vst v63  }
0xf7: {  	_ = 	snop  }
0xf8: {  	[tilespmem:s8], [sflag:$0x1] =	stream.indirect.gather [hbm4b:s5+s6], $0x20, s6, s6, $0xb8;
	[tilespmem:$0x8400] =	vst v63  }
0xf9: {  	_ = 	snop  }
0xfa: {  	[tilespmem:s10], [sflag:$0x1] =	stream.indirect.gather [hbm4b:s5+s6], $0x20, s9, s6, $0xb8;
	[tilespmem:$0x8400] =	vst v63  }
0xfb: {  	_ = 	snop  }
0xfc: {  	[tilespmem:s12], [sflag:$0x1] =	stream.indirect.gather [hbm4b:s5+s6], $0x20, s11, s6, $0xb8;
	[tilespmem:$0x8400] =	vst v63  }
0xfd: {  	_ = 	snop  }
0xfe: {  	[tilespmem:s14], [sflag:$0x1] =	stream.indirect.gather [hbm4b:s5+s6], $0x20, s13, s6, $0xb8;
	[tilespmem:$0x8400] =	vst v63  }
0xff: {  	_ = 	snop  }
0x100: {  	[tilespmem:s16], [sflag:$0x1] =	stream.indirect.gather [hbm4b:s5+s6], $0x20, s15, s6, $0xb8;
	[tilespmem:$0x8400] =	vst v63  }
0x101: {  	_ = 	snop  }
0x102: {  	[tilespmem:s18], [sflag:$0x1] =	stream.indirect.gather [hbm4b:s5+s6], $0x20, s17, s6, $0xb8;
	[tilespmem:$0x8400] =	vst v63  }
0x103: {  	_ = 	snop  }
0x104: {  	[tilespmem:s20], [sflag:$0x1] =	stream.indirect.gather [hbm4b:s5+s6], $0x20, s19, s6, $0xb8;
	[tilespmem:$0x8400] =	vst v63  }
0x105: {  	_ =	swait.ge [sflag:s21], $0x1000  }
0x106: {  	[sflag:s21] =	ssyncset.done $0x0  }
0x107: {  	[sflag:s21] =	ssyncadd.s32 $0xFFFFF000  }
0x108: {  	_ =	swait.ge [sflag:s21], $0x1000  }
0x109: {  	[sflag:s21] =	ssyncset.done $0x0  }
0x10a: {  	[sflag:s21] =	ssyncadd.s32 $0xFFFFF000  }
0x10b: {  	_ =	swait.ge [sflag:s21], $0x1000  }
0x10c: {  	[sflag:s21] =	ssyncset.done $0x0  }
0x10d: {  	[sflag:s21] =	ssyncadd.s32 $0xFFFFF000  }
0x10e: {  	_ =	swait.ge [sflag:s21], $0x1000  }
0x10f: {  	[sflag:s21] =	ssyncset.done $0x0  }
0x110: {  	[sflag:s21] =	ssyncadd.s32 $0xFFFFF000  }
0x111: {  	_ =	swait.ge [sflag:s21], $0x1000  }
0x112: {  	[sflag:s21] =	ssyncset.done $0x0  }
0x113: {  	[sflag:s21] =	ssyncadd.s32 $0xFFFFF000  }
0x114: {  	_ =	swait.ge [sflag:s21], $0x1000  }
0x115: {  	[sflag:s21] =	ssyncset.done $0x0  }
0x116: {  	[sflag:s21] =	ssyncadd.s32 $0xFFFFF000  }
0x117: {  	_ =	swait.ge [sflag:s21], $0x1000  }
0x118: {  	[sflag:s21] =	ssyncset.done $0x0  }
0x119: {  	[sflag:s21] =	ssyncadd.s32 $0xFFFFF000  }
0x11a: {  	_ =	swait.ge [sflag:s21], $0x1000  }
.Ltmp1:
0x11b: {  	[sflag:s21] =	ssyncset.done $0x0;
	(pc) =	sbr.rel @p0 .LBB2_1-.Ltmp1, $4  }
0x11c: {  	[sflag:s21] =	ssyncadd.s32 $0xFFFFF000  }
0x11d: {  	[hbm4b:s26+s2] =	stream.linear.scatter [tilespmem:s7], [sflag:$0x2], $0x8000, $0x38;
	[tilespmem:$0x8400] =	vst v63  }
0x11e: {  	_ =	swait.ge [sflag:s3], $0x8000  }
0x11f: {  	[sflag:s3] =	ssyncset.done $0x0  }
.LBB2_2:
0x120: {  	[sflag:s3] =	ssyncadd.s32 $0xFFFF8000  }
0x121: {  	_ =	sfence.sel $0x180000  }
0x122: {  	[bflag:$0x0] =	sbarrier.arrive $0xFFFF  }
0x123: {  	p0 =	sne.s32 s0, $0x0;
	_ =	strace $0x9000004A  }
0x124: {  	s0 =	sadd.s32 @!p0 $0x100000, s1;
	[bflag:$0x2] =	sbarrier.arrive $0xFFFF  }
0x125: {  	[sflag:s0] =	ssyncadd.tile.s32 @!p0 $0x1;
	_ =	shalt  }
.Lfunc_end2:
_tile_overlayer_lowered:
.L_overlay_start_2:
0x126: {  	(tag) =	ssettag $0x2  }
0x127: {  	s0 =	rddreg [dreg:$0x0];
	s2 =	stileid.u32  }
0x128: {  	s1 =	rddreg [dreg:$0x1];
	p0 =	sne.s32 s2, $0x0  }
0x129: {  	s3 =	rddreg [dreg:$0x2];
	[bflag:$0x3] =	sbarrier.arrive $0xFFFF;
	s2 =	simm.s32 @!p0 $0x1C02  }
0x12a: {  	[timem:s3], [sflag:s2] =	dma.local @!p0 [hbm:s0], s1  }
0x12b: {  	s0 =	simm.s32 @!p0 $0x2  }
0x12c: {  	_ =	swait.ge @!p0 [sflag:s0], s1  }
0x12d: {  	s1 =	ssub.s32 @!p0 $0x0, s1;
	[sflag:s0] =	ssyncset.done @!p0 $0x0  }
0x12e: {  	[sflag:s0] =	ssyncadd.s32 @!p0 s1  }
0x12f: {  	[bflag:$0x3] =	sbarrier.arrive $0xFFFF  }
0x130: {  	_ =	shalt  }

// kernel: kernel.19.cloned.1.call-start
scs
__scs_entry_jumppad:
0x0: {  	(pc) =	sbr.rel $0x88, $3  }
0x1: {  	(tag) =	ssettag $0x0;
	lr =	simm.s32 $0x1  }
0x2: {  	[smem:$0x3F9E] =	sst lr;
	_ =	strace $0xD0000000  }
0x3: {  	_ = 	snop  }
0x4: {  	_ = 	snop  }
0x5: {  	_ = 	snop  }
0x6: {  	_ = 	snop  }
0x7: {  	_ = 	snop  }
__scs_overlays_trampoline_lowered:
0x8: {  	[smem:$0x3FAD] =	sst s0  }
0x9: {  	[smem:$0x3FAE] =	sst s1  }
0xa: {  	[smem:$0x3FAF] =	sst s2  }
0xb: {  	[smem:$0x3FB0] =	sst s3  }
0xc: {  	[smem:$0x3FB1] =	sst s4  }
0xd: {  	[smem:$0x3FB2] =	sst s5  }
0xe: {  	[smem:$0x3FB3] =	sst s6  }
0xf: {  	[smem:$0x3FB4] =	sst s7  }
0x10: {  	[smem:$0x3FB5] =	sst s8  }
0x11: {  	[smem:$0x3FB6] =	sst s9;
	s0 =	simm.s32 @!p0 $0x0  }
0x12: {  	s1 =	sld [smem:$0x3F9C];
	s0 =	simm.s32 @p0 $0x1  }
0x13: {  	[smem:$0x3FB7] =	sst s0;
	s0 =	simm.s32 @!p1 $0x0  }
0x14: {  	s2 =	sld [smem:$0x3F9B];
	s0 =	simm.s32 @p1 $0x1  }
0x15: {  	[smem:$0x3FB8] =	sst s0;
	s0 =	simm.s32 @!p2 $0x0  }
0x16: {  	s3 =	sld [smem:$0x3FDB];
	s0 =	simm.s32 @p2 $0x1  }
0x17: {  	s4 =	simm.s32 $0x1BF5;
	[smem:$0x3FBA] =	sst s0  }
0x18: {  	s0 =	sld [smem:$0x3F9D];
	_ =	swait.ge [sflag:s4], $0x0  }
0x19: {  	s7 =	sld [smem:$0x3F9E]  }
0x1a: {  	s8 =	sadd.s32 $0xFFFFE003, lr  }
0x1b: {  	s9 =	sadd.s32 $0xFFFFFEF7, lr;
	s5 =	simm.s32 $0xFFFFFFFF;
	p2 =	slt.u32 s8, $0xFFFFF086  }
0x1c: {  	p1 =	slt.u32 s9, $0xF7A;
	s5 =	simm.s32 @!p2 $0x0  }
0x1d: {  	s5 =	simm.s32 @p1 $0x1;
	p0 =	seq.s32 s7, s2  }
0x1e: {  	s7 =	smul.u32 @!p0 $0xF7A, s2;
	p2 =	seq.s32 @!p0 s5, $0x0  }
0x1f: {  	s9 =	smul.u32 $0xF7A, s1;
	s8 =	simm.s32 @!p0 $0x1BF5;
	p2 =	por !p2, p0  }
0x20: {  	[sflag:s8] =	ssyncset.s32 @!p0 $0xFFFFF086;
	s6 =	sadd.s32 @!p0 s3, s7;
	s7 =	simm.s32 @!p0 $0x108  }
0x21: {  	s3 =	sadd.s32 s3, s9;
	s6 =	sadd.s32 @!p0 $0x88, s6;
	s7 =	simm.s32 @p2 $0x1082  }
0x22: {  	[simem:s7], [sflag:s8] =	dma.local @!p0 [hbm:s6], $0xF7A  }
0x23: {  	s9 =	sor.u32 $0xD0000000, s2;
	s6 =	simm.s32 $0x108;
	_ =	swait.ge @!p0 [sflag:s8], $0x0  }
0x24: {  	s3 =	sadd.s32 $0x88, s3;
	s6 =	simm.s32 @!p1 $0x1082;
	[sflag:s4] =	ssyncset.s32 $0xFFFFF086  }
0x25: {  	[simem:s6], [sflag:s4] =	dma.local [hbm:s3], $0xF7A  }
0x26: {  	[smem:$0x3F9E] =	sst s1;
	(tag) =	ssettag s2;
	_ =	strace s9  }
0x27: {  	s1 =	sld [smem:$0x3FAE]  }
0x28: {  	s2 =	sld [smem:$0x3FAF]  }
0x29: {  	s4 =	sld [smem:$0x3FB1]  }
0x2a: {  	p0 =	seq.s32 s5, $0x0;
	s5 =	sld [smem:$0x3FB2]  }
0x2b: {  	s6 =	sld [smem:$0x3FB3]  }
0x2c: {  	s7 =	sld [smem:$0x3FB4]  }
0x2d: {  	s3 =	simm.s32 $0x108;
	s8 =	sld [smem:$0x3FB5]  }
0x2e: {  	s3 =	simm.s32 @!p0 $0x1082;
	s9 =	sld [smem:$0x3FB6]  }
0x2f: {  	lr =	sadd.s32 s0, s3;
	s0 =	sld [smem:$0x3FAD]  }
0x30: {  	s3 =	sld [smem:$0x3FB0]  }
0x31: {  	[smem:$0x3FB9] =	sst s10  }
0x32: {  	s10 =	sld [smem:$0x3FB7];
	_ =	sdelay $0x3  }
0x33: {  	p0 =	seq.s32 s10, $0x1;
	s10 =	sld [smem:$0x3FB9];
	_ =	sdelay $0x3  }
0x34: {  	[smem:$0x3FB9] =	sst s10  }
0x35: {  	s10 =	sld [smem:$0x3FB8];
	_ =	sdelay $0x3  }
0x36: {  	p1 =	seq.s32 s10, $0x1;
	s10 =	sld [smem:$0x3FB9];
	_ =	sdelay $0x3  }
0x37: {  	[smem:$0x3FB9] =	sst s10  }
0x38: {  	s10 =	sld [smem:$0x3FBA]  }
0x39: {  	_ = 	snop;
	(pc) =	sbr.ind lr, $3  }
0x3a: {  	_ = 	snop  }
0x3b: {  	_ = 	snop  }
0x3c: {  	p2 =	seq.s32 s10, $0x1;
	s10 =	sld [smem:$0x3FB9]  }
0x3d: {  	_ =	shalt  }
0x3e: {  	_ =	shalt  }
0x3f: {  	_ =	shalt  }
0x40: {  	_ =	shalt  }
0x41: {  	_ =	shalt  }
0x42: {  	_ =	shalt  }
0x43: {  	_ =	shalt  }
0x44: {  	_ =	shalt  }
0x45: {  	_ =	shalt  }
0x46: {  	_ =	shalt  }
0x47: {  	_ =	shalt  }
0x48: {  	_ =	shalt  }
0x49: {  	_ =	shalt  }
0x4a: {  	_ =	shalt  }
0x4b: {  	_ =	shalt  }
0x4c: {  	_ =	shalt  }
0x4d: {  	_ =	shalt  }
0x4e: {  	_ =	shalt  }
0x4f: {  	_ =	shalt  }
0x50: {  	_ =	shalt  }
0x51: {  	_ =	shalt  }
0x52: {  	_ =	shalt  }
0x53: {  	_ =	shalt  }
0x54: {  	_ =	shalt  }
0x55: {  	_ =	shalt  }
0x56: {  	_ =	shalt  }
0x57: {  	_ =	shalt  }
0x58: {  	_ =	shalt  }
0x59: {  	_ =	shalt  }
0x5a: {  	_ =	shalt  }
0x5b: {  	_ =	shalt  }
0x5c: {  	_ =	shalt  }
0x5d: {  	_ =	shalt  }
0x5e: {  	_ =	shalt  }
0x5f: {  	_ =	shalt  }
0x60: {  	_ =	shalt  }
0x61: {  	_ =	shalt  }
0x62: {  	_ =	shalt  }
0x63: {  	_ =	shalt  }
0x64: {  	_ =	shalt  }
0x65: {  	_ =	shalt  }
0x66: {  	_ =	shalt  }
0x67: {  	_ =	shalt  }
0x68: {  	_ =	shalt  }
0x69: {  	_ =	shalt  }
0x6a: {  	_ =	shalt  }
0x6b: {  	_ =	shalt  }
0x6c: {  	_ =	shalt  }
0x6d: {  	_ =	shalt  }
0x6e: {  	_ =	shalt  }
0x6f: {  	_ =	shalt  }
0x70: {  	_ =	shalt  }
0x71: {  	_ =	shalt  }
0x72: {  	_ =	shalt  }
0x73: {  	_ =	shalt  }
0x74: {  	_ =	shalt  }
0x75: {  	_ =	shalt  }
0x76: {  	_ =	shalt  }
0x77: {  	_ =	shalt  }
0x78: {  	_ =	shalt  }
0x79: {  	_ =	shalt  }
0x7a: {  	_ =	shalt  }
0x7b: {  	_ =	shalt  }
0x7c: {  	_ =	shalt  }
0x7d: {  	_ =	shalt  }
0x7e: {  	_ =	shalt  }
0x7f: {  	_ =	shalt  }
0x80: {  	_ =	shalt  }
0x81: {  	_ =	shalt  }
0x82: {  	_ =	shalt  }
0x83: {  	_ =	shalt  }
0x84: {  	_ =	shalt  }
0x85: {  	_ =	shalt  }
0x86: {  	_ =	shalt  }
0x87: {  	_ =	shalt  }
.Lfunc_end0:
.L_simem_size_0:
called_computation.2_lowered:
.L_overlay_start_0:
0x88: {  	s2 =	sld [smem:$0x3FD9]  }
0x89: {  	s3 =	sld [smem:$0x3FFE];
	_ =	sdelay $0x1  }
0x8a: {  	s1 =	srdreg.scid  }
0x8b: {  	s0 =	sand.u32 $0x1, s1  }
0x8c: {  	s17 =	sshll.u32 s0, $0xA;
	s2 =	sadd.s32 s3, s2  }
0x8d: {  	s2 =	sadd.s32 s2, s17  }
0x8e: {  	[smem:$0x3FC5] =	sst s2  }
0x8f: {  	_ = 	snop  }
0x90: {  	(tm) =	ssettm $0x1  }
0x91: {  	s18 =	sld [smem:$0x3FFB];
	_ =	sdelay $0x3  }
0x92: {  	_ =	strace s18  }
0x93: {  	s2 =	sld [smem:$0x3FFC];
	_ =	sdelay $0x3  }
0x94: {  	_ =	strace s2  }
0x95: {  	s2 =	sld [smem:$0x3FFD];
	_ =	sdelay $0x3  }
0x96: {  	_ =	strace s2  }
0x97: {  	_ =	strace $0x8FFFFFFF  }
0x98: {  	s19 =	sld [smem:$0x3FDB];
	_ =	sdelay $0x1  }
0x99: {  	s20 =	simm.s32 $_scs_section_size  }
0x9a: {  	s4 =	simm.s32 $_size__tile_overlayer_lowered;
	s5 =	simm.s32 $_tile_overlayer_lowered  }
0x9b: {  	s6 =	simm.s32 $0x1BFF;
	s21 =	sshll.u32 s5, $0x1;
	s3 =	sadd.s32 s20, s19  }
0x9c: {  	s22 =	simm.s32 $0x0;
	s4 =	sshll.u32 s4, $0x1;
	s5 =	sadd.s32 s21, s3  }
0x9d: {  	[timem:s22], [sflag:s6] =	dma.local [hbm:s5], s4  }
0x9e: {  	_ =	swait.ge [sflag:s6], s4  }
0x9f: {  	s4 =	ssub.s32 $0x0, s4;
	[sflag:s6] =	ssyncset.done $0x0  }
0xa0: {  	[sflag:s6] =	ssyncadd.s32 s4;
	_ =	sdelay $0x1  }
0xa1: {  	s23 =	simm.s32 $0x1B8B  }
0xa2: {  	_ =	swait.ge [sflag:s23], $0x1  }
0xa3: {  	[sflag:s23] =	ssyncset.done $0x0  }
0xa4: {  	[sflag:s23] =	ssyncadd.s32 $0xFFFFFFFF  }
0xa5: {  	s4 =	sld [smem:$0x0]  }
0xa6: {  	s5 =	sand.u32 $0xFFFFFFFE, s1  }
0xa7: {  	p0 =	sne.s32 s1, s5  }
0xa8: {  	s5 =	sshll.u32 @p0 s5, $0xE  }
0xa9: {  	s5 =	sadd.s32 @p0 $0x11B8D, s5;
	s6 =	sshll.u32 @p0 s4, $0x11  }
0xaa: {  	s5 =	sor.u32 @p0 s6, s5  }
0xab: {  	[sflag:s5] =	ssyncadd.remote.s32 @p0 $0x1;
	_ =	sdelay $0x1  }
0xac: {  	s5 =	simm.s32 @p0 $0x1B8D  }
0xad: {  	_ =	swait.eq @p0 [sflag:s5], $0x1  }
0xae: {  	[sflag:s5] =	ssyncadd.s32 @p0 $0xFFFFFFFF  }
0xaf: {  	s6 =	sshll.u32 @!p0 s1, $0xE  }
0xb0: {  	s6 =	sor.u32 @!p0 $0x4000, s6;
	s5 =	simm.s32 @!p0 $0x1B8D  }
0xb1: {  	s4 =	sshll.u32 @!p0 s4, $0x11;
	s6 =	sadd.s32 @!p0 $0x11B8D, s6;
	_ =	swait.eq @!p0 [sflag:s5], $0x1  }
0xb2: {  	s4 =	sor.u32 @!p0 s4, s6;
	[sflag:s5] =	ssyncadd.s32 @!p0 $0xFFFFFFFF  }
0xb3: {  	s25 =	simm.s32 $0x1B8E;
	s24 =	sld [smem:$0x3FFE];
	[sflag:s4] =	ssyncadd.remote.s32 @!p0 $0x1  }
0xb4: {  	s26 =	simm.s32 $execute0_lowered;
	[smem:$0x3FD2] =	sst s25  }
0xb5: {  	s5 =	sshll.u32 s26, $0x1;
	_ =	strace $0x8000004C;
	[dreg:$0x1] =	wrdreg $0xFFFFFFFF  }
0xb6: {  	s28 =	simm.s32 $_size_execute0_lowered;
	s3 =	sadd.s32 s3, s5;
	[dreg:$0x0] =	wrdreg $0x0  }
0xb7: {  	s5 =	sshll.u32 s28, $0x1;
	[dreg:$0x2] =	wrdreg s3  }
0xb8: {  	[dreg:$0x3] =	wrdreg s5  }
0xb9: {  	[dreg:$0x4] =	wrdreg $0xC0  }
0xba: {  	_ =	task [dreg:s22], $0x5FFFF  }
0xbb: {  	[dreg:$0x1] =	wrdreg $0xFFFFFFFF  }
0xbc: {  	[dreg:$0x0] =	wrdreg $0x60  }
0xbd: {  	[dreg:$0x2] =	wrdreg s24  }
0xbe: {  	[dreg:$0x3] =	wrdreg $0xB  }
0xbf: {  	_ =	task.clear_ibuf [dreg:s22], $0x4FFFF;
	_ =	strace $0x9000004C  }
0xc0: {  	s29 =	simm.s32 $0xB;
	_ =	strace $0x8000004E  }
0xc1: {  	_ =	swait.ge [sflag:s29], $0x1  }
0xc2: {  	[sflag:s29] =	ssyncadd.s32 $0xFFFFFFFF  }
0xc3: {  	_ =	strace $0x9000004E  }
0xc4: {  	_ =	sfence  }
0xc5: {  	s30 =	sld [smem:$0x0];
	_ =	sdelay $0x2  }
0xc6: {  	s31 =	sshll.u32 s1, $0xD;
	s1 =	sshrl.u32 s1, $0x2  }
0xc7: {  	s4 =	sand.u32 $0x4000, s31;
	s1 =	sadd.s32 s1, s30  }
0xc8: {  	s0 =	sor.u32 s4, s0;
	s1 =	sshll.u32 s1, $0x11  }
0xc9: {  	s0 =	sor.u32 s1, s0  }
0xca: {  	s0 =	sadd.s32 $0x8F2B, s0  }
0xcb: {  	[sflag:s0] =	ssyncadd.remote.s32 $0x1  }
0xcc: {  	_ =	sfence.sel $0xFFFF  }
0xcd: {  	[dreg:$0x0] =	wrdreg $0xFFFFFFFF;
	(pc) =	sbr.abs _section_cstart, $3  }
0xce: {  	[dreg:$0x1] =	wrdreg $0xFFFFFFFF  }
0xcf: {  	_ =	task.clear_ibuf [dreg:s22], $0x2FFFF;
	_ =	strace $0x9FFFFFFF  }
0xd0: {  	(tm) =	ssettm $0x7FFFFFFF  }
0xd1: {  	_ =	shalt  }
tec
execute0_lowered:
.L_overlay_start_1:
0x0: {  	(tag) =	ssettag $0x1  }
0x1: {  	s4 =	rddreg [dreg:$0x0]  }
0x2: {  	s0 =	rddreg [dreg:$0x1]  }
0x3: {  	s1 =	stileid.u32;
	s2 =	simm.s32 $0x0;
	s5 =	srdreg.scid  }
0x4: {  	s10 =	simm.s32 $0x1400;
	s11 =	simm.s32 $0x100;
	s12 =	simm.s32 $0x2400  }
0x5: {  	s13 =	simm.s32 $0x180;
	s14 =	simm.s32 $0x3400;
	s15 =	simm.s32 $0x200  }
0x6: {  	s16 =	simm.s32 $0x4400;
	s17 =	simm.s32 $0x280;
	s18 =	simm.s32 $0x5400  }
0x7: {  	s19 =	simm.s32 $0x300;
	s20 =	simm.s32 $0x6400;
	s21 =	simm.s32 $0x380  }
0x8: {  	s22 =	simm.s32 $0x7400;
	s23 =	simm.s32 $0x1;
	s3 =	smul.u32 $0x500, s1  }
0x9: {  	[smem:$0x7FF] =	sst s2;
	s6 =	smul.u32 $0xA000, s1;
	s5 =	sand.u32 $0x1, s5  }
0xa: {  	s24 =	simm.s32 $0x0;
	_ =	strace $0x8000004D;
	s7 =	smul.u32 $0x5000, s5  }
0xb: {  	s9 =	ssub.s32 $0x2, s5;
	s5 =	smul.u32 $0x280, s5;
	s8 =	sadd.s32 s3, s4  }
0xc: {  	s3 =	sadd.s32 $0x1C000, s4;
	s4 =	sadd.s32 s6, s4;
	s31 =	sshrl.u32 s9, $0x1  }
0xd: {  	s6 =	ssub.s32 s9, s31;
	s7 =	sadd.s32 s7, s4;
	s8 =	sadd.s32 s5, s8  }
0xe: {  	s9 =	simm.s32 $0x400;
	s4 =	smax.u32 s6, $0x1;
	s5 =	sadd.s32 $0x454000, s7  }
0xf: {  	s6 =	sadd.s32 $0x5000, s8;
	s7 =	simm.s32 $0x2;
	s8 =	simm.s32 $0x80  }
.LBB2_1:
0x10: {  	s25 =	sadd.s32 $0x0, s6  }
0x11: {  	[tilespmem:s2], [sflag:$0x2] =	stream.linear.gather [hbm4b:s25+s2], $0x400, $0x38;
	[tilespmem:$0x8400] =	vst v63  }
0x12: {  	_ =	swait.ge [sflag:s7], $0x400  }
0x13: {  	[sflag:s7] =	ssyncset.done $0x0  }
0x14: {  	[sflag:s7] =	ssyncadd.s32 $0xFFFFFC00  }
0x15: {  	[tilespmem:s9], [sflag:$0x1] =	stream.indirect.gather [hbm4b:s3+s8], $0x20, s2, s8, $0xb8;
	[tilespmem:$0x8400] =	vst v63  }
0x16: {  	_ = 	snop  }
0x17: {  	[tilespmem:s10], [sflag:$0x1] =	stream.indirect.gather [hbm4b:s3+s8], $0x20, s8, s8, $0xb8;
	[tilespmem:$0x8400] =	vst v63  }
0x18: {  	_ = 	snop  }
0x19: {  	[tilespmem:s12], [sflag:$0x1] =	stream.indirect.gather [hbm4b:s3+s8], $0x20, s11, s8, $0xb8;
	[tilespmem:$0x8400] =	vst v63  }
0x1a: {  	_ = 	snop  }
0x1b: {  	[tilespmem:s14], [sflag:$0x1] =	stream.indirect.gather [hbm4b:s3+s8], $0x20, s13, s8, $0xb8;
	[tilespmem:$0x8400] =	vst v63  }
0x1c: {  	_ = 	snop  }
0x1d: {  	[tilespmem:s16], [sflag:$0x1] =	stream.indirect.gather [hbm4b:s3+s8], $0x20, s15, s8, $0xb8;
	[tilespmem:$0x8400] =	vst v63  }
0x1e: {  	_ = 	snop  }
0x1f: {  	[tilespmem:s18], [sflag:$0x1] =	stream.indirect.gather [hbm4b:s3+s8], $0x20, s17, s8, $0xb8;
	[tilespmem:$0x8400] =	vst v63  }
0x20: {  	_ = 	snop  }
0x21: {  	[tilespmem:s20], [sflag:$0x1] =	stream.indirect.gather [hbm4b:s3+s8], $0x20, s19, s8, $0xb8;
	[tilespmem:$0x8400] =	vst v63  }
0x22: {  	_ = 	snop  }
0x23: {  	[tilespmem:s22], [sflag:$0x1] =	stream.indirect.gather [hbm4b:s3+s8], $0x20, s21, s8, $0xb8;
	[tilespmem:$0x8400] =	vst v63  }
0x24: {  	_ =	swait.ge [sflag:s23], $0x1000  }
0x25: {  	[sflag:s23] =	ssyncset.done $0x0  }
0x26: {  	[sflag:s23] =	ssyncadd.s32 $0xFFFFF000  }
0x27: {  	_ =	swait.ge [sflag:s23], $0x1000  }
0x28: {  	[sflag:s23] =	ssyncset.done $0x0  }
0x29: {  	[sflag:s23] =	ssyncadd.s32 $0xFFFFF000  }
0x2a: {  	_ =	swait.ge [sflag:s23], $0x1000  }
0x2b: {  	[sflag:s23] =	ssyncset.done $0x0  }
0x2c: {  	[sflag:s23] =	ssyncadd.s32 $0xFFFFF000  }
0x2d: {  	_ =	swait.ge [sflag:s23], $0x1000  }
0x2e: {  	[sflag:s23] =	ssyncset.done $0x0  }
0x2f: {  	[sflag:s23] =	ssyncadd.s32 $0xFFFFF000  }
0x30: {  	_ =	swait.ge [sflag:s23], $0x1000  }
0x31: {  	[sflag:s23] =	ssyncset.done $0x0  }
0x32: {  	[sflag:s23] =	ssyncadd.s32 $0xFFFFF000  }
0x33: {  	_ =	swait.ge [sflag:s23], $0x1000  }
0x34: {  	[sflag:s23] =	ssyncset.done $0x0  }
0x35: {  	[sflag:s23] =	ssyncadd.s32 $0xFFFFF000  }
0x36: {  	_ =	swait.ge [sflag:s23], $0x1000  }
0x37: {  	[sflag:s23] =	ssyncset.done $0x0  }
0x38: {  	[sflag:s23] =	ssyncadd.s32 $0xFFFFF000  }
0x39: {  	_ =	swait.ge [sflag:s23], $0x1000  }
0x3a: {  	[sflag:s23] =	ssyncset.done $0x0  }
0x3b: {  	[sflag:s23] =	ssyncadd.s32 $0xFFFFF000  }
0x3c: {  	[hbm4b:s5+s2] =	stream.linear.scatter [tilespmem:s9], [sflag:$0x2], $0x8000, $0x38;
	[tilespmem:$0x8400] =	vst v63  }
0x3d: {  	s26 =	simm.s32 $0x80;
	_ =	swait.ge [sflag:s7], $0x8000  }
0x3e: {  	s29 =	simm.s32 $0x100;
	s25 =	sadd.s32 $0x1000, s5;
	[sflag:s7] =	ssyncset.done $0x0  }
.LBB2_2:
0x3f: {  	s30 =	sadd.s32 s26, s6  }
0x40: {  	[sflag:s7] =	ssyncadd.s32 $0xFFFF8000;
	s26 =	smov.u32 s29;
	s28 =	sadd.s32 $0x80, s29  }
0x41: {  	[tilespmem:s2], [sflag:$0x2] =	stream.linear.gather [hbm4b:s30+s2], $0x400, $0x38;
	[tilespmem:$0x8400] =	vst v63  }
0x42: {  	p0 =	sne.s32 s29, $0x200;
	_ =	swait.ge [sflag:s7], $0x400  }
0x43: {  	[sflag:s7] =	ssyncset.done $0x0  }
0x44: {  	[sflag:s7] =	ssyncadd.s32 $0xFFFFFC00  }
0x45: {  	[tilespmem:s9], [sflag:$0x1] =	stream.indirect.gather [hbm4b:s3+s8], $0x20, s2, s8, $0xb8;
	[tilespmem:$0x8400] =	vst v63  }
0x46: {  	_ = 	snop  }
0x47: {  	[tilespmem:s10], [sflag:$0x1] =	stream.indirect.gather [hbm4b:s3+s8], $0x20, s8, s8, $0xb8;
	[tilespmem:$0x8400] =	vst v63  }
0x48: {  	_ = 	snop  }
0x49: {  	[tilespmem:s12], [sflag:$0x1] =	stream.indirect.gather [hbm4b:s3+s8], $0x20, s11, s8, $0xb8;
	[tilespmem:$0x8400] =	vst v63  }
0x4a: {  	_ = 	snop  }
0x4b: {  	[tilespmem:s14], [sflag:$0x1] =	stream.indirect.gather [hbm4b:s3+s8], $0x20, s13, s8, $0xb8;
	[tilespmem:$0x8400] =	vst v63  }
0x4c: {  	_ = 	snop  }
0x4d: {  	[tilespmem:s16], [sflag:$0x1] =	stream.indirect.gather [hbm4b:s3+s8], $0x20, s15, s8, $0xb8;
	[tilespmem:$0x8400] =	vst v63  }
0x4e: {  	_ = 	snop  }
0x4f: {  	[tilespmem:s18], [sflag:$0x1] =	stream.indirect.gather [hbm4b:s3+s8], $0x20, s17, s8, $0xb8;
	[tilespmem:$0x8400] =	vst v63  }
0x50: {  	_ = 	snop  }
0x51: {  	[tilespmem:s20], [sflag:$0x1] =	stream.indirect.gather [hbm4b:s3+s8], $0x20, s19, s8, $0xb8;
	[tilespmem:$0x8400] =	vst v63  }
0x52: {  	_ = 	snop  }
0x53: {  	[tilespmem:s22], [sflag:$0x1] =	stream.indirect.gather [hbm4b:s3+s8], $0x20, s21, s8, $0xb8;
	[tilespmem:$0x8400] =	vst v63  }
0x54: {  	_ =	swait.ge [sflag:s23], $0x1000  }
0x55: {  	[sflag:s23] =	ssyncset.done $0x0  }
0x56: {  	[sflag:s23] =	ssyncadd.s32 $0xFFFFF000  }
0x57: {  	_ =	swait.ge [sflag:s23], $0x1000  }
0x58: {  	[sflag:s23] =	ssyncset.done $0x0  }
0x59: {  	[sflag:s23] =	ssyncadd.s32 $0xFFFFF000  }
0x5a: {  	_ =	swait.ge [sflag:s23], $0x1000  }
0x5b: {  	[sflag:s23] =	ssyncset.done $0x0  }
0x5c: {  	[sflag:s23] =	ssyncadd.s32 $0xFFFFF000  }
0x5d: {  	_ =	swait.ge [sflag:s23], $0x1000  }
0x5e: {  	[sflag:s23] =	ssyncset.done $0x0  }
0x5f: {  	[sflag:s23] =	ssyncadd.s32 $0xFFFFF000  }
0x60: {  	_ =	swait.ge [sflag:s23], $0x1000  }
0x61: {  	[sflag:s23] =	ssyncset.done $0x0  }
0x62: {  	[sflag:s23] =	ssyncadd.s32 $0xFFFFF000  }
0x63: {  	_ =	swait.ge [sflag:s23], $0x1000  }
0x64: {  	[sflag:s23] =	ssyncset.done $0x0  }
0x65: {  	[sflag:s23] =	ssyncadd.s32 $0xFFFFF000  }
0x66: {  	_ =	swait.ge [sflag:s23], $0x1000  }
0x67: {  	[sflag:s23] =	ssyncset.done $0x0  }
0x68: {  	[sflag:s23] =	ssyncadd.s32 $0xFFFFF000  }
0x69: {  	_ =	swait.ge [sflag:s23], $0x1000  }
.Ltmp0:
0x6a: {  	[sflag:s23] =	ssyncset.done $0x0;
	(pc) =	sbr.rel @p0 .LBB2_2-.Ltmp0, $4  }
0x6b: {  	[sflag:s23] =	ssyncadd.s32 $0xFFFFF000  }
0x6c: {  	[hbm4b:s25+s2] =	stream.linear.scatter [tilespmem:s9], [sflag:$0x2], $0x8000, $0x38;
	[tilespmem:$0x8400] =	vst v63  }
0x6d: {  	_ =	swait.ge [sflag:s7], $0x8000  }
0x6e: {  	s29 =	smov.u32 s28;
	s25 =	sadd.s32 $0x1000, s25;
	[sflag:s7] =	ssyncset.done $0x0  }
0x6f: {  	s26 =	sadd.s32 s26, s6;
	[sflag:s7] =	ssyncadd.s32 $0xFFFF8000  }
0x70: {  	[tilespmem:s2], [sflag:$0x2] =	stream.linear.gather [hbm4b:s26+s2], $0x400, $0x38;
	[tilespmem:$0x8400] =	vst v63  }
0x71: {  	_ =	swait.ge [sflag:s7], $0x400  }
0x72: {  	[sflag:s7] =	ssyncset.done $0x0  }
0x73: {  	[sflag:s7] =	ssyncadd.s32 $0xFFFFFC00  }
0x74: {  	[tilespmem:s9], [sflag:$0x1] =	stream.indirect.gather [hbm4b:s3+s8], $0x20, s2, s8, $0xb8;
	[tilespmem:$0x8400] =	vst v63  }
0x75: {  	_ = 	snop  }
0x76: {  	[tilespmem:s10], [sflag:$0x1] =	stream.indirect.gather [hbm4b:s3+s8], $0x20, s8, s8, $0xb8;
	[tilespmem:$0x8400] =	vst v63  }
0x77: {  	_ = 	snop  }
0x78: {  	[tilespmem:s12], [sflag:$0x1] =	stream.indirect.gather [hbm4b:s3+s8], $0x20, s11, s8, $0xb8;
	[tilespmem:$0x8400] =	vst v63  }
0x79: {  	_ = 	snop  }
0x7a: {  	[tilespmem:s14], [sflag:$0x1] =	stream.indirect.gather [hbm4b:s3+s8], $0x20, s13, s8, $0xb8;
	[tilespmem:$0x8400] =	vst v63  }
0x7b: {  	_ = 	snop  }
0x7c: {  	[tilespmem:s16], [sflag:$0x1] =	stream.indirect.gather [hbm4b:s3+s8], $0x20, s15, s8, $0xb8;
	[tilespmem:$0x8400] =	vst v63  }
0x7d: {  	_ = 	snop  }
0x7e: {  	[tilespmem:s18], [sflag:$0x1] =	stream.indirect.gather [hbm4b:s3+s8], $0x20, s17, s8, $0xb8;
	[tilespmem:$0x8400] =	vst v63  }
0x7f: {  	_ = 	snop  }
0x80: {  	[tilespmem:s20], [sflag:$0x1] =	stream.indirect.gather [hbm4b:s3+s8], $0x20, s19, s8, $0xb8;
	[tilespmem:$0x8400] =	vst v63  }
0x81: {  	_ = 	snop  }
0x82: {  	[tilespmem:s22], [sflag:$0x1] =	stream.indirect.gather [hbm4b:s3+s8], $0x20, s21, s8, $0xb8;
	[tilespmem:$0x8400] =	vst v63  }
0x83: {  	_ =	swait.ge [sflag:s23], $0x1000  }
0x84: {  	[sflag:s23] =	ssyncset.done $0x0  }
0x85: {  	[sflag:s23] =	ssyncadd.s32 $0xFFFFF000  }
0x86: {  	_ =	swait.ge [sflag:s23], $0x1000  }
0x87: {  	[sflag:s23] =	ssyncset.done $0x0  }
0x88: {  	[sflag:s23] =	ssyncadd.s32 $0xFFFFF000  }
0x89: {  	_ =	swait.ge [sflag:s23], $0x1000  }
0x8a: {  	[sflag:s23] =	ssyncset.done $0x0  }
0x8b: {  	[sflag:s23] =	ssyncadd.s32 $0xFFFFF000  }
0x8c: {  	_ =	swait.ge [sflag:s23], $0x1000  }
0x8d: {  	[sflag:s23] =	ssyncset.done $0x0  }
0x8e: {  	[sflag:s23] =	ssyncadd.s32 $0xFFFFF000  }
0x8f: {  	_ =	swait.ge [sflag:s23], $0x1000  }
0x90: {  	[sflag:s23] =	ssyncset.done $0x0  }
0x91: {  	[sflag:s23] =	ssyncadd.s32 $0xFFFFF000  }
0x92: {  	_ =	swait.ge [sflag:s23], $0x1000  }
0x93: {  	[sflag:s23] =	ssyncset.done $0x0  }
0x94: {  	[sflag:s23] =	ssyncadd.s32 $0xFFFFF000  }
0x95: {  	_ =	swait.ge [sflag:s23], $0x1000  }
0x96: {  	[sflag:s23] =	ssyncset.done $0x0  }
0x97: {  	[sflag:s23] =	ssyncadd.s32 $0xFFFFF000  }
0x98: {  	s24 =	sadd.s32 $0x1, s24;
	_ =	swait.ge [sflag:s23], $0x1000  }
0x99: {  	p0 =	sne.s32 s24, s4;
	[sflag:s23] =	ssyncset.done $0x0  }
.Ltmp1:
0x9a: {  	[sflag:s23] =	ssyncadd.s32 $0xFFFFF000;
	(pc) =	sbr.rel @p0 .LBB2_1-.Ltmp1, $4  }
0x9b: {  	[hbm4b:s25+s2] =	stream.linear.scatter [tilespmem:s9], [sflag:$0x2], $0x8000, $0x38;
	[tilespmem:$0x8400] =	vst v63  }
0x9c: {  	_ =	swait.ge [sflag:s7], $0x8000  }
0x9d: {  	[sflag:s7] =	ssyncset.done $0x0  }
0x9e: {  	[sflag:s7] =	ssyncadd.s32 $0xFFFF8000  }
0x9f: {  	_ =	sfence.sel $0x180000  }
0xa0: {  	[bflag:$0x0] =	sbarrier.arrive $0xFFFF  }
0xa1: {  	p0 =	sne.s32 s1, $0x0;
	_ =	strace $0x9000004D  }
0xa2: {  	s0 =	sadd.s32 @!p0 $0x100000, s0;
	[bflag:$0x2] =	sbarrier.arrive $0xFFFF  }
0xa3: {  	[sflag:s0] =	ssyncadd.tile.s32 @!p0 $0x1;
	_ =	shalt  }
.Lfunc_end2:
_tile_overlayer_lowered:
.L_overlay_start_2:
0xa4: {  	(tag) =	ssettag $0x2  }
0xa5: {  	s0 =	rddreg [dreg:$0x0];
	s2 =	stileid.u32  }
0xa6: {  	s1 =	rddreg [dreg:$0x1];
	p0 =	sne.s32 s2, $0x0  }
0xa7: {  	s3 =	rddreg [dreg:$0x2];
	[bflag:$0x3] =	sbarrier.arrive $0xFFFF;
	s2 =	simm.s32 @!p0 $0x1C02  }
0xa8: {  	[timem:s3], [sflag:s2] =	dma.local @!p0 [hbm:s0], s1  }
0xa9: {  	s0 =	simm.s32 @!p0 $0x2  }
0xaa: {  	_ =	swait.ge @!p0 [sflag:s0], s1  }
0xab: {  	s1 =	ssub.s32 @!p0 $0x0, s1;
	[sflag:s0] =	ssyncset.done @!p0 $0x0  }
0xac: {  	[sflag:s0] =	ssyncadd.s32 @!p0 s1  }
0xad: {  	[bflag:$0x3] =	sbarrier.arrive $0xFFFF  }
0xae: {  	_ =	shalt  }

// kernel: kernel.22.cloned.1.call-start
scs
__scs_entry_jumppad:
0x0: {  	(pc) =	sbr.rel $0x88, $3  }
0x1: {  	(tag) =	ssettag $0x0;
	lr =	simm.s32 $0x1  }
0x2: {  	[smem:$0x3F9E] =	sst lr;
	_ =	strace $0xD0000000  }
0x3: {  	_ = 	snop  }
0x4: {  	_ = 	snop  }
0x5: {  	_ = 	snop  }
0x6: {  	_ = 	snop  }
0x7: {  	_ = 	snop  }
__scs_overlays_trampoline_lowered:
0x8: {  	[smem:$0x3FAD] =	sst s0  }
0x9: {  	[smem:$0x3FAE] =	sst s1  }
0xa: {  	[smem:$0x3FAF] =	sst s2  }
0xb: {  	[smem:$0x3FB0] =	sst s3  }
0xc: {  	[smem:$0x3FB1] =	sst s4  }
0xd: {  	[smem:$0x3FB2] =	sst s5  }
0xe: {  	[smem:$0x3FB3] =	sst s6  }
0xf: {  	[smem:$0x3FB4] =	sst s7  }
0x10: {  	[smem:$0x3FB5] =	sst s8  }
0x11: {  	[smem:$0x3FB6] =	sst s9;
	s0 =	simm.s32 @!p0 $0x0  }
0x12: {  	s1 =	sld [smem:$0x3F9C];
	s0 =	simm.s32 @p0 $0x1  }
0x13: {  	[smem:$0x3FB7] =	sst s0;
	s0 =	simm.s32 @!p1 $0x0  }
0x14: {  	s2 =	sld [smem:$0x3F9B];
	s0 =	simm.s32 @p1 $0x1  }
0x15: {  	[smem:$0x3FB8] =	sst s0;
	s0 =	simm.s32 @!p2 $0x0  }
0x16: {  	s3 =	sld [smem:$0x3FDB];
	s0 =	simm.s32 @p2 $0x1  }
0x17: {  	s4 =	simm.s32 $0x1BF5;
	[smem:$0x3FBA] =	sst s0  }
0x18: {  	s0 =	sld [smem:$0x3F9D];
	_ =	swait.ge [sflag:s4], $0x0  }
0x19: {  	s7 =	sld [smem:$0x3F9E]  }
0x1a: {  	s8 =	sadd.s32 $0xFFFFE003, lr  }
0x1b: {  	s9 =	sadd.s32 $0xFFFFFEF7, lr;
	s5 =	simm.s32 $0xFFFFFFFF;
	p2 =	slt.u32 s8, $0xFFFFF086  }
0x1c: {  	p1 =	slt.u32 s9, $0xF7A;
	s5 =	simm.s32 @!p2 $0x0  }
0x1d: {  	s5 =	simm.s32 @p1 $0x1;
	p0 =	seq.s32 s7, s2  }
0x1e: {  	s7 =	smul.u32 @!p0 $0xF7A, s2;
	p2 =	seq.s32 @!p0 s5, $0x0  }
0x1f: {  	s9 =	smul.u32 $0xF7A, s1;
	s8 =	simm.s32 @!p0 $0x1BF5;
	p2 =	por !p2, p0  }
0x20: {  	[sflag:s8] =	ssyncset.s32 @!p0 $0xFFFFF086;
	s6 =	sadd.s32 @!p0 s3, s7;
	s7 =	simm.s32 @!p0 $0x108  }
0x21: {  	s3 =	sadd.s32 s3, s9;
	s6 =	sadd.s32 @!p0 $0x88, s6;
	s7 =	simm.s32 @p2 $0x1082  }
0x22: {  	[simem:s7], [sflag:s8] =	dma.local @!p0 [hbm:s6], $0xF7A  }
0x23: {  	s9 =	sor.u32 $0xD0000000, s2;
	s6 =	simm.s32 $0x108;
	_ =	swait.ge @!p0 [sflag:s8], $0x0  }
0x24: {  	s3 =	sadd.s32 $0x88, s3;
	s6 =	simm.s32 @!p1 $0x1082;
	[sflag:s4] =	ssyncset.s32 $0xFFFFF086  }
0x25: {  	[simem:s6], [sflag:s4] =	dma.local [hbm:s3], $0xF7A  }
0x26: {  	[smem:$0x3F9E] =	sst s1;
	(tag) =	ssettag s2;
	_ =	strace s9  }
0x27: {  	s1 =	sld [smem:$0x3FAE]  }
0x28: {  	s2 =	sld [smem:$0x3FAF]  }
0x29: {  	s4 =	sld [smem:$0x3FB1]  }
0x2a: {  	p0 =	seq.s32 s5, $0x0;
	s5 =	sld [smem:$0x3FB2]  }
0x2b: {  	s6 =	sld [smem:$0x3FB3]  }
0x2c: {  	s7 =	sld [smem:$0x3FB4]  }
0x2d: {  	s3 =	simm.s32 $0x108;
	s8 =	sld [smem:$0x3FB5]  }
0x2e: {  	s3 =	simm.s32 @!p0 $0x1082;
	s9 =	sld [smem:$0x3FB6]  }
0x2f: {  	lr =	sadd.s32 s0, s3;
	s0 =	sld [smem:$0x3FAD]  }
0x30: {  	s3 =	sld [smem:$0x3FB0]  }
0x31: {  	[smem:$0x3FB9] =	sst s10  }
0x32: {  	s10 =	sld [smem:$0x3FB7];
	_ =	sdelay $0x3  }
0x33: {  	p0 =	seq.s32 s10, $0x1;
	s10 =	sld [smem:$0x3FB9];
	_ =	sdelay $0x3  }
0x34: {  	[smem:$0x3FB9] =	sst s10  }
0x35: {  	s10 =	sld [smem:$0x3FB8];
	_ =	sdelay $0x3  }
0x36: {  	p1 =	seq.s32 s10, $0x1;
	s10 =	sld [smem:$0x3FB9];
	_ =	sdelay $0x3  }
0x37: {  	[smem:$0x3FB9] =	sst s10  }
0x38: {  	s10 =	sld [smem:$0x3FBA]  }
0x39: {  	_ = 	snop;
	(pc) =	sbr.ind lr, $3  }
0x3a: {  	_ = 	snop  }
0x3b: {  	_ = 	snop  }
0x3c: {  	p2 =	seq.s32 s10, $0x1;
	s10 =	sld [smem:$0x3FB9]  }
0x3d: {  	_ =	shalt  }
0x3e: {  	_ =	shalt  }
0x3f: {  	_ =	shalt  }
0x40: {  	_ =	shalt  }
0x41: {  	_ =	shalt  }
0x42: {  	_ =	shalt  }
0x43: {  	_ =	shalt  }
0x44: {  	_ =	shalt  }
0x45: {  	_ =	shalt  }
0x46: {  	_ =	shalt  }
0x47: {  	_ =	shalt  }
0x48: {  	_ =	shalt  }
0x49: {  	_ =	shalt  }
0x4a: {  	_ =	shalt  }
0x4b: {  	_ =	shalt  }
0x4c: {  	_ =	shalt  }
0x4d: {  	_ =	shalt  }
0x4e: {  	_ =	shalt  }
0x4f: {  	_ =	shalt  }
0x50: {  	_ =	shalt  }
0x51: {  	_ =	shalt  }
0x52: {  	_ =	shalt  }
0x53: {  	_ =	shalt  }
0x54: {  	_ =	shalt  }
0x55: {  	_ =	shalt  }
0x56: {  	_ =	shalt  }
0x57: {  	_ =	shalt  }
0x58: {  	_ =	shalt  }
0x59: {  	_ =	shalt  }
0x5a: {  	_ =	shalt  }
0x5b: {  	_ =	shalt  }
0x5c: {  	_ =	shalt  }
0x5d: {  	_ =	shalt  }
0x5e: {  	_ =	shalt  }
0x5f: {  	_ =	shalt  }
0x60: {  	_ =	shalt  }
0x61: {  	_ =	shalt  }
0x62: {  	_ =	shalt  }
0x63: {  	_ =	shalt  }
0x64: {  	_ =	shalt  }
0x65: {  	_ =	shalt  }
0x66: {  	_ =	shalt  }
0x67: {  	_ =	shalt  }
0x68: {  	_ =	shalt  }
0x69: {  	_ =	shalt  }
0x6a: {  	_ =	shalt  }
0x6b: {  	_ =	shalt  }
0x6c: {  	_ =	shalt  }
0x6d: {  	_ =	shalt  }
0x6e: {  	_ =	shalt  }
0x6f: {  	_ =	shalt  }
0x70: {  	_ =	shalt  }
0x71: {  	_ =	shalt  }
0x72: {  	_ =	shalt  }
0x73: {  	_ =	shalt  }
0x74: {  	_ =	shalt  }
0x75: {  	_ =	shalt  }
0x76: {  	_ =	shalt  }
0x77: {  	_ =	shalt  }
0x78: {  	_ =	shalt  }
0x79: {  	_ =	shalt  }
0x7a: {  	_ =	shalt  }
0x7b: {  	_ =	shalt  }
0x7c: {  	_ =	shalt  }
0x7d: {  	_ =	shalt  }
0x7e: {  	_ =	shalt  }
0x7f: {  	_ =	shalt  }
0x80: {  	_ =	shalt  }
0x81: {  	_ =	shalt  }
0x82: {  	_ =	shalt  }
0x83: {  	_ =	shalt  }
0x84: {  	_ =	shalt  }
0x85: {  	_ =	shalt  }
0x86: {  	_ =	shalt  }
0x87: {  	_ =	shalt  }
.Lfunc_end0:
.L_simem_size_0:
called_computation.3_lowered:
.L_overlay_start_0:
0x88: {  	s2 =	sld [smem:$0x3FD9]  }
0x89: {  	s3 =	sld [smem:$0x3FFE];
	_ =	sdelay $0x1  }
0x8a: {  	s1 =	srdreg.scid  }
0x8b: {  	s0 =	sand.u32 $0x1, s1  }
0x8c: {  	s17 =	sshll.u32 s0, $0xA;
	s2 =	sadd.s32 s3, s2  }
0x8d: {  	s2 =	sadd.s32 s2, s17  }
0x8e: {  	[smem:$0x3FC5] =	sst s2  }
0x8f: {  	_ = 	snop  }
0x90: {  	(tm) =	ssettm $0x1  }
0x91: {  	s18 =	sld [smem:$0x3FFB];
	_ =	sdelay $0x3  }
0x92: {  	_ =	strace s18  }
0x93: {  	s2 =	sld [smem:$0x3FFC];
	_ =	sdelay $0x3  }
0x94: {  	_ =	strace s2  }
0x95: {  	s2 =	sld [smem:$0x3FFD];
	_ =	sdelay $0x3  }
0x96: {  	_ =	strace s2  }
0x97: {  	_ =	strace $0x8FFFFFFF  }
0x98: {  	s19 =	sld [smem:$0x3FDB];
	_ =	sdelay $0x1  }
0x99: {  	s20 =	simm.s32 $_scs_section_size  }
0x9a: {  	s4 =	simm.s32 $_size__tile_overlayer_lowered;
	s5 =	simm.s32 $_tile_overlayer_lowered  }
0x9b: {  	s6 =	simm.s32 $0x1BFF;
	s21 =	sshll.u32 s5, $0x1;
	s3 =	sadd.s32 s20, s19  }
0x9c: {  	s22 =	simm.s32 $0x0;
	s4 =	sshll.u32 s4, $0x1;
	s5 =	sadd.s32 s21, s3  }
0x9d: {  	[timem:s22], [sflag:s6] =	dma.local [hbm:s5], s4  }
0x9e: {  	_ =	swait.ge [sflag:s6], s4  }
0x9f: {  	s4 =	ssub.s32 $0x0, s4;
	[sflag:s6] =	ssyncset.done $0x0  }
0xa0: {  	[sflag:s6] =	ssyncadd.s32 s4;
	_ =	sdelay $0x1  }
0xa1: {  	s23 =	simm.s32 $0x1B8B  }
0xa2: {  	_ =	swait.ge [sflag:s23], $0x1  }
0xa3: {  	[sflag:s23] =	ssyncset.done $0x0  }
0xa4: {  	[sflag:s23] =	ssyncadd.s32 $0xFFFFFFFF  }
0xa5: {  	s4 =	sld [smem:$0x0]  }
0xa6: {  	s5 =	sand.u32 $0xFFFFFFFE, s1  }
0xa7: {  	p0 =	sne.s32 s1, s5  }
0xa8: {  	s5 =	sshll.u32 @p0 s5, $0xE  }
0xa9: {  	s5 =	sadd.s32 @p0 $0x11B8D, s5;
	s6 =	sshll.u32 @p0 s4, $0x11  }
0xaa: {  	s5 =	sor.u32 @p0 s6, s5  }
0xab: {  	[sflag:s5] =	ssyncadd.remote.s32 @p0 $0x1;
	_ =	sdelay $0x1  }
0xac: {  	s5 =	simm.s32 @p0 $0x1B8D  }
0xad: {  	_ =	swait.eq @p0 [sflag:s5], $0x1  }
0xae: {  	[sflag:s5] =	ssyncadd.s32 @p0 $0xFFFFFFFF  }
0xaf: {  	s6 =	sshll.u32 @!p0 s1, $0xE  }
0xb0: {  	s6 =	sor.u32 @!p0 $0x4000, s6;
	s5 =	simm.s32 @!p0 $0x1B8D  }
0xb1: {  	s4 =	sshll.u32 @!p0 s4, $0x11;
	s6 =	sadd.s32 @!p0 $0x11B8D, s6;
	_ =	swait.eq @!p0 [sflag:s5], $0x1  }
0xb2: {  	s4 =	sor.u32 @!p0 s4, s6;
	[sflag:s5] =	ssyncadd.s32 @!p0 $0xFFFFFFFF  }
0xb3: {  	s25 =	simm.s32 $0x1B8E;
	s24 =	sld [smem:$0x3FFE];
	[sflag:s4] =	ssyncadd.remote.s32 @!p0 $0x1  }
0xb4: {  	s26 =	simm.s32 $execute0_lowered;
	[smem:$0x3FD2] =	sst s25  }
0xb5: {  	s5 =	sshll.u32 s26, $0x1;
	_ =	strace $0x8000004F;
	[dreg:$0x1] =	wrdreg $0xFFFFFFFF  }
0xb6: {  	s28 =	simm.s32 $_size_execute0_lowered;
	s3 =	sadd.s32 s3, s5;
	[dreg:$0x0] =	wrdreg $0x0  }
0xb7: {  	s5 =	sshll.u32 s28, $0x1;
	[dreg:$0x2] =	wrdreg s3  }
0xb8: {  	[dreg:$0x3] =	wrdreg s5  }
0xb9: {  	[dreg:$0x4] =	wrdreg $0xC0  }
0xba: {  	_ =	task [dreg:s22], $0x5FFFF  }
0xbb: {  	[dreg:$0x1] =	wrdreg $0xFFFFFFFF  }
0xbc: {  	[dreg:$0x0] =	wrdreg $0x60  }
0xbd: {  	[dreg:$0x2] =	wrdreg s24  }
0xbe: {  	[dreg:$0x3] =	wrdreg $0xC  }
0xbf: {  	_ =	task.clear_ibuf [dreg:s22], $0x4FFFF;
	_ =	strace $0x9000004F  }
0xc0: {  	s29 =	simm.s32 $0xC;
	_ =	strace $0x80000051  }
0xc1: {  	_ =	swait.ge [sflag:s29], $0x1  }
0xc2: {  	[sflag:s29] =	ssyncadd.s32 $0xFFFFFFFF  }
0xc3: {  	_ =	strace $0x90000051  }
0xc4: {  	_ =	sfence  }
0xc5: {  	s30 =	sld [smem:$0x0];
	_ =	sdelay $0x2  }
0xc6: {  	s31 =	sshll.u32 s1, $0xD;
	s1 =	sshrl.u32 s1, $0x2  }
0xc7: {  	s4 =	sand.u32 $0x4000, s31;
	s1 =	sadd.s32 s1, s30  }
0xc8: {  	s0 =	sor.u32 s4, s0;
	s1 =	sshll.u32 s1, $0x11  }
0xc9: {  	s0 =	sor.u32 s1, s0  }
0xca: {  	s0 =	sadd.s32 $0x8F2B, s0  }
0xcb: {  	[sflag:s0] =	ssyncadd.remote.s32 $0x1  }
0xcc: {  	_ =	sfence.sel $0xFFFF  }
0xcd: {  	[dreg:$0x0] =	wrdreg $0xFFFFFFFF;
	(pc) =	sbr.abs _section_cstart, $3  }
0xce: {  	[dreg:$0x1] =	wrdreg $0xFFFFFFFF  }
0xcf: {  	_ =	task.clear_ibuf [dreg:s22], $0x2FFFF;
	_ =	strace $0x9FFFFFFF  }
0xd0: {  	(tm) =	ssettm $0x7FFFFFFF  }
0xd1: {  	_ =	shalt  }
tec
execute0_lowered:
.L_overlay_start_1:
0x0: {  	(tag) =	ssettag $0x1  }
0x1: {  	s4 =	rddreg [dreg:$0x0]  }
0x2: {  	s0 =	rddreg [dreg:$0x1]  }
0x3: {  	s1 =	stileid.u32;
	s2 =	simm.s32 $0x0;
	s5 =	srdreg.scid  }
0x4: {  	s10 =	simm.s32 $0x1400;
	s11 =	simm.s32 $0x100;
	s12 =	simm.s32 $0x2400  }
0x5: {  	s13 =	simm.s32 $0x180;
	s14 =	simm.s32 $0x3400;
	s15 =	simm.s32 $0x200  }
0x6: {  	s16 =	simm.s32 $0x4400;
	s17 =	simm.s32 $0x280;
	s18 =	simm.s32 $0x5400  }
0x7: {  	s19 =	simm.s32 $0x300;
	s20 =	simm.s32 $0x6400;
	s21 =	simm.s32 $0x380  }
0x8: {  	s22 =	simm.s32 $0x7400;
	s23 =	simm.s32 $0x1;
	s3 =	smul.u32 $0x700, s1  }
0x9: {  	[smem:$0x7FF] =	sst s2;
	s6 =	smul.u32 $0xE000, s1;
	s5 =	sand.u32 $0x1, s5  }
0xa: {  	s24 =	simm.s32 $0x0;
	_ =	strace $0x80000050;
	s7 =	smul.u32 $0x7000, s5  }
0xb: {  	s9 =	ssub.s32 $0x2, s5;
	s5 =	smul.u32 $0x380, s5;
	s8 =	sadd.s32 s3, s4  }
0xc: {  	s3 =	sadd.s32 $0x1C000, s4;
	s4 =	sadd.s32 s6, s4;
	s31 =	sshrl.u32 s9, $0x1  }
0xd: {  	s6 =	ssub.s32 s9, s31;
	s7 =	sadd.s32 s7, s4;
	s8 =	sadd.s32 s5, s8  }
0xe: {  	s9 =	simm.s32 $0x400;
	s4 =	smax.u32 s6, $0x1;
	s5 =	sadd.s32 $0x4F4000, s7  }
0xf: {  	s6 =	sadd.s32 $0xA000, s8;
	s7 =	simm.s32 $0x2;
	s8 =	simm.s32 $0x80  }
.LBB2_1:
0x10: {  	s25 =	sadd.s32 $0x0, s6  }
0x11: {  	[tilespmem:s2], [sflag:$0x2] =	stream.linear.gather [hbm4b:s25+s2], $0x400, $0x38;
	[tilespmem:$0x8400] =	vst v63  }
0x12: {  	_ =	swait.ge [sflag:s7], $0x400  }
0x13: {  	[sflag:s7] =	ssyncset.done $0x0  }
0x14: {  	[sflag:s7] =	ssyncadd.s32 $0xFFFFFC00  }
0x15: {  	[tilespmem:s9], [sflag:$0x1] =	stream.indirect.gather [hbm4b:s3+s8], $0x20, s2, s8, $0xb8;
	[tilespmem:$0x8400] =	vst v63  }
0x16: {  	_ = 	snop  }
0x17: {  	[tilespmem:s10], [sflag:$0x1] =	stream.indirect.gather [hbm4b:s3+s8], $0x20, s8, s8, $0xb8;
	[tilespmem:$0x8400] =	vst v63  }
0x18: {  	_ = 	snop  }
0x19: {  	[tilespmem:s12], [sflag:$0x1] =	stream.indirect.gather [hbm4b:s3+s8], $0x20, s11, s8, $0xb8;
	[tilespmem:$0x8400] =	vst v63  }
0x1a: {  	_ = 	snop  }
0x1b: {  	[tilespmem:s14], [sflag:$0x1] =	stream.indirect.gather [hbm4b:s3+s8], $0x20, s13, s8, $0xb8;
	[tilespmem:$0x8400] =	vst v63  }
0x1c: {  	_ = 	snop  }
0x1d: {  	[tilespmem:s16], [sflag:$0x1] =	stream.indirect.gather [hbm4b:s3+s8], $0x20, s15, s8, $0xb8;
	[tilespmem:$0x8400] =	vst v63  }
0x1e: {  	_ = 	snop  }
0x1f: {  	[tilespmem:s18], [sflag:$0x1] =	stream.indirect.gather [hbm4b:s3+s8], $0x20, s17, s8, $0xb8;
	[tilespmem:$0x8400] =	vst v63  }
0x20: {  	_ = 	snop  }
0x21: {  	[tilespmem:s20], [sflag:$0x1] =	stream.indirect.gather [hbm4b:s3+s8], $0x20, s19, s8, $0xb8;
	[tilespmem:$0x8400] =	vst v63  }
0x22: {  	_ = 	snop  }
0x23: {  	[tilespmem:s22], [sflag:$0x1] =	stream.indirect.gather [hbm4b:s3+s8], $0x20, s21, s8, $0xb8;
	[tilespmem:$0x8400] =	vst v63  }
0x24: {  	_ =	swait.ge [sflag:s23], $0x1000  }
0x25: {  	[sflag:s23] =	ssyncset.done $0x0  }
0x26: {  	[sflag:s23] =	ssyncadd.s32 $0xFFFFF000  }
0x27: {  	_ =	swait.ge [sflag:s23], $0x1000  }
0x28: {  	[sflag:s23] =	ssyncset.done $0x0  }
0x29: {  	[sflag:s23] =	ssyncadd.s32 $0xFFFFF000  }
0x2a: {  	_ =	swait.ge [sflag:s23], $0x1000  }
0x2b: {  	[sflag:s23] =	ssyncset.done $0x0  }
0x2c: {  	[sflag:s23] =	ssyncadd.s32 $0xFFFFF000  }
0x2d: {  	_ =	swait.ge [sflag:s23], $0x1000  }
0x2e: {  	[sflag:s23] =	ssyncset.done $0x0  }
0x2f: {  	[sflag:s23] =	ssyncadd.s32 $0xFFFFF000  }
0x30: {  	_ =	swait.ge [sflag:s23], $0x1000  }
0x31: {  	[sflag:s23] =	ssyncset.done $0x0  }
0x32: {  	[sflag:s23] =	ssyncadd.s32 $0xFFFFF000  }
0x33: {  	_ =	swait.ge [sflag:s23], $0x1000  }
0x34: {  	[sflag:s23] =	ssyncset.done $0x0  }
0x35: {  	[sflag:s23] =	ssyncadd.s32 $0xFFFFF000  }
0x36: {  	_ =	swait.ge [sflag:s23], $0x1000  }
0x37: {  	[sflag:s23] =	ssyncset.done $0x0  }
0x38: {  	[sflag:s23] =	ssyncadd.s32 $0xFFFFF000  }
0x39: {  	_ =	swait.ge [sflag:s23], $0x1000  }
0x3a: {  	[sflag:s23] =	ssyncset.done $0x0  }
0x3b: {  	[sflag:s23] =	ssyncadd.s32 $0xFFFFF000  }
0x3c: {  	[hbm4b:s5+s2] =	stream.linear.scatter [tilespmem:s9], [sflag:$0x2], $0x8000, $0x38;
	[tilespmem:$0x8400] =	vst v63  }
0x3d: {  	s26 =	simm.s32 $0x80;
	_ =	swait.ge [sflag:s7], $0x8000  }
0x3e: {  	s29 =	simm.s32 $0x100;
	s25 =	sadd.s32 $0x1000, s5;
	[sflag:s7] =	ssyncset.done $0x0  }
.LBB2_2:
0x3f: {  	s30 =	sadd.s32 s26, s6  }
0x40: {  	[sflag:s7] =	ssyncadd.s32 $0xFFFF8000;
	s26 =	smov.u32 s29;
	s28 =	sadd.s32 $0x80, s29  }
0x41: {  	[tilespmem:s2], [sflag:$0x2] =	stream.linear.gather [hbm4b:s30+s2], $0x400, $0x38;
	[tilespmem:$0x8400] =	vst v63  }
0x42: {  	p0 =	sne.s32 s29, $0x300;
	_ =	swait.ge [sflag:s7], $0x400  }
0x43: {  	[sflag:s7] =	ssyncset.done $0x0  }
0x44: {  	[sflag:s7] =	ssyncadd.s32 $0xFFFFFC00  }
0x45: {  	[tilespmem:s9], [sflag:$0x1] =	stream.indirect.gather [hbm4b:s3+s8], $0x20, s2, s8, $0xb8;
	[tilespmem:$0x8400] =	vst v63  }
0x46: {  	_ = 	snop  }
0x47: {  	[tilespmem:s10], [sflag:$0x1] =	stream.indirect.gather [hbm4b:s3+s8], $0x20, s8, s8, $0xb8;
	[tilespmem:$0x8400] =	vst v63  }
0x48: {  	_ = 	snop  }
0x49: {  	[tilespmem:s12], [sflag:$0x1] =	stream.indirect.gather [hbm4b:s3+s8], $0x20, s11, s8, $0xb8;
	[tilespmem:$0x8400] =	vst v63  }
0x4a: {  	_ = 	snop  }
0x4b: {  	[tilespmem:s14], [sflag:$0x1] =	stream.indirect.gather [hbm4b:s3+s8], $0x20, s13, s8, $0xb8;
	[tilespmem:$0x8400] =	vst v63  }
0x4c: {  	_ = 	snop  }
0x4d: {  	[tilespmem:s16], [sflag:$0x1] =	stream.indirect.gather [hbm4b:s3+s8], $0x20, s15, s8, $0xb8;
	[tilespmem:$0x8400] =	vst v63  }
0x4e: {  	_ = 	snop  }
0x4f: {  	[tilespmem:s18], [sflag:$0x1] =	stream.indirect.gather [hbm4b:s3+s8], $0x20, s17, s8, $0xb8;
	[tilespmem:$0x8400] =	vst v63  }
0x50: {  	_ = 	snop  }
0x51: {  	[tilespmem:s20], [sflag:$0x1] =	stream.indirect.gather [hbm4b:s3+s8], $0x20, s19, s8, $0xb8;
	[tilespmem:$0x8400] =	vst v63  }
0x52: {  	_ = 	snop  }
0x53: {  	[tilespmem:s22], [sflag:$0x1] =	stream.indirect.gather [hbm4b:s3+s8], $0x20, s21, s8, $0xb8;
	[tilespmem:$0x8400] =	vst v63  }
0x54: {  	_ =	swait.ge [sflag:s23], $0x1000  }
0x55: {  	[sflag:s23] =	ssyncset.done $0x0  }
0x56: {  	[sflag:s23] =	ssyncadd.s32 $0xFFFFF000  }
0x57: {  	_ =	swait.ge [sflag:s23], $0x1000  }
0x58: {  	[sflag:s23] =	ssyncset.done $0x0  }
0x59: {  	[sflag:s23] =	ssyncadd.s32 $0xFFFFF000  }
0x5a: {  	_ =	swait.ge [sflag:s23], $0x1000  }
0x5b: {  	[sflag:s23] =	ssyncset.done $0x0  }
0x5c: {  	[sflag:s23] =	ssyncadd.s32 $0xFFFFF000  }
0x5d: {  	_ =	swait.ge [sflag:s23], $0x1000  }
0x5e: {  	[sflag:s23] =	ssyncset.done $0x0  }
0x5f: {  	[sflag:s23] =	ssyncadd.s32 $0xFFFFF000  }
0x60: {  	_ =	swait.ge [sflag:s23], $0x1000  }
0x61: {  	[sflag:s23] =	ssyncset.done $0x0  }
0x62: {  	[sflag:s23] =	ssyncadd.s32 $0xFFFFF000  }
0x63: {  	_ =	swait.ge [sflag:s23], $0x1000  }
0x64: {  	[sflag:s23] =	ssyncset.done $0x0  }
0x65: {  	[sflag:s23] =	ssyncadd.s32 $0xFFFFF000  }
0x66: {  	_ =	swait.ge [sflag:s23], $0x1000  }
0x67: {  	[sflag:s23] =	ssyncset.done $0x0  }
0x68: {  	[sflag:s23] =	ssyncadd.s32 $0xFFFFF000  }
0x69: {  	_ =	swait.ge [sflag:s23], $0x1000  }
.Ltmp0:
0x6a: {  	[sflag:s23] =	ssyncset.done $0x0;
	(pc) =	sbr.rel @p0 .LBB2_2-.Ltmp0, $4  }
0x6b: {  	[sflag:s23] =	ssyncadd.s32 $0xFFFFF000  }
0x6c: {  	[hbm4b:s25+s2] =	stream.linear.scatter [tilespmem:s9], [sflag:$0x2], $0x8000, $0x38;
	[tilespmem:$0x8400] =	vst v63  }
0x6d: {  	_ =	swait.ge [sflag:s7], $0x8000  }
0x6e: {  	s29 =	smov.u32 s28;
	s25 =	sadd.s32 $0x1000, s25;
	[sflag:s7] =	ssyncset.done $0x0  }
0x6f: {  	s26 =	sadd.s32 s26, s6;
	[sflag:s7] =	ssyncadd.s32 $0xFFFF8000  }
0x70: {  	[tilespmem:s2], [sflag:$0x2] =	stream.linear.gather [hbm4b:s26+s2], $0x400, $0x38;
	[tilespmem:$0x8400] =	vst v63  }
0x71: {  	_ =	swait.ge [sflag:s7], $0x400  }
0x72: {  	[sflag:s7] =	ssyncset.done $0x0  }
0x73: {  	[sflag:s7] =	ssyncadd.s32 $0xFFFFFC00  }
0x74: {  	[tilespmem:s9], [sflag:$0x1] =	stream.indirect.gather [hbm4b:s3+s8], $0x20, s2, s8, $0xb8;
	[tilespmem:$0x8400] =	vst v63  }
0x75: {  	_ = 	snop  }
0x76: {  	[tilespmem:s10], [sflag:$0x1] =	stream.indirect.gather [hbm4b:s3+s8], $0x20, s8, s8, $0xb8;
	[tilespmem:$0x8400] =	vst v63  }
0x77: {  	_ = 	snop  }
0x78: {  	[tilespmem:s12], [sflag:$0x1] =	stream.indirect.gather [hbm4b:s3+s8], $0x20, s11, s8, $0xb8;
	[tilespmem:$0x8400] =	vst v63  }
0x79: {  	_ = 	snop  }
0x7a: {  	[tilespmem:s14], [sflag:$0x1] =	stream.indirect.gather [hbm4b:s3+s8], $0x20, s13, s8, $0xb8;
	[tilespmem:$0x8400] =	vst v63  }
0x7b: {  	_ = 	snop  }
0x7c: {  	[tilespmem:s16], [sflag:$0x1] =	stream.indirect.gather [hbm4b:s3+s8], $0x20, s15, s8, $0xb8;
	[tilespmem:$0x8400] =	vst v63  }
0x7d: {  	_ = 	snop  }
0x7e: {  	[tilespmem:s18], [sflag:$0x1] =	stream.indirect.gather [hbm4b:s3+s8], $0x20, s17, s8, $0xb8;
	[tilespmem:$0x8400] =	vst v63  }
0x7f: {  	_ = 	snop  }
0x80: {  	[tilespmem:s20], [sflag:$0x1] =	stream.indirect.gather [hbm4b:s3+s8], $0x20, s19, s8, $0xb8;
	[tilespmem:$0x8400] =	vst v63  }
0x81: {  	_ = 	snop  }
0x82: {  	[tilespmem:s22], [sflag:$0x1] =	stream.indirect.gather [hbm4b:s3+s8], $0x20, s21, s8, $0xb8;
	[tilespmem:$0x8400] =	vst v63  }
0x83: {  	_ =	swait.ge [sflag:s23], $0x1000  }
0x84: {  	[sflag:s23] =	ssyncset.done $0x0  }
0x85: {  	[sflag:s23] =	ssyncadd.s32 $0xFFFFF000  }
0x86: {  	_ =	swait.ge [sflag:s23], $0x1000  }
0x87: {  	[sflag:s23] =	ssyncset.done $0x0  }
0x88: {  	[sflag:s23] =	ssyncadd.s32 $0xFFFFF000  }
0x89: {  	_ =	swait.ge [sflag:s23], $0x1000  }
0x8a: {  	[sflag:s23] =	ssyncset.done $0x0  }
0x8b: {  	[sflag:s23] =	ssyncadd.s32 $0xFFFFF000  }
0x8c: {  	_ =	swait.ge [sflag:s23], $0x1000  }
0x8d: {  	[sflag:s23] =	ssyncset.done $0x0  }
0x8e: {  	[sflag:s23] =	ssyncadd.s32 $0xFFFFF000  }
0x8f: {  	_ =	swait.ge [sflag:s23], $0x1000  }
0x90: {  	[sflag:s23] =	ssyncset.done $0x0  }
0x91: {  	[sflag:s23] =	ssyncadd.s32 $0xFFFFF000  }
0x92: {  	_ =	swait.ge [sflag:s23], $0x1000  }
0x93: {  	[sflag:s23] =	ssyncset.done $0x0  }
0x94: {  	[sflag:s23] =	ssyncadd.s32 $0xFFFFF000  }
0x95: {  	_ =	swait.ge [sflag:s23], $0x1000  }
0x96: {  	[sflag:s23] =	ssyncset.done $0x0  }
0x97: {  	[sflag:s23] =	ssyncadd.s32 $0xFFFFF000  }
0x98: {  	s24 =	sadd.s32 $0x1, s24;
	_ =	swait.ge [sflag:s23], $0x1000  }
0x99: {  	p0 =	sne.s32 s24, s4;
	[sflag:s23] =	ssyncset.done $0x0  }
.Ltmp1:
0x9a: {  	[sflag:s23] =	ssyncadd.s32 $0xFFFFF000;
	(pc) =	sbr.rel @p0 .LBB2_1-.Ltmp1, $4  }
0x9b: {  	[hbm4b:s25+s2] =	stream.linear.scatter [tilespmem:s9], [sflag:$0x2], $0x8000, $0x38;
	[tilespmem:$0x8400] =	vst v63  }
0x9c: {  	_ =	swait.ge [sflag:s7], $0x8000  }
0x9d: {  	[sflag:s7] =	ssyncset.done $0x0  }
0x9e: {  	[sflag:s7] =	ssyncadd.s32 $0xFFFF8000  }
0x9f: {  	_ =	sfence.sel $0x180000  }
0xa0: {  	[bflag:$0x0] =	sbarrier.arrive $0xFFFF  }
0xa1: {  	p0 =	sne.s32 s1, $0x0;
	_ =	strace $0x90000050  }
0xa2: {  	s0 =	sadd.s32 @!p0 $0x100000, s0;
	[bflag:$0x2] =	sbarrier.arrive $0xFFFF  }
0xa3: {  	[sflag:s0] =	ssyncadd.tile.s32 @!p0 $0x1;
	_ =	shalt  }
.Lfunc_end2:
_tile_overlayer_lowered:
.L_overlay_start_2:
0xa4: {  	(tag) =	ssettag $0x2  }
0xa5: {  	s0 =	rddreg [dreg:$0x0];
	s2 =	stileid.u32  }
0xa6: {  	s1 =	rddreg [dreg:$0x1];
	p0 =	sne.s32 s2, $0x0  }
0xa7: {  	s3 =	rddreg [dreg:$0x2];
	[bflag:$0x3] =	sbarrier.arrive $0xFFFF;
	s2 =	simm.s32 @!p0 $0x1C02  }
0xa8: {  	[timem:s3], [sflag:s2] =	dma.local @!p0 [hbm:s0], s1  }
0xa9: {  	s0 =	simm.s32 @!p0 $0x2  }
0xaa: {  	_ =	swait.ge @!p0 [sflag:s0], s1  }
0xab: {  	s1 =	ssub.s32 @!p0 $0x0, s1;
	[sflag:s0] =	ssyncset.done @!p0 $0x0  }
0xac: {  	[sflag:s0] =	ssyncadd.s32 @!p0 s1  }
0xad: {  	[bflag:$0x3] =	sbarrier.arrive $0xFFFF  }
0xae: {  	_ =	shalt  }

// kernel: kernel.25.cloned.1.call-start
scs
__scs_entry_jumppad:
0x0: {  	(pc) =	sbr.rel $0x88, $3  }
0x1: {  	(tag) =	ssettag $0x0;
	lr =	simm.s32 $0x1  }
0x2: {  	[smem:$0x3F9E] =	sst lr;
	_ =	strace $0xD0000000  }
0x3: {  	_ = 	snop  }
0x4: {  	_ = 	snop  }
0x5: {  	_ = 	snop  }
0x6: {  	_ = 	snop  }
0x7: {  	_ = 	snop  }
__scs_overlays_trampoline_lowered:
0x8: {  	[smem:$0x3FAD] =	sst s0  }
0x9: {  	[smem:$0x3FAE] =	sst s1  }
0xa: {  	[smem:$0x3FAF] =	sst s2  }
0xb: {  	[smem:$0x3FB0] =	sst s3  }
0xc: {  	[smem:$0x3FB1] =	sst s4  }
0xd: {  	[smem:$0x3FB2] =	sst s5  }
0xe: {  	[smem:$0x3FB3] =	sst s6  }
0xf: {  	[smem:$0x3FB4] =	sst s7  }
0x10: {  	[smem:$0x3FB5] =	sst s8  }
0x11: {  	[smem:$0x3FB6] =	sst s9;
	s0 =	simm.s32 @!p0 $0x0  }
0x12: {  	s1 =	sld [smem:$0x3F9C];
	s0 =	simm.s32 @p0 $0x1  }
0x13: {  	[smem:$0x3FB7] =	sst s0;
	s0 =	simm.s32 @!p1 $0x0  }
0x14: {  	s2 =	sld [smem:$0x3F9B];
	s0 =	simm.s32 @p1 $0x1  }
0x15: {  	[smem:$0x3FB8] =	sst s0;
	s0 =	simm.s32 @!p2 $0x0  }
0x16: {  	s3 =	sld [smem:$0x3FDB];
	s0 =	simm.s32 @p2 $0x1  }
0x17: {  	s4 =	simm.s32 $0x1BF5;
	[smem:$0x3FBA] =	sst s0  }
0x18: {  	s0 =	sld [smem:$0x3F9D];
	_ =	swait.ge [sflag:s4], $0x0  }
0x19: {  	s7 =	sld [smem:$0x3F9E]  }
0x1a: {  	s8 =	sadd.s32 $0xFFFFE003, lr  }
0x1b: {  	s9 =	sadd.s32 $0xFFFFFEF7, lr;
	s5 =	simm.s32 $0xFFFFFFFF;
	p2 =	slt.u32 s8, $0xFFFFF086  }
0x1c: {  	p1 =	slt.u32 s9, $0xF7A;
	s5 =	simm.s32 @!p2 $0x0  }
0x1d: {  	s5 =	simm.s32 @p1 $0x1;
	p0 =	seq.s32 s7, s2  }
0x1e: {  	s7 =	smul.u32 @!p0 $0xF7A, s2;
	p2 =	seq.s32 @!p0 s5, $0x0  }
0x1f: {  	s9 =	smul.u32 $0xF7A, s1;
	s8 =	simm.s32 @!p0 $0x1BF5;
	p2 =	por !p2, p0  }
0x20: {  	[sflag:s8] =	ssyncset.s32 @!p0 $0xFFFFF086;
	s6 =	sadd.s32 @!p0 s3, s7;
	s7 =	simm.s32 @!p0 $0x108  }
0x21: {  	s3 =	sadd.s32 s3, s9;
	s6 =	sadd.s32 @!p0 $0x88, s6;
	s7 =	simm.s32 @p2 $0x1082  }
0x22: {  	[simem:s7], [sflag:s8] =	dma.local @!p0 [hbm:s6], $0xF7A  }
0x23: {  	s9 =	sor.u32 $0xD0000000, s2;
	s6 =	simm.s32 $0x108;
	_ =	swait.ge @!p0 [sflag:s8], $0x0  }
0x24: {  	s3 =	sadd.s32 $0x88, s3;
	s6 =	simm.s32 @!p1 $0x1082;
	[sflag:s4] =	ssyncset.s32 $0xFFFFF086  }
0x25: {  	[simem:s6], [sflag:s4] =	dma.local [hbm:s3], $0xF7A  }
0x26: {  	[smem:$0x3F9E] =	sst s1;
	(tag) =	ssettag s2;
	_ =	strace s9  }
0x27: {  	s1 =	sld [smem:$0x3FAE]  }
0x28: {  	s2 =	sld [smem:$0x3FAF]  }
0x29: {  	s4 =	sld [smem:$0x3FB1]  }
0x2a: {  	p0 =	seq.s32 s5, $0x0;
	s5 =	sld [smem:$0x3FB2]  }
0x2b: {  	s6 =	sld [smem:$0x3FB3]  }
0x2c: {  	s7 =	sld [smem:$0x3FB4]  }
0x2d: {  	s3 =	simm.s32 $0x108;
	s8 =	sld [smem:$0x3FB5]  }
0x2e: {  	s3 =	simm.s32 @!p0 $0x1082;
	s9 =	sld [smem:$0x3FB6]  }
0x2f: {  	lr =	sadd.s32 s0, s3;
	s0 =	sld [smem:$0x3FAD]  }
0x30: {  	s3 =	sld [smem:$0x3FB0]  }
0x31: {  	[smem:$0x3FB9] =	sst s10  }
0x32: {  	s10 =	sld [smem:$0x3FB7];
	_ =	sdelay $0x3  }
0x33: {  	p0 =	seq.s32 s10, $0x1;
	s10 =	sld [smem:$0x3FB9];
	_ =	sdelay $0x3  }
0x34: {  	[smem:$0x3FB9] =	sst s10  }
0x35: {  	s10 =	sld [smem:$0x3FB8];
	_ =	sdelay $0x3  }
0x36: {  	p1 =	seq.s32 s10, $0x1;
	s10 =	sld [smem:$0x3FB9];
	_ =	sdelay $0x3  }
0x37: {  	[smem:$0x3FB9] =	sst s10  }
0x38: {  	s10 =	sld [smem:$0x3FBA]  }
0x39: {  	_ = 	snop;
	(pc) =	sbr.ind lr, $3  }
0x3a: {  	_ = 	snop  }
0x3b: {  	_ = 	snop  }
0x3c: {  	p2 =	seq.s32 s10, $0x1;
	s10 =	sld [smem:$0x3FB9]  }
0x3d: {  	_ =	shalt  }
0x3e: {  	_ =	shalt  }
0x3f: {  	_ =	shalt  }
0x40: {  	_ =	shalt  }
0x41: {  	_ =	shalt  }
0x42: {  	_ =	shalt  }
0x43: {  	_ =	shalt  }
0x44: {  	_ =	shalt  }
0x45: {  	_ =	shalt  }
0x46: {  	_ =	shalt  }
0x47: {  	_ =	shalt  }
0x48: {  	_ =	shalt  }
0x49: {  	_ =	shalt  }
0x4a: {  	_ =	shalt  }
0x4b: {  	_ =	shalt  }
0x4c: {  	_ =	shalt  }
0x4d: {  	_ =	shalt  }
0x4e: {  	_ =	shalt  }
0x4f: {  	_ =	shalt  }
0x50: {  	_ =	shalt  }
0x51: {  	_ =	shalt  }
0x52: {  	_ =	shalt  }
0x53: {  	_ =	shalt  }
0x54: {  	_ =	shalt  }
0x55: {  	_ =	shalt  }
0x56: {  	_ =	shalt  }
0x57: {  	_ =	shalt  }
0x58: {  	_ =	shalt  }
0x59: {  	_ =	shalt  }
0x5a: {  	_ =	shalt  }
0x5b: {  	_ =	shalt  }
0x5c: {  	_ =	shalt  }
0x5d: {  	_ =	shalt  }
0x5e: {  	_ =	shalt  }
0x5f: {  	_ =	shalt  }
0x60: {  	_ =	shalt  }
0x61: {  	_ =	shalt  }
0x62: {  	_ =	shalt  }
0x63: {  	_ =	shalt  }
0x64: {  	_ =	shalt  }
0x65: {  	_ =	shalt  }
0x66: {  	_ =	shalt  }
0x67: {  	_ =	shalt  }
0x68: {  	_ =	shalt  }
0x69: {  	_ =	shalt  }
0x6a: {  	_ =	shalt  }
0x6b: {  	_ =	shalt  }
0x6c: {  	_ =	shalt  }
0x6d: {  	_ =	shalt  }
0x6e: {  	_ =	shalt  }
0x6f: {  	_ =	shalt  }
0x70: {  	_ =	shalt  }
0x71: {  	_ =	shalt  }
0x72: {  	_ =	shalt  }
0x73: {  	_ =	shalt  }
0x74: {  	_ =	shalt  }
0x75: {  	_ =	shalt  }
0x76: {  	_ =	shalt  }
0x77: {  	_ =	shalt  }
0x78: {  	_ =	shalt  }
0x79: {  	_ =	shalt  }
0x7a: {  	_ =	shalt  }
0x7b: {  	_ =	shalt  }
0x7c: {  	_ =	shalt  }
0x7d: {  	_ =	shalt  }
0x7e: {  	_ =	shalt  }
0x7f: {  	_ =	shalt  }
0x80: {  	_ =	shalt  }
0x81: {  	_ =	shalt  }
0x82: {  	_ =	shalt  }
0x83: {  	_ =	shalt  }
0x84: {  	_ =	shalt  }
0x85: {  	_ =	shalt  }
0x86: {  	_ =	shalt  }
0x87: {  	_ =	shalt  }
.Lfunc_end0:
.L_simem_size_0:
called_computation.4_lowered:
.L_overlay_start_0:
0x88: {  	s2 =	sld [smem:$0x3FD9]  }
0x89: {  	s3 =	sld [smem:$0x3FFE];
	_ =	sdelay $0x1  }
0x8a: {  	s1 =	srdreg.scid  }
0x8b: {  	s0 =	sand.u32 $0x1, s1  }
0x8c: {  	s17 =	sshll.u32 s0, $0xA;
	s2 =	sadd.s32 s3, s2  }
0x8d: {  	s2 =	sadd.s32 s2, s17  }
0x8e: {  	[smem:$0x3FC5] =	sst s2  }
0x8f: {  	_ = 	snop  }
0x90: {  	(tm) =	ssettm $0x1  }
0x91: {  	s18 =	sld [smem:$0x3FFB];
	_ =	sdelay $0x3  }
0x92: {  	_ =	strace s18  }
0x93: {  	s2 =	sld [smem:$0x3FFC];
	_ =	sdelay $0x3  }
0x94: {  	_ =	strace s2  }
0x95: {  	s2 =	sld [smem:$0x3FFD];
	_ =	sdelay $0x3  }
0x96: {  	_ =	strace s2  }
0x97: {  	_ =	strace $0x8FFFFFFF  }
0x98: {  	s19 =	sld [smem:$0x3FDB];
	_ =	sdelay $0x1  }
0x99: {  	s20 =	simm.s32 $_scs_section_size  }
0x9a: {  	s4 =	simm.s32 $_size__tile_overlayer_lowered;
	s5 =	simm.s32 $_tile_overlayer_lowered  }
0x9b: {  	s6 =	simm.s32 $0x1BFF;
	s21 =	sshll.u32 s5, $0x1;
	s3 =	sadd.s32 s20, s19  }
0x9c: {  	s22 =	simm.s32 $0x0;
	s4 =	sshll.u32 s4, $0x1;
	s5 =	sadd.s32 s21, s3  }
0x9d: {  	[timem:s22], [sflag:s6] =	dma.local [hbm:s5], s4  }
0x9e: {  	_ =	swait.ge [sflag:s6], s4  }
0x9f: {  	s4 =	ssub.s32 $0x0, s4;
	[sflag:s6] =	ssyncset.done $0x0  }
0xa0: {  	[sflag:s6] =	ssyncadd.s32 s4;
	_ =	sdelay $0x1  }
0xa1: {  	s23 =	simm.s32 $0x1B8B  }
0xa2: {  	_ =	swait.ge [sflag:s23], $0x1  }
0xa3: {  	[sflag:s23] =	ssyncset.done $0x0  }
0xa4: {  	[sflag:s23] =	ssyncadd.s32 $0xFFFFFFFF  }
0xa5: {  	s4 =	sld [smem:$0x0]  }
0xa6: {  	s5 =	sand.u32 $0xFFFFFFFE, s1  }
0xa7: {  	p0 =	sne.s32 s1, s5  }
0xa8: {  	s5 =	sshll.u32 @p0 s5, $0xE  }
0xa9: {  	s5 =	sadd.s32 @p0 $0x11B8D, s5;
	s6 =	sshll.u32 @p0 s4, $0x11  }
0xaa: {  	s5 =	sor.u32 @p0 s6, s5  }
0xab: {  	[sflag:s5] =	ssyncadd.remote.s32 @p0 $0x1;
	_ =	sdelay $0x1  }
0xac: {  	s5 =	simm.s32 @p0 $0x1B8D  }
0xad: {  	_ =	swait.eq @p0 [sflag:s5], $0x1  }
0xae: {  	[sflag:s5] =	ssyncadd.s32 @p0 $0xFFFFFFFF  }
0xaf: {  	s6 =	sshll.u32 @!p0 s1, $0xE  }
0xb0: {  	s6 =	sor.u32 @!p0 $0x4000, s6;
	s5 =	simm.s32 @!p0 $0x1B8D  }
0xb1: {  	s4 =	sshll.u32 @!p0 s4, $0x11;
	s6 =	sadd.s32 @!p0 $0x11B8D, s6;
	_ =	swait.eq @!p0 [sflag:s5], $0x1  }
0xb2: {  	s4 =	sor.u32 @!p0 s4, s6;
	[sflag:s5] =	ssyncadd.s32 @!p0 $0xFFFFFFFF  }
0xb3: {  	s25 =	simm.s32 $0x1B8E;
	s24 =	sld [smem:$0x3FFE];
	[sflag:s4] =	ssyncadd.remote.s32 @!p0 $0x1  }
0xb4: {  	s26 =	simm.s32 $execute0_lowered;
	[smem:$0x3FD2] =	sst s25  }
0xb5: {  	s5 =	sshll.u32 s26, $0x1;
	_ =	strace $0x80000052;
	[dreg:$0x1] =	wrdreg $0xFFFFFFFF  }
0xb6: {  	s28 =	simm.s32 $_size_execute0_lowered;
	s3 =	sadd.s32 s3, s5;
	[dreg:$0x0] =	wrdreg $0x0  }
0xb7: {  	s5 =	sshll.u32 s28, $0x1;
	[dreg:$0x2] =	wrdreg s3  }
0xb8: {  	[dreg:$0x3] =	wrdreg s5  }
0xb9: {  	[dreg:$0x4] =	wrdreg $0xC0  }
0xba: {  	_ =	task [dreg:s22], $0x5FFFF  }
0xbb: {  	[dreg:$0x1] =	wrdreg $0xFFFFFFFF  }
0xbc: {  	[dreg:$0x0] =	wrdreg $0x60  }
0xbd: {  	[dreg:$0x2] =	wrdreg s24  }
0xbe: {  	[dreg:$0x3] =	wrdreg $0xD  }
0xbf: {  	_ =	task.clear_ibuf [dreg:s22], $0x4FFFF;
	_ =	strace $0x90000052  }
0xc0: {  	s29 =	simm.s32 $0xD;
	_ =	strace $0x80000054  }
0xc1: {  	_ =	swait.ge [sflag:s29], $0x1  }
0xc2: {  	[sflag:s29] =	ssyncadd.s32 $0xFFFFFFFF  }
0xc3: {  	_ =	strace $0x90000054  }
0xc4: {  	_ =	sfence  }
0xc5: {  	s30 =	sld [smem:$0x0];
	_ =	sdelay $0x2  }
0xc6: {  	s31 =	sshll.u32 s1, $0xD;
	s1 =	sshrl.u32 s1, $0x2  }
0xc7: {  	s4 =	sand.u32 $0x4000, s31;
	s1 =	sadd.s32 s1, s30  }
0xc8: {  	s0 =	sor.u32 s4, s0;
	s1 =	sshll.u32 s1, $0x11  }
0xc9: {  	s0 =	sor.u32 s1, s0  }
0xca: {  	s0 =	sadd.s32 $0x8F2B, s0  }
0xcb: {  	[sflag:s0] =	ssyncadd.remote.s32 $0x1  }
0xcc: {  	_ =	sfence.sel $0xFFFF  }
0xcd: {  	[dreg:$0x0] =	wrdreg $0xFFFFFFFF;
	(pc) =	sbr.abs _section_cstart, $3  }
0xce: {  	[dreg:$0x1] =	wrdreg $0xFFFFFFFF  }
0xcf: {  	_ =	task.clear_ibuf [dreg:s22], $0x2FFFF;
	_ =	strace $0x9FFFFFFF  }
0xd0: {  	(tm) =	ssettm $0x7FFFFFFF  }
0xd1: {  	_ =	shalt  }
tec
execute0_lowered:
.L_overlay_start_1:
0x0: {  	(tag) =	ssettag $0x1  }
0x1: {  	s4 =	rddreg [dreg:$0x0]  }
0x2: {  	s0 =	rddreg [dreg:$0x1]  }
0x3: {  	s1 =	stileid.u32;
	s2 =	simm.s32 $0x0;
	s5 =	srdreg.scid  }
0x4: {  	s10 =	simm.s32 $0x1400;
	s11 =	simm.s32 $0x100;
	s12 =	simm.s32 $0x2400  }
0x5: {  	s13 =	simm.s32 $0x180;
	s14 =	simm.s32 $0x3400;
	s15 =	simm.s32 $0x200  }
0x6: {  	s16 =	simm.s32 $0x4400;
	s17 =	simm.s32 $0x280;
	s18 =	simm.s32 $0x5400  }
0x7: {  	s19 =	simm.s32 $0x300;
	s20 =	simm.s32 $0x6400;
	s21 =	simm.s32 $0x380  }
0x8: {  	s22 =	simm.s32 $0x7400;
	s23 =	simm.s32 $0x1;
	s3 =	smul.u32 $0x900, s1  }
0x9: {  	[smem:$0x7FF] =	sst s2;
	s6 =	smul.u32 $0x12000, s1;
	s5 =	sand.u32 $0x1, s5  }
0xa: {  	s24 =	simm.s32 $0x0;
	_ =	strace $0x80000053;
	s7 =	smul.u32 $0x9000, s5  }
0xb: {  	s9 =	ssub.s32 $0x2, s5;
	s5 =	smul.u32 $0x480, s5;
	s8 =	sadd.s32 s3, s4  }
0xc: {  	s3 =	sadd.s32 $0x1C000, s4;
	s4 =	sadd.s32 s6, s4;
	s31 =	sshrl.u32 s9, $0x1  }
0xd: {  	s6 =	ssub.s32 s9, s31;
	s7 =	sadd.s32 s7, s4;
	s8 =	sadd.s32 s5, s8  }
0xe: {  	s9 =	simm.s32 $0x400;
	s4 =	smax.u32 s6, $0x1;
	s5 =	sadd.s32 $0x5D4000, s7  }
0xf: {  	s6 =	sadd.s32 $0x11000, s8;
	s7 =	simm.s32 $0x2;
	s8 =	simm.s32 $0x80  }
.LBB2_1:
0x10: {  	s25 =	sadd.s32 $0x0, s6  }
0x11: {  	[tilespmem:s2], [sflag:$0x2] =	stream.linear.gather [hbm4b:s25+s2], $0x400, $0x38;
	[tilespmem:$0x8400] =	vst v63  }
0x12: {  	_ =	swait.ge [sflag:s7], $0x400  }
0x13: {  	[sflag:s7] =	ssyncset.done $0x0  }
0x14: {  	[sflag:s7] =	ssyncadd.s32 $0xFFFFFC00  }
0x15: {  	[tilespmem:s9], [sflag:$0x1] =	stream.indirect.gather [hbm4b:s3+s8], $0x20, s2, s8, $0xb8;
	[tilespmem:$0x8400] =	vst v63  }
0x16: {  	_ = 	snop  }
0x17: {  	[tilespmem:s10], [sflag:$0x1] =	stream.indirect.gather [hbm4b:s3+s8], $0x20, s8, s8, $0xb8;
	[tilespmem:$0x8400] =	vst v63  }
0x18: {  	_ = 	snop  }
0x19: {  	[tilespmem:s12], [sflag:$0x1] =	stream.indirect.gather [hbm4b:s3+s8], $0x20, s11, s8, $0xb8;
	[tilespmem:$0x8400] =	vst v63  }
0x1a: {  	_ = 	snop  }
0x1b: {  	[tilespmem:s14], [sflag:$0x1] =	stream.indirect.gather [hbm4b:s3+s8], $0x20, s13, s8, $0xb8;
	[tilespmem:$0x8400] =	vst v63  }
0x1c: {  	_ = 	snop  }
0x1d: {  	[tilespmem:s16], [sflag:$0x1] =	stream.indirect.gather [hbm4b:s3+s8], $0x20, s15, s8, $0xb8;
	[tilespmem:$0x8400] =	vst v63  }
0x1e: {  	_ = 	snop  }
0x1f: {  	[tilespmem:s18], [sflag:$0x1] =	stream.indirect.gather [hbm4b:s3+s8], $0x20, s17, s8, $0xb8;
	[tilespmem:$0x8400] =	vst v63  }
0x20: {  	_ = 	snop  }
0x21: {  	[tilespmem:s20], [sflag:$0x1] =	stream.indirect.gather [hbm4b:s3+s8], $0x20, s19, s8, $0xb8;
	[tilespmem:$0x8400] =	vst v63  }
0x22: {  	_ = 	snop  }
0x23: {  	[tilespmem:s22], [sflag:$0x1] =	stream.indirect.gather [hbm4b:s3+s8], $0x20, s21, s8, $0xb8;
	[tilespmem:$0x8400] =	vst v63  }
0x24: {  	_ =	swait.ge [sflag:s23], $0x1000  }
0x25: {  	[sflag:s23] =	ssyncset.done $0x0  }
0x26: {  	[sflag:s23] =	ssyncadd.s32 $0xFFFFF000  }
0x27: {  	_ =	swait.ge [sflag:s23], $0x1000  }
0x28: {  	[sflag:s23] =	ssyncset.done $0x0  }
0x29: {  	[sflag:s23] =	ssyncadd.s32 $0xFFFFF000  }
0x2a: {  	_ =	swait.ge [sflag:s23], $0x1000  }
0x2b: {  	[sflag:s23] =	ssyncset.done $0x0  }
0x2c: {  	[sflag:s23] =	ssyncadd.s32 $0xFFFFF000  }
0x2d: {  	_ =	swait.ge [sflag:s23], $0x1000  }
0x2e: {  	[sflag:s23] =	ssyncset.done $0x0  }
0x2f: {  	[sflag:s23] =	ssyncadd.s32 $0xFFFFF000  }
0x30: {  	_ =	swait.ge [sflag:s23], $0x1000  }
0x31: {  	[sflag:s23] =	ssyncset.done $0x0  }
0x32: {  	[sflag:s23] =	ssyncadd.s32 $0xFFFFF000  }
0x33: {  	_ =	swait.ge [sflag:s23], $0x1000  }
0x34: {  	[sflag:s23] =	ssyncset.done $0x0  }
0x35: {  	[sflag:s23] =	ssyncadd.s32 $0xFFFFF000  }
0x36: {  	_ =	swait.ge [sflag:s23], $0x1000  }
0x37: {  	[sflag:s23] =	ssyncset.done $0x0  }
0x38: {  	[sflag:s23] =	ssyncadd.s32 $0xFFFFF000  }
0x39: {  	_ =	swait.ge [sflag:s23], $0x1000  }
0x3a: {  	[sflag:s23] =	ssyncset.done $0x0  }
0x3b: {  	[sflag:s23] =	ssyncadd.s32 $0xFFFFF000  }
0x3c: {  	[hbm4b:s5+s2] =	stream.linear.scatter [tilespmem:s9], [sflag:$0x2], $0x8000, $0x38;
	[tilespmem:$0x8400] =	vst v63  }
0x3d: {  	s26 =	simm.s32 $0x80;
	_ =	swait.ge [sflag:s7], $0x8000  }
0x3e: {  	s29 =	simm.s32 $0x100;
	s25 =	sadd.s32 $0x1000, s5;
	[sflag:s7] =	ssyncset.done $0x0  }
.LBB2_2:
0x3f: {  	s30 =	sadd.s32 s26, s6  }
0x40: {  	[sflag:s7] =	ssyncadd.s32 $0xFFFF8000;
	s26 =	smov.u32 s29;
	s28 =	sadd.s32 $0x80, s29  }
0x41: {  	[tilespmem:s2], [sflag:$0x2] =	stream.linear.gather [hbm4b:s30+s2], $0x400, $0x38;
	[tilespmem:$0x8400] =	vst v63  }
0x42: {  	p0 =	sne.s32 s29, $0x400;
	_ =	swait.ge [sflag:s7], $0x400  }
0x43: {  	[sflag:s7] =	ssyncset.done $0x0  }
0x44: {  	[sflag:s7] =	ssyncadd.s32 $0xFFFFFC00  }
0x45: {  	[tilespmem:s9], [sflag:$0x1] =	stream.indirect.gather [hbm4b:s3+s8], $0x20, s2, s8, $0xb8;
	[tilespmem:$0x8400] =	vst v63  }
0x46: {  	_ = 	snop  }
0x47: {  	[tilespmem:s10], [sflag:$0x1] =	stream.indirect.gather [hbm4b:s3+s8], $0x20, s8, s8, $0xb8;
	[tilespmem:$0x8400] =	vst v63  }
0x48: {  	_ = 	snop  }
0x49: {  	[tilespmem:s12], [sflag:$0x1] =	stream.indirect.gather [hbm4b:s3+s8], $0x20, s11, s8, $0xb8;
	[tilespmem:$0x8400] =	vst v63  }
0x4a: {  	_ = 	snop  }
0x4b: {  	[tilespmem:s14], [sflag:$0x1] =	stream.indirect.gather [hbm4b:s3+s8], $0x20, s13, s8, $0xb8;
	[tilespmem:$0x8400] =	vst v63  }
0x4c: {  	_ = 	snop  }
0x4d: {  	[tilespmem:s16], [sflag:$0x1] =	stream.indirect.gather [hbm4b:s3+s8], $0x20, s15, s8, $0xb8;
	[tilespmem:$0x8400] =	vst v63  }
0x4e: {  	_ = 	snop  }
0x4f: {  	[tilespmem:s18], [sflag:$0x1] =	stream.indirect.gather [hbm4b:s3+s8], $0x20, s17, s8, $0xb8;
	[tilespmem:$0x8400] =	vst v63  }
0x50: {  	_ = 	snop  }
0x51: {  	[tilespmem:s20], [sflag:$0x1] =	stream.indirect.gather [hbm4b:s3+s8], $0x20, s19, s8, $0xb8;
	[tilespmem:$0x8400] =	vst v63  }
0x52: {  	_ = 	snop  }
0x53: {  	[tilespmem:s22], [sflag:$0x1] =	stream.indirect.gather [hbm4b:s3+s8], $0x20, s21, s8, $0xb8;
	[tilespmem:$0x8400] =	vst v63  }
0x54: {  	_ =	swait.ge [sflag:s23], $0x1000  }
0x55: {  	[sflag:s23] =	ssyncset.done $0x0  }
0x56: {  	[sflag:s23] =	ssyncadd.s32 $0xFFFFF000  }
0x57: {  	_ =	swait.ge [sflag:s23], $0x1000  }
0x58: {  	[sflag:s23] =	ssyncset.done $0x0  }
0x59: {  	[sflag:s23] =	ssyncadd.s32 $0xFFFFF000  }
0x5a: {  	_ =	swait.ge [sflag:s23], $0x1000  }
0x5b: {  	[sflag:s23] =	ssyncset.done $0x0  }
0x5c: {  	[sflag:s23] =	ssyncadd.s32 $0xFFFFF000  }
0x5d: {  	_ =	swait.ge [sflag:s23], $0x1000  }
0x5e: {  	[sflag:s23] =	ssyncset.done $0x0  }
0x5f: {  	[sflag:s23] =	ssyncadd.s32 $0xFFFFF000  }
0x60: {  	_ =	swait.ge [sflag:s23], $0x1000  }
0x61: {  	[sflag:s23] =	ssyncset.done $0x0  }
0x62: {  	[sflag:s23] =	ssyncadd.s32 $0xFFFFF000  }
0x63: {  	_ =	swait.ge [sflag:s23], $0x1000  }
0x64: {  	[sflag:s23] =	ssyncset.done $0x0  }
0x65: {  	[sflag:s23] =	ssyncadd.s32 $0xFFFFF000  }
0x66: {  	_ =	swait.ge [sflag:s23], $0x1000  }
0x67: {  	[sflag:s23] =	ssyncset.done $0x0  }
0x68: {  	[sflag:s23] =	ssyncadd.s32 $0xFFFFF000  }
0x69: {  	_ =	swait.ge [sflag:s23], $0x1000  }
.Ltmp0:
0x6a: {  	[sflag:s23] =	ssyncset.done $0x0;
	(pc) =	sbr.rel @p0 .LBB2_2-.Ltmp0, $4  }
0x6b: {  	[sflag:s23] =	ssyncadd.s32 $0xFFFFF000  }
0x6c: {  	[hbm4b:s25+s2] =	stream.linear.scatter [tilespmem:s9], [sflag:$0x2], $0x8000, $0x38;
	[tilespmem:$0x8400] =	vst v63  }
0x6d: {  	_ =	swait.ge [sflag:s7], $0x8000  }
0x6e: {  	s29 =	smov.u32 s28;
	s25 =	sadd.s32 $0x1000, s25;
	[sflag:s7] =	ssyncset.done $0x0  }
0x6f: {  	s26 =	sadd.s32 s26, s6;
	[sflag:s7] =	ssyncadd.s32 $0xFFFF8000  }
0x70: {  	[tilespmem:s2], [sflag:$0x2] =	stream.linear.gather [hbm4b:s26+s2], $0x400, $0x38;
	[tilespmem:$0x8400] =	vst v63  }
0x71: {  	_ =	swait.ge [sflag:s7], $0x400  }
0x72: {  	[sflag:s7] =	ssyncset.done $0x0  }
0x73: {  	[sflag:s7] =	ssyncadd.s32 $0xFFFFFC00  }
0x74: {  	[tilespmem:s9], [sflag:$0x1] =	stream.indirect.gather [hbm4b:s3+s8], $0x20, s2, s8, $0xb8;
	[tilespmem:$0x8400] =	vst v63  }
0x75: {  	_ = 	snop  }
0x76: {  	[tilespmem:s10], [sflag:$0x1] =	stream.indirect.gather [hbm4b:s3+s8], $0x20, s8, s8, $0xb8;
	[tilespmem:$0x8400] =	vst v63  }
0x77: {  	_ = 	snop  }
0x78: {  	[tilespmem:s12], [sflag:$0x1] =	stream.indirect.gather [hbm4b:s3+s8], $0x20, s11, s8, $0xb8;
	[tilespmem:$0x8400] =	vst v63  }
0x79: {  	_ = 	snop  }
0x7a: {  	[tilespmem:s14], [sflag:$0x1] =	stream.indirect.gather [hbm4b:s3+s8], $0x20, s13, s8, $0xb8;
	[tilespmem:$0x8400] =	vst v63  }
0x7b: {  	_ = 	snop  }
0x7c: {  	[tilespmem:s16], [sflag:$0x1] =	stream.indirect.gather [hbm4b:s3+s8], $0x20, s15, s8, $0xb8;
	[tilespmem:$0x8400] =	vst v63  }
0x7d: {  	_ = 	snop  }
0x7e: {  	[tilespmem:s18], [sflag:$0x1] =	stream.indirect.gather [hbm4b:s3+s8], $0x20, s17, s8, $0xb8;
	[tilespmem:$0x8400] =	vst v63  }
0x7f: {  	_ = 	snop  }
0x80: {  	[tilespmem:s20], [sflag:$0x1] =	stream.indirect.gather [hbm4b:s3+s8], $0x20, s19, s8, $0xb8;
	[tilespmem:$0x8400] =	vst v63  }
0x81: {  	_ = 	snop  }
0x82: {  	[tilespmem:s22], [sflag:$0x1] =	stream.indirect.gather [hbm4b:s3+s8], $0x20, s21, s8, $0xb8;
	[tilespmem:$0x8400] =	vst v63  }
0x83: {  	_ =	swait.ge [sflag:s23], $0x1000  }
0x84: {  	[sflag:s23] =	ssyncset.done $0x0  }
0x85: {  	[sflag:s23] =	ssyncadd.s32 $0xFFFFF000  }
0x86: {  	_ =	swait.ge [sflag:s23], $0x1000  }
0x87: {  	[sflag:s23] =	ssyncset.done $0x0  }
0x88: {  	[sflag:s23] =	ssyncadd.s32 $0xFFFFF000  }
0x89: {  	_ =	swait.ge [sflag:s23], $0x1000  }
0x8a: {  	[sflag:s23] =	ssyncset.done $0x0  }
0x8b: {  	[sflag:s23] =	ssyncadd.s32 $0xFFFFF000  }
0x8c: {  	_ =	swait.ge [sflag:s23], $0x1000  }
0x8d: {  	[sflag:s23] =	ssyncset.done $0x0  }
0x8e: {  	[sflag:s23] =	ssyncadd.s32 $0xFFFFF000  }
0x8f: {  	_ =	swait.ge [sflag:s23], $0x1000  }
0x90: {  	[sflag:s23] =	ssyncset.done $0x0  }
0x91: {  	[sflag:s23] =	ssyncadd.s32 $0xFFFFF000  }
0x92: {  	_ =	swait.ge [sflag:s23], $0x1000  }
0x93: {  	[sflag:s23] =	ssyncset.done $0x0  }
0x94: {  	[sflag:s23] =	ssyncadd.s32 $0xFFFFF000  }
0x95: {  	_ =	swait.ge [sflag:s23], $0x1000  }
0x96: {  	[sflag:s23] =	ssyncset.done $0x0  }
0x97: {  	[sflag:s23] =	ssyncadd.s32 $0xFFFFF000  }
0x98: {  	s24 =	sadd.s32 $0x1, s24;
	_ =	swait.ge [sflag:s23], $0x1000  }
0x99: {  	p0 =	sne.s32 s24, s4;
	[sflag:s23] =	ssyncset.done $0x0  }
.Ltmp1:
0x9a: {  	[sflag:s23] =	ssyncadd.s32 $0xFFFFF000;
	(pc) =	sbr.rel @p0 .LBB2_1-.Ltmp1, $4  }
0x9b: {  	[hbm4b:s25+s2] =	stream.linear.scatter [tilespmem:s9], [sflag:$0x2], $0x8000, $0x38;
	[tilespmem:$0x8400] =	vst v63  }
0x9c: {  	_ =	swait.ge [sflag:s7], $0x8000  }
0x9d: {  	[sflag:s7] =	ssyncset.done $0x0  }
0x9e: {  	[sflag:s7] =	ssyncadd.s32 $0xFFFF8000  }
0x9f: {  	_ =	sfence.sel $0x180000  }
0xa0: {  	[bflag:$0x0] =	sbarrier.arrive $0xFFFF  }
0xa1: {  	p0 =	sne.s32 s1, $0x0;
	_ =	strace $0x90000053  }
0xa2: {  	s0 =	sadd.s32 @!p0 $0x100000, s0;
	[bflag:$0x2] =	sbarrier.arrive $0xFFFF  }
0xa3: {  	[sflag:s0] =	ssyncadd.tile.s32 @!p0 $0x1;
	_ =	shalt  }
.Lfunc_end2:
_tile_overlayer_lowered:
.L_overlay_start_2:
0xa4: {  	(tag) =	ssettag $0x2  }
0xa5: {  	s0 =	rddreg [dreg:$0x0];
	s2 =	stileid.u32  }
0xa6: {  	s1 =	rddreg [dreg:$0x1];
	p0 =	sne.s32 s2, $0x0  }
0xa7: {  	s3 =	rddreg [dreg:$0x2];
	[bflag:$0x3] =	sbarrier.arrive $0xFFFF;
	s2 =	simm.s32 @!p0 $0x1C02  }
0xa8: {  	[timem:s3], [sflag:s2] =	dma.local @!p0 [hbm:s0], s1  }
0xa9: {  	s0 =	simm.s32 @!p0 $0x2  }
0xaa: {  	_ =	swait.ge @!p0 [sflag:s0], s1  }
0xab: {  	s1 =	ssub.s32 @!p0 $0x0, s1;
	[sflag:s0] =	ssyncset.done @!p0 $0x0  }
0xac: {  	[sflag:s0] =	ssyncadd.s32 @!p0 s1  }
0xad: {  	[bflag:$0x3] =	sbarrier.arrive $0xFFFF  }
0xae: {  	_ =	shalt  }

</sc_bundles>
